<compile_context>
chip_gen: v7x
topology: tpu7x:2x2x1
jax: 0.10.2.dev20260603
libtpu: 0.0.44.dev20260713+nightly
codegen_flags: <defaults>
</compile_context>

<pallas_src>
import functools

import jax
import jax.numpy as jnp
from jax import lax
from jax.experimental import pallas as pl
from jax.experimental.pallas import tpu as pltpu
from jax.experimental.pallas import tpu_sc as plsc

D_MODEL = 1024
MEMORY_SIZE = 100000
NUM_HEADS = 4

_NC = 2
_NS = 16
_NW = _NC * _NS

_CHUNK = 32
_NBUF = 3


def _make_sc_gather(n_rows):
    rows_per_w = n_rows // _NW
    n_chunks = rows_per_w // _CHUNK
    depth = _NBUF - 1

    def _gather_body(table_hbm, idx_hbm, out_hbm, idx_v, *scr):
        bufs = scr[:_NBUF]
        gsems = scr[_NBUF:2 * _NBUF]
        osems = scr[2 * _NBUF:]
        wid = lax.axis_index("s") * _NC + lax.axis_index("c")
        base = wid * rows_per_w
        pltpu.sync_copy(idx_hbm.at[pl.ds(base, rows_per_w)], idx_v)

        def _start_gather(j):
            b = j % _NBUF
            return pltpu.async_copy(
                table_hbm.at[idx_v.at[pl.ds(j * _CHUNK, _CHUNK)]],
                bufs[b], gsems[b])

        gathers = [None] * _NBUF
        out_copies = [None] * _NBUF
        for j in range(min(depth, n_chunks)):
            gathers[j % _NBUF] = _start_gather(j)
        for i in range(n_chunks):
            b = i % _NBUF
            gathers[b].wait()
            gathers[b] = None
            out_copies[b] = pltpu.async_copy(
                bufs[b], out_hbm.at[pl.ds(base + i * _CHUNK, _CHUNK)],
                osems[b])
            j = i + depth
            if j < n_chunks:
                bj = j % _NBUF
                if out_copies[bj] is not None:
                    out_copies[bj].wait()
                    out_copies[bj] = None
                gathers[bj] = _start_gather(j)
        for oc in out_copies:
            if oc is not None:
                oc.wait()

    return functools.partial(
        pl.kernel,
        out_type=jax.ShapeDtypeStruct((n_rows, D_MODEL), jnp.float32),
        mesh=plsc.VectorSubcoreMesh(core_axis_name="c", subcore_axis_name="s"),
        scratch_types=[
            pltpu.VMEM((rows_per_w,), jnp.int32),
        ] + [pltpu.VMEM((_CHUNK, D_MODEL), jnp.float32)] * _NBUF
          + [pltpu.SemaphoreType.DMA] * (2 * _NBUF),
    )(_gather_body)


_sc_gather = _make_sc_gather(NUM_HEADS * 4 * 2048)


_BT = 512


def _mm_body(g_ref, mh0, mh1, mh2, mh3, w_ref, b_ref, h_ref, o_ref):
    g = g_ref[0]
    acc = None
    for hd, mh in enumerate((mh0, mh1, mh2, mh3)):
        part = lax.dot_general(
            mh[...].astype(jnp.bfloat16),
            w_ref[:, hd * D_MODEL:(hd + 1) * D_MODEL],
            (((1,), (1,)), ((), ())),
            preferred_element_type=jnp.float32,
        )
        acc = part if acc is None else acc + part
    o_ref[...] = (1.0 - g) * h_ref[...] + g * (acc + b_ref[...])


def _tc_project(multi, w16, b2, hidden2d, gate):
    t = hidden2d.shape[0]
    nblk = t // _BT
    mh_specs = [
        pl.BlockSpec((_BT, D_MODEL), lambda i, hd=hd: (hd * nblk + i, 0))
        for hd in range(NUM_HEADS)
    ]
    return pl.pallas_call(
        _mm_body,
        grid=(nblk,),
        in_specs=[
            pl.BlockSpec(memory_space=pltpu.SMEM),
            *mh_specs,
            pl.BlockSpec((D_MODEL, NUM_HEADS * D_MODEL), lambda i: (0, 0)),
            pl.BlockSpec((1, D_MODEL), lambda i: (0, 0)),
            pl.BlockSpec((_BT, D_MODEL), lambda i: (i, 0)),
        ],
        out_specs=pl.BlockSpec((_BT, D_MODEL), lambda i: (i, 0)),
        out_shape=jax.ShapeDtypeStruct((t, D_MODEL), jnp.float32),
        compiler_params=pltpu.CompilerParams(
            dimension_semantics=("arbitrary",),
        ),
    )(gate, multi, multi, multi, multi, w16, b2, hidden2d)


def kernel(hidden_states, input_ids, memory_table, hash_coeffs, W, b, gate):
    bsz, seq, d = hidden_states.shape
    h = hash_coeffs.shape[0]
    t = bsz * seq

    ids_f = input_ids.reshape(-1)[None, :].astype(jnp.float32)
    idx = ((ids_f * hash_coeffs[:, None]) % MEMORY_SIZE).astype(jnp.int32)
    flat_idx = idx.reshape(-1)

    w16 = W.astype(jnp.bfloat16)
    b2 = b.reshape(1, d)
    hidden2d = hidden_states.reshape(t, d)

    multi = _sc_gather(memory_table, flat_idx)
    out = _tc_project(multi, w16, b2, hidden2d, gate)
    return out.reshape(bsz, seq, d)

# --- scband reference (transcript-rebuilt; emitter-appended) ---
"""Pipeline reference for scband-pre-populated-engram-module-16527034155678 (READ-ONLY COPY).

The authoritative reference and input builder live on the scoring server;
editing this copy changes nothing except your own understanding.
"""

import jax, jax.numpy as jnp
import numpy as np

D_MODEL = 1024
MEMORY_SIZE = 100000
NUM_HEADS = 4
BATCH = 4
SEQ = 2048
VOCAB = 50000


def setup_inputs(seed: int = 0) -> dict:
    key = jax.random.key(seed)
    k1, k2, k3, k4, k5, k6 = jax.random.split(key, 6)
    hidden_states = jax.random.normal(k1, (BATCH, SEQ, D_MODEL), dtype=jnp.float32)
    input_ids = jax.random.randint(k2, (BATCH, SEQ), 0, VOCAB, dtype=jnp.int32)
    memory_table = jax.random.normal(k3, (MEMORY_SIZE, D_MODEL), dtype=jnp.float32) * 0.02
    hash_coeffs = jax.random.randint(k4, (NUM_HEADS,), 1, MEMORY_SIZE, dtype=jnp.int32).astype(jnp.float32)
    W = jax.random.normal(k5, (D_MODEL, D_MODEL * NUM_HEADS), dtype=jnp.float32) * 0.01
    b = jax.random.normal(k6, (D_MODEL,), dtype=jnp.float32) * 0.01
    gate = jnp.array([0.1], dtype=jnp.float32)
    return {
        "hidden_states": hidden_states,
        "input_ids": input_ids,
        "memory_table": memory_table,
        "hash_coeffs": hash_coeffs,
        "W": W,
        "b": b,
        "gate": gate,
    }


def reference(hidden_states, input_ids, memory_table, hash_coeffs, W, b, gate):
    # Multi-head hashing: token_ids (float) * coeffs mod memory_size, then cast to int
    ids_f = input_ids[..., None].astype(jnp.float32)  # [B, S, 1]
    hash_indices = (ids_f * hash_coeffs[None, None, :]) % MEMORY_SIZE  # [B, S, H]
    hash_indices = hash_indices.astype(jnp.int32)
    retrieved = []
    for head in range(NUM_HEADS):
        head_idx = hash_indices[:, :, head]  # [B, S]
        head_memory = jnp.take(memory_table, head_idx, axis=0)  # [B, S, D]
        retrieved.append(head_memory)
    multi_head = jnp.concatenate(retrieved, axis=-1)  # [B, S, D*H]
    memory_output = multi_head @ W.T + b  # [B, S, D]
    output = (1.0 - gate) * hidden_states + gate * memory_output
    return output

if __name__ == "__main__":
    import jax
    _d = setup_inputs()
    print(jax.jit(kernel)(*tuple(_d.values())))

</pallas_src>

<mosaic_0001>
#map = affine_map<(d0, d1) -> (0, 0)>
#map1 = affine_map<(d0, d1) -> (0)>
module attributes {stable_mosaic.version = 14 : i64} {
  func.func @_gather_body(%arg0: i32, %arg1: i32, %arg2: memref<100000x1024xf32, #tpu.memory_space<hbm>>, %arg3: memref<32768xi32, #tpu.memory_space<hbm>>, %arg4: memref<32768x1024xf32, #tpu.memory_space<hbm>>, %arg5: memref<1024xi32, #tpu.memory_space<vmem>>, %arg6: memref<32x1024xf32, #tpu.memory_space<vmem>>, %arg7: memref<32x1024xf32, #tpu.memory_space<vmem>>, %arg8: memref<32x1024xf32, #tpu.memory_space<vmem>>, %arg9: memref<!tpu.dma_semaphore, #tpu.memory_space<semaphore_mem>>, %arg10: memref<!tpu.dma_semaphore, #tpu.memory_space<semaphore_mem>>, %arg11: memref<!tpu.dma_semaphore, #tpu.memory_space<semaphore_mem>>, %arg12: memref<!tpu.dma_semaphore, #tpu.memory_space<semaphore_mem>>, %arg13: memref<!tpu.dma_semaphore, #tpu.memory_space<semaphore_mem>>, %arg14: memref<!tpu.dma_semaphore, #tpu.memory_space<semaphore_mem>>) attributes {dimension_semantics = [#tpu.dimension_semantics<core_parallel>, #tpu.dimension_semantics<subcore_parallel>], iteration_bounds = array<i64: 2, 16>, scalar_prefetch = 0 : i64, scratch_operands = 10 : i64, tpu.core_type = #tpu.core_type<sc_vector_subcore>, window_params = [{transform_indices = #map}, {transform_indices = #map1}, {transform_indices = #map}]} {
    %mul3A = arith.constant 2 : i32
    %mul3A_0 = arith.muli %arg1, %mul3A : i32
    %add3A = arith.addi %mul3A_0, %arg0 : i32
    %mul3A_1 = arith.constant 1024 : i32
    %mul3A_2 = arith.muli %add3A, %mul3A_1 : i32
    "tpu.region"() ({
      %run_scoped3A = tpu.sem_alloc : memref<!tpu.dma_semaphore, #tpu.memory_space<semaphore_mem>>
      %dma_start3A_641 = tpu.memref_slice %arg3[%mul3A_2] : memref<32768xi32, #tpu.memory_space<hbm>> -> memref<1024xi32, #tpu.memory_space<hbm>>
      %dma_start3A_642 = tpu.memref_slice %arg3[%mul3A_2] : memref<32768xi32, #tpu.memory_space<hbm>> -> memref<1024xi32, #tpu.memory_space<hbm>>
      tpu.enqueue_dma source(%dma_start3A_642 : memref<1024xi32, #tpu.memory_space<hbm>>) target(%arg5 : memref<1024xi32, #tpu.memory_space<vmem>>) target_semaphore(%run_scoped3A : memref<!tpu.dma_semaphore, #tpu.memory_space<semaphore_mem>>)
      %dma_wait3A_643 = tpu.memref_slice %arg3[%mul3A_2] : memref<32768xi32, #tpu.memory_space<hbm>> -> memref<1024xi32, #tpu.memory_space<hbm>>
      %dma_wait3A_644 = tpu.memref_slice %arg3[%mul3A_2] : memref<32768xi32, #tpu.memory_space<hbm>> -> memref<1024xi32, #tpu.memory_space<hbm>>
      tpu.wait_dma2 semaphore(%run_scoped3A : memref<!tpu.dma_semaphore, #tpu.memory_space<semaphore_mem>>) src(%dma_wait3A_644 : memref<1024xi32, #tpu.memory_space<hbm>>) dst(%arg5 : memref<1024xi32, #tpu.memory_space<vmem>>)
      tpu.yield
    }) : () -> ()
    %dma_start3A = arith.constant 0 : i32
    %dma_start3A_3 = tpu.memref_slice %arg5[%dma_start3A] : memref<1024xi32, #tpu.memory_space<vmem>> -> memref<32xi32, #tpu.memory_space<vmem>>
    %dma_start3A_4 = arith.constant 0 : i32
    %dma_start3A_5 = arith.constant 0 : i32
    %dma_start3A_6 = tpu.memref_slice %arg2[%dma_start3A_4, %dma_start3A_5] : memref<100000x1024xf32, #tpu.memory_space<hbm>> -> memref<100000x1024xf32, #tpu.memory_space<hbm>>
    tpu.enqueue_indirect_dma source(%dma_start3A_6 : memref<100000x1024xf32, #tpu.memory_space<hbm>>) target(%arg6 : memref<32x1024xf32, #tpu.memory_space<vmem>>) offsets(%dma_start3A_3 : memref<32xi32, #tpu.memory_space<vmem>>) semaphore(%arg9 : memref<!tpu.dma_semaphore, #tpu.memory_space<semaphore_mem>>)
    %dma_start3A_7 = arith.constant 32 : i32
    %dma_start3A_8 = tpu.memref_slice %arg5[%dma_start3A_7] : memref<1024xi32, #tpu.memory_space<vmem>> -> memref<32xi32, #tpu.memory_space<vmem>>
    %dma_start3A_9 = arith.constant 0 : i32
    %dma_start3A_10 = arith.constant 0 : i32
    %dma_start3A_11 = tpu.memref_slice %arg2[%dma_start3A_9, %dma_start3A_10] : memref<100000x1024xf32, #tpu.memory_space<hbm>> -> memref<100000x1024xf32, #tpu.memory_space<hbm>>
    tpu.enqueue_indirect_dma source(%dma_start3A_11 : memref<100000x1024xf32, #tpu.memory_space<hbm>>) target(%arg7 : memref<32x1024xf32, #tpu.memory_space<vmem>>) offsets(%dma_start3A_8 : memref<32xi32, #tpu.memory_space<vmem>>) semaphore(%arg10 : memref<!tpu.dma_semaphore, #tpu.memory_space<semaphore_mem>>)
    %dma_wait3A = arith.constant 0 : i32
    %dma_wait3A_12 = tpu.memref_slice %arg5[%dma_wait3A] : memref<1024xi32, #tpu.memory_space<vmem>> -> memref<32xi32, #tpu.memory_space<vmem>>
    %dma_wait3A_13 = arith.constant 0 : i32
    %dma_wait3A_14 = arith.constant 0 : i32
    %dma_wait3A_15 = tpu.memref_slice %arg2[%dma_wait3A_13, %dma_wait3A_14] : memref<100000x1024xf32, #tpu.memory_space<hbm>> -> memref<100000x1024xf32, #tpu.memory_space<hbm>>
    tpu.wait_indirect_dma semaphore(%arg9 : memref<!tpu.dma_semaphore, #tpu.memory_space<semaphore_mem>>) src(%dma_wait3A_15 : memref<100000x1024xf32, #tpu.memory_space<hbm>>) dst(%arg6 : memref<32x1024xf32, #tpu.memory_space<vmem>>)
    %add3A_16 = arith.constant 0 : i32
    %add3A_17 = arith.addi %mul3A_2, %add3A_16 : i32
    %dma_start3A_18 = arith.constant 0 : i32
    %dma_start3A_19 = tpu.memref_slice %arg4[%add3A_17, %dma_start3A_18] : memref<32768x1024xf32, #tpu.memory_space<hbm>> -> memref<32x1024xf32, #tpu.memory_space<hbm>>
    %dma_start3A_20 = arith.constant 0 : i32
    %dma_start3A_21 = tpu.memref_slice %arg4[%add3A_17, %dma_start3A_20] : memref<32768x1024xf32, #tpu.memory_space<hbm>> -> memref<32x1024xf32, #tpu.memory_space<hbm>>
    tpu.enqueue_dma source(%arg6 : memref<32x1024xf32, #tpu.memory_space<vmem>>) target(%dma_start3A_21 : memref<32x1024xf32, #tpu.memory_space<hbm>>) target_semaphore(%arg12 : memref<!tpu.dma_semaphore, #tpu.memory_space<semaphore_mem>>)
    %dma_start3A_22 = arith.constant 64 : i32
    %dma_start3A_23 = tpu.memref_slice %arg5[%dma_start3A_22] : memref<1024xi32, #tpu.memory_space<vmem>> -> memref<32xi32, #tpu.memory_space<vmem>>
    %dma_start3A_24 = arith.constant 0 : i32
    %dma_start3A_25 = arith.constant 0 : i32
    %dma_start3A_26 = tpu.memref_slice %arg2[%dma_start3A_24, %dma_start3A_25] : memref<100000x1024xf32, #tpu.memory_space<hbm>> -> memref<100000x1024xf32, #tpu.memory_space<hbm>>
    tpu.enqueue_indirect_dma source(%dma_start3A_26 : memref<100000x1024xf32, #tpu.memory_space<hbm>>) target(%arg8 : memref<32x1024xf32, #tpu.memory_space<vmem>>) offsets(%dma_start3A_23 : memref<32xi32, #tpu.memory_space<vmem>>) semaphore(%arg11 : memref<!tpu.dma_semaphore, #tpu.memory_space<semaphore_mem>>)
    %dma_wait3A_27 = arith.constant 32 : i32
    %dma_wait3A_28 = tpu.memref_slice %arg5[%dma_wait3A_27] : memref<1024xi32, #tpu.memory_space<vmem>> -> memref<32xi32, #tpu.memory_space<vmem>>
    %dma_wait3A_29 = arith.constant 0 : i32
    %dma_wait3A_30 = arith.constant 0 : i32
    %dma_wait3A_31 = tpu.memref_slice %arg2[%dma_wait3A_29, %dma_wait3A_30] : memref<100000x1024xf32, #tpu.memory_space<hbm>> -> memref<100000x1024xf32, #tpu.memory_space<hbm>>
    tpu.wait_indirect_dma semaphore(%arg10 : memref<!tpu.dma_semaphore, #tpu.memory_space<semaphore_mem>>) src(%dma_wait3A_31 : memref<100000x1024xf32, #tpu.memory_space<hbm>>) dst(%arg7 : memref<32x1024xf32, #tpu.memory_space<vmem>>)
    %add3A_32 = arith.constant 32 : i32
    %add3A_33 = arith.addi %mul3A_2, %add3A_32 : i32
    %dma_start3A_34 = arith.constant 0 : i32
    %dma_start3A_35 = tpu.memref_slice %arg4[%add3A_33, %dma_start3A_34] : memref<32768x1024xf32, #tpu.memory_space<hbm>> -> memref<32x1024xf32, #tpu.memory_space<hbm>>
    %dma_start3A_36 = arith.constant 0 : i32
    %dma_start3A_37 = tpu.memref_slice %arg4[%add3A_33, %dma_start3A_36] : memref<32768x1024xf32, #tpu.memory_space<hbm>> -> memref<32x1024xf32, #tpu.memory_space<hbm>>
    tpu.enqueue_dma source(%arg7 : memref<32x1024xf32, #tpu.memory_space<vmem>>) target(%dma_start3A_37 : memref<32x1024xf32, #tpu.memory_space<hbm>>) target_semaphore(%arg13 : memref<!tpu.dma_semaphore, #tpu.memory_space<semaphore_mem>>)
    %dma_wait3A_38 = arith.constant 0 : i32
    %dma_wait3A_39 = tpu.memref_slice %arg4[%add3A_17, %dma_wait3A_38] : memref<32768x1024xf32, #tpu.memory_space<hbm>> -> memref<32x1024xf32, #tpu.memory_space<hbm>>
    %dma_wait3A_40 = arith.constant 0 : i32
    %dma_wait3A_41 = tpu.memref_slice %arg4[%add3A_17, %dma_wait3A_40] : memref<32768x1024xf32, #tpu.memory_space<hbm>> -> memref<32x1024xf32, #tpu.memory_space<hbm>>
    tpu.wait_dma2 semaphore(%arg12 : memref<!tpu.dma_semaphore, #tpu.memory_space<semaphore_mem>>) src(%arg6 : memref<32x1024xf32, #tpu.memory_space<vmem>>) dst(%dma_wait3A_41 : memref<32x1024xf32, #tpu.memory_space<hbm>>)
    %dma_start3A_42 = arith.constant 96 : i32
    %dma_start3A_43 = tpu.memref_slice %arg5[%dma_start3A_42] : memref<1024xi32, #tpu.memory_space<vmem>> -> memref<32xi32, #tpu.memory_space<vmem>>
    %dma_start3A_44 = arith.constant 0 : i32
    %dma_start3A_45 = arith.constant 0 : i32
    %dma_start3A_46 = tpu.memref_slice %arg2[%dma_start3A_44, %dma_start3A_45] : memref<100000x1024xf32, #tpu.memory_space<hbm>> -> memref<100000x1024xf32, #tpu.memory_space<hbm>>
    tpu.enqueue_indirect_dma source(%dma_start3A_46 : memref<100000x1024xf32, #tpu.memory_space<hbm>>) target(%arg6 : memref<32x1024xf32, #tpu.memory_space<vmem>>) offsets(%dma_start3A_43 : memref<32xi32, #tpu.memory_space<vmem>>) semaphore(%arg9 : memref<!tpu.dma_semaphore, #tpu.memory_space<semaphore_mem>>)
    %dma_wait3A_47 = arith.constant 64 : i32
    %dma_wait3A_48 = tpu.memref_slice %arg5[%dma_wait3A_47] : memref<1024xi32, #tpu.memory_space<vmem>> -> memref<32xi32, #tpu.memory_space<vmem>>
    %dma_wait3A_49 = arith.constant 0 : i32
    %dma_wait3A_50 = arith.constant 0 : i32
    %dma_wait3A_51 = tpu.memref_slice %arg2[%dma_wait3A_49, %dma_wait3A_50] : memref<100000x1024xf32, #tpu.memory_space<hbm>> -> memref<100000x1024xf32, #tpu.memory_space<hbm>>
    tpu.wait_indirect_dma semaphore(%arg11 : memref<!tpu.dma_semaphore, #tpu.memory_space<semaphore_mem>>) src(%dma_wait3A_51 : memref<100000x1024xf32, #tpu.memory_space<hbm>>) dst(%arg8 : memref<32x1024xf32, #tpu.memory_space<vmem>>)
    %add3A_52 = arith.constant 64 : i32
    %add3A_53 = arith.addi %mul3A_2, %add3A_52 : i32
    %dma_start3A_54 = arith.constant 0 : i32
    %dma_start3A_55 = tpu.memref_slice %arg4[%add3A_53, %dma_start3A_54] : memref<32768x1024xf32, #tpu.memory_space<hbm>> -> memref<32x1024xf32, #tpu.memory_space<hbm>>
    %dma_start3A_56 = arith.constant 0 : i32
    %dma_start3A_57 = tpu.memref_slice %arg4[%add3A_53, %dma_start3A_56] : memref<32768x1024xf32, #tpu.memory_space<hbm>> -> memref<32x1024xf32, #tpu.memory_space<hbm>>
    tpu.enqueue_dma source(%arg8 : memref<32x1024xf32, #tpu.memory_space<vmem>>) target(%dma_start3A_57 : memref<32x1024xf32, #tpu.memory_space<hbm>>) target_semaphore(%arg14 : memref<!tpu.dma_semaphore, #tpu.memory_space<semaphore_mem>>)
    %dma_wait3A_58 = arith.constant 0 : i32
    %dma_wait3A_59 = tpu.memref_slice %arg4[%add3A_33, %dma_wait3A_58] : memref<32768x1024xf32, #tpu.memory_space<hbm>> -> memref<32x1024xf32, #tpu.memory_space<hbm>>
    %dma_wait3A_60 = arith.constant 0 : i32
    %dma_wait3A_61 = tpu.memref_slice %arg4[%add3A_33, %dma_wait3A_60] : memref<32768x1024xf32, #tpu.memory_space<hbm>> -> memref<32x1024xf32, #tpu.memory_space<hbm>>
    tpu.wait_dma2 semaphore(%arg13 : memref<!tpu.dma_semaphore, #tpu.memory_space<semaphore_mem>>) src(%arg7 : memref<32x1024xf32, #tpu.memory_space<vmem>>) dst(%dma_wait3A_61 : memref<32x1024xf32, #tpu.memory_space<hbm>>)
    %dma_start3A_62 = arith.constant 128 : i32
    %dma_start3A_63 = tpu.memref_slice %arg5[%dma_start3A_62] : memref<1024xi32, #tpu.memory_space<vmem>> -> memref<32xi32, #tpu.memory_space<vmem>>
    %dma_start3A_64 = arith.constant 0 : i32
    %dma_start3A_65 = arith.constant 0 : i32
    %dma_start3A_66 = tpu.memref_slice %arg2[%dma_start3A_64, %dma_start3A_65] : memref<100000x1024xf32, #tpu.memory_space<hbm>> -> memref<100000x1024xf32, #tpu.memory_space<hbm>>
    tpu.enqueue_indirect_dma source(%dma_start3A_66 : memref<100000x1024xf32, #tpu.memory_space<hbm>>) target(%arg7 : memref<32x1024xf32, #tpu.memory_space<vmem>>) offsets(%dma_start3A_63 : memref<32xi32, #tpu.memory_space<vmem>>) semaphore(%arg10 : memref<!tpu.dma_semaphore, #tpu.memory_space<semaphore_mem>>)
    %dma_wait3A_67 = arith.constant 96 : i32
    %dma_wait3A_68 = tpu.memref_slice %arg5[%dma_wait3A_67] : memref<1024xi32, #tpu.memory_space<vmem>> -> memref<32xi32, #tpu.memory_space<vmem>>
    %dma_wait3A_69 = arith.constant 0 : i32
    %dma_wait3A_70 = arith.constant 0 : i32
    %dma_wait3A_71 = tpu.memref_slice %arg2[%dma_wait3A_69, %dma_wait3A_70] : memref<100000x1024xf32, #tpu.memory_space<hbm>> -> memref<100000x1024xf32, #tpu.memory_space<hbm>>
    tpu.wait_indirect_dma semaphore(%arg9 : memref<!tpu.dma_semaphore, #tpu.memory_space<semaphore_mem>>) src(%dma_wait3A_71 : memref<100000x1024xf32, #tpu.memory_space<hbm>>) dst(%arg6 : memref<32x1024xf32, #tpu.memory_space<vmem>>)
    %add3A_72 = arith.constant 96 : i32
    %add3A_73 = arith.addi %mul3A_2, %add3A_72 : i32
    %dma_start3A_74 = arith.constant 0 : i32
    %dma_start3A_75 = tpu.memref_slice %arg4[%add3A_73, %dma_start3A_74] : memref<32768x1024xf32, #tpu.memory_space<hbm>> -> memref<32x1024xf32, #tpu.memory_space<hbm>>
    %dma_start3A_76 = arith.constant 0 : i32
    %dma_start3A_77 = tpu.memref_slice %arg4[%add3A_73, %dma_start3A_76] : memref<32768x1024xf32, #tpu.memory_space<hbm>> -> memref<32x1024xf32, #tpu.memory_space<hbm>>
    tpu.enqueue_dma source(%arg6 : memref<32x1024xf32, #tpu.memory_space<vmem>>) target(%dma_start3A_77 : memref<32x1024xf32, #tpu.memory_space<hbm>>) target_semaphore(%arg12 : memref<!tpu.dma_semaphore, #tpu.memory_space<semaphore_mem>>)
    %dma_wait3A_78 = arith.constant 0 : i32
    %dma_wait3A_79 = tpu.memref_slice %arg4[%add3A_53, %dma_wait3A_78] : memref<32768x1024xf32, #tpu.memory_space<hbm>> -> memref<32x1024xf32, #tpu.memory_space<hbm>>
    %dma_wait3A_80 = arith.constant 0 : i32
    %dma_wait3A_81 = tpu.memref_slice %arg4[%add3A_53, %dma_wait3A_80] : memref<32768x1024xf32, #tpu.memory_space<hbm>> -> memref<32x1024xf32, #tpu.memory_space<hbm>>
    tpu.wait_dma2 semaphore(%arg14 : memref<!tpu.dma_semaphore, #tpu.memory_space<semaphore_mem>>) src(%arg8 : memref<32x1024xf32, #tpu.memory_space<vmem>>) dst(%dma_wait3A_81 : memref<32x1024xf32, #tpu.memory_space<hbm>>)
    %dma_start3A_82 = arith.constant 160 : i32
    %dma_start3A_83 = tpu.memref_slice %arg5[%dma_start3A_82] : memref<1024xi32, #tpu.memory_space<vmem>> -> memref<32xi32, #tpu.memory_space<vmem>>
    %dma_start3A_84 = arith.constant 0 : i32
    %dma_start3A_85 = arith.constant 0 : i32
    %dma_start3A_86 = tpu.memref_slice %arg2[%dma_start3A_84, %dma_start3A_85] : memref<100000x1024xf32, #tpu.memory_space<hbm>> -> memref<100000x1024xf32, #tpu.memory_space<hbm>>
    tpu.enqueue_indirect_dma source(%dma_start3A_86 : memref<100000x1024xf32, #tpu.memory_space<hbm>>) target(%arg8 : memref<32x1024xf32, #tpu.memory_space<vmem>>) offsets(%dma_start3A_83 : memref<32xi32, #tpu.memory_space<vmem>>) semaphore(%arg11 : memref<!tpu.dma_semaphore, #tpu.memory_space<semaphore_mem>>)
    %dma_wait3A_87 = arith.constant 128 : i32
    %dma_wait3A_88 = tpu.memref_slice %arg5[%dma_wait3A_87] : memref<1024xi32, #tpu.memory_space<vmem>> -> memref<32xi32, #tpu.memory_space<vmem>>
    %dma_wait3A_89 = arith.constant 0 : i32
    %dma_wait3A_90 = arith.constant 0 : i32
    %dma_wait3A_91 = tpu.memref_slice %arg2[%dma_wait3A_89, %dma_wait3A_90] : memref<100000x1024xf32, #tpu.memory_space<hbm>> -> memref<100000x1024xf32, #tpu.memory_space<hbm>>
    tpu.wait_indirect_dma semaphore(%arg10 : memref<!tpu.dma_semaphore, #tpu.memory_space<semaphore_mem>>) src(%dma_wait3A_91 : memref<100000x1024xf32, #tpu.memory_space<hbm>>) dst(%arg7 : memref<32x1024xf32, #tpu.memory_space<vmem>>)
    %add3A_92 = arith.constant 128 : i32
    %add3A_93 = arith.addi %mul3A_2, %add3A_92 : i32
    %dma_start3A_94 = arith.constant 0 : i32
    %dma_start3A_95 = tpu.memref_slice %arg4[%add3A_93, %dma_start3A_94] : memref<32768x1024xf32, #tpu.memory_space<hbm>> -> memref<32x1024xf32, #tpu.memory_space<hbm>>
    %dma_start3A_96 = arith.constant 0 : i32
    %dma_start3A_97 = tpu.memref_slice %arg4[%add3A_93, %dma_start3A_96] : memref<32768x1024xf32, #tpu.memory_space<hbm>> -> memref<32x1024xf32, #tpu.memory_space<hbm>>
    tpu.enqueue_dma source(%arg7 : memref<32x1024xf32, #tpu.memory_space<vmem>>) target(%dma_start3A_97 : memref<32x1024xf32, #tpu.memory_space<hbm>>) target_semaphore(%arg13 : memref<!tpu.dma_semaphore, #tpu.memory_space<semaphore_mem>>)
    %dma_wait3A_98 = arith.constant 0 : i32
    %dma_wait3A_99 = tpu.memref_slice %arg4[%add3A_73, %dma_wait3A_98] : memref<32768x1024xf32, #tpu.memory_space<hbm>> -> memref<32x1024xf32, #tpu.memory_space<hbm>>
    %dma_wait3A_100 = arith.constant 0 : i32
    %dma_wait3A_101 = tpu.memref_slice %arg4[%add3A_73, %dma_wait3A_100] : memref<32768x1024xf32, #tpu.memory_space<hbm>> -> memref<32x1024xf32, #tpu.memory_space<hbm>>
    tpu.wait_dma2 semaphore(%arg12 : memref<!tpu.dma_semaphore, #tpu.memory_space<semaphore_mem>>) src(%arg6 : memref<32x1024xf32, #tpu.memory_space<vmem>>) dst(%dma_wait3A_101 : memref<32x1024xf32, #tpu.memory_space<hbm>>)
    %dma_start3A_102 = arith.constant 192 : i32
    %dma_start3A_103 = tpu.memref_slice %arg5[%dma_start3A_102] : memref<1024xi32, #tpu.memory_space<vmem>> -> memref<32xi32, #tpu.memory_space<vmem>>
    %dma_start3A_104 = arith.constant 0 : i32
    %dma_start3A_105 = arith.constant 0 : i32
    %dma_start3A_106 = tpu.memref_slice %arg2[%dma_start3A_104, %dma_start3A_105] : memref<100000x1024xf32, #tpu.memory_space<hbm>> -> memref<100000x1024xf32, #tpu.memory_space<hbm>>
    tpu.enqueue_indirect_dma source(%dma_start3A_106 : memref<100000x1024xf32, #tpu.memory_space<hbm>>) target(%arg6 : memref<32x1024xf32, #tpu.memory_space<vmem>>) offsets(%dma_start3A_103 : memref<32xi32, #tpu.memory_space<vmem>>) semaphore(%arg9 : memref<!tpu.dma_semaphore, #tpu.memory_space<semaphore_mem>>)
    %dma_wait3A_107 = arith.constant 160 : i32
    %dma_wait3A_108 = tpu.memref_slice %arg5[%dma_wait3A_107] : memref<1024xi32, #tpu.memory_space<vmem>> -> memref<32xi32, #tpu.memory_space<vmem>>
    %dma_wait3A_109 = arith.constant 0 : i32
    %dma_wait3A_110 = arith.constant 0 : i32
    %dma_wait3A_111 = tpu.memref_slice %arg2[%dma_wait3A_109, %dma_wait3A_110] : memref<100000x1024xf32, #tpu.memory_space<hbm>> -> memref<100000x1024xf32, #tpu.memory_space<hbm>>
    tpu.wait_indirect_dma semaphore(%arg11 : memref<!tpu.dma_semaphore, #tpu.memory_space<semaphore_mem>>) src(%dma_wait3A_111 : memref<100000x1024xf32, #tpu.memory_space<hbm>>) dst(%arg8 : memref<32x1024xf32, #tpu.memory_space<vmem>>)
    %add3A_112 = arith.constant 160 : i32
    %add3A_113 = arith.addi %mul3A_2, %add3A_112 : i32
    %dma_start3A_114 = arith.constant 0 : i32
    %dma_start3A_115 = tpu.memref_slice %arg4[%add3A_113, %dma_start3A_114] : memref<32768x1024xf32, #tpu.memory_space<hbm>> -> memref<32x1024xf32, #tpu.memory_space<hbm>>
    %dma_start3A_116 = arith.constant 0 : i32
    %dma_start3A_117 = tpu.memref_slice %arg4[%add3A_113, %dma_start3A_116] : memref<32768x1024xf32, #tpu.memory_space<hbm>> -> memref<32x1024xf32, #tpu.memory_space<hbm>>
    tpu.enqueue_dma source(%arg8 : memref<32x1024xf32, #tpu.memory_space<vmem>>) target(%dma_start3A_117 : memref<32x1024xf32, #tpu.memory_space<hbm>>) target_semaphore(%arg14 : memref<!tpu.dma_semaphore, #tpu.memory_space<semaphore_mem>>)
    %dma_wait3A_118 = arith.constant 0 : i32
    %dma_wait3A_119 = tpu.memref_slice %arg4[%add3A_93, %dma_wait3A_118] : memref<32768x1024xf32, #tpu.memory_space<hbm>> -> memref<32x1024xf32, #tpu.memory_space<hbm>>
    %dma_wait3A_120 = arith.constant 0 : i32
    %dma_wait3A_121 = tpu.memref_slice %arg4[%add3A_93, %dma_wait3A_120] : memref<32768x1024xf32, #tpu.memory_space<hbm>> -> memref<32x1024xf32, #tpu.memory_space<hbm>>
    tpu.wait_dma2 semaphore(%arg13 : memref<!tpu.dma_semaphore, #tpu.memory_space<semaphore_mem>>) src(%arg7 : memref<32x1024xf32, #tpu.memory_space<vmem>>) dst(%dma_wait3A_121 : memref<32x1024xf32, #tpu.memory_space<hbm>>)
    %dma_start3A_122 = arith.constant 224 : i32
    %dma_start3A_123 = tpu.memref_slice %arg5[%dma_start3A_122] : memref<1024xi32, #tpu.memory_space<vmem>> -> memref<32xi32, #tpu.memory_space<vmem>>
    %dma_start3A_124 = arith.constant 0 : i32
    %dma_start3A_125 = arith.constant 0 : i32
    %dma_start3A_126 = tpu.memref_slice %arg2[%dma_start3A_124, %dma_start3A_125] : memref<100000x1024xf32, #tpu.memory_space<hbm>> -> memref<100000x1024xf32, #tpu.memory_space<hbm>>
    tpu.enqueue_indirect_dma source(%dma_start3A_126 : memref<100000x1024xf32, #tpu.memory_space<hbm>>) target(%arg7 : memref<32x1024xf32, #tpu.memory_space<vmem>>) offsets(%dma_start3A_123 : memref<32xi32, #tpu.memory_space<vmem>>) semaphore(%arg10 : memref<!tpu.dma_semaphore, #tpu.memory_space<semaphore_mem>>)
    %dma_wait3A_127 = arith.constant 192 : i32
    %dma_wait3A_128 = tpu.memref_slice %arg5[%dma_wait3A_127] : memref<1024xi32, #tpu.memory_space<vmem>> -> memref<32xi32, #tpu.memory_space<vmem>>
    %dma_wait3A_129 = arith.constant 0 : i32
    %dma_wait3A_130 = arith.constant 0 : i32
    %dma_wait3A_131 = tpu.memref_slice %arg2[%dma_wait3A_129, %dma_wait3A_130] : memref<100000x1024xf32, #tpu.memory_space<hbm>> -> memref<100000x1024xf32, #tpu.memory_space<hbm>>
    tpu.wait_indirect_dma semaphore(%arg9 : memref<!tpu.dma_semaphore, #tpu.memory_space<semaphore_mem>>) src(%dma_wait3A_131 : memref<100000x1024xf32, #tpu.memory_space<hbm>>) dst(%arg6 : memref<32x1024xf32, #tpu.memory_space<vmem>>)
    %add3A_132 = arith.constant 192 : i32
    %add3A_133 = arith.addi %mul3A_2, %add3A_132 : i32
    %dma_start3A_134 = arith.constant 0 : i32
    %dma_start3A_135 = tpu.memref_slice %arg4[%add3A_133, %dma_start3A_134] : memref<32768x1024xf32, #tpu.memory_space<hbm>> -> memref<32x1024xf32, #tpu.memory_space<hbm>>
    %dma_start3A_136 = arith.constant 0 : i32
    %dma_start3A_137 = tpu.memref_slice %arg4[%add3A_133, %dma_start3A_136] : memref<32768x1024xf32, #tpu.memory_space<hbm>> -> memref<32x1024xf32, #tpu.memory_space<hbm>>
    tpu.enqueue_dma source(%arg6 : memref<32x1024xf32, #tpu.memory_space<vmem>>) target(%dma_start3A_137 : memref<32x1024xf32, #tpu.memory_space<hbm>>) target_semaphore(%arg12 : memref<!tpu.dma_semaphore, #tpu.memory_space<semaphore_mem>>)
    %dma_wait3A_138 = arith.constant 0 : i32
    %dma_wait3A_139 = tpu.memref_slice %arg4[%add3A_113, %dma_wait3A_138] : memref<32768x1024xf32, #tpu.memory_space<hbm>> -> memref<32x1024xf32, #tpu.memory_space<hbm>>
    %dma_wait3A_140 = arith.constant 0 : i32
    %dma_wait3A_141 = tpu.memref_slice %arg4[%add3A_113, %dma_wait3A_140] : memref<32768x1024xf32, #tpu.memory_space<hbm>> -> memref<32x1024xf32, #tpu.memory_space<hbm>>
    tpu.wait_dma2 semaphore(%arg14 : memref<!tpu.dma_semaphore, #tpu.memory_space<semaphore_mem>>) src(%arg8 : memref<32x1024xf32, #tpu.memory_space<vmem>>) dst(%dma_wait3A_141 : memref<32x1024xf32, #tpu.memory_space<hbm>>)
    %dma_start3A_142 = arith.constant 256 : i32
    %dma_start3A_143 = tpu.memref_slice %arg5[%dma_start3A_142] : memref<1024xi32, #tpu.memory_space<vmem>> -> memref<32xi32, #tpu.memory_space<vmem>>
    %dma_start3A_144 = arith.constant 0 : i32
    %dma_start3A_145 = arith.constant 0 : i32
    %dma_start3A_146 = tpu.memref_slice %arg2[%dma_start3A_144, %dma_start3A_145] : memref<100000x1024xf32, #tpu.memory_space<hbm>> -> memref<100000x1024xf32, #tpu.memory_space<hbm>>
    tpu.enqueue_indirect_dma source(%dma_start3A_146 : memref<100000x1024xf32, #tpu.memory_space<hbm>>) target(%arg8 : memref<32x1024xf32, #tpu.memory_space<vmem>>) offsets(%dma_start3A_143 : memref<32xi32, #tpu.memory_space<vmem>>) semaphore(%arg11 : memref<!tpu.dma_semaphore, #tpu.memory_space<semaphore_mem>>)
    %dma_wait3A_147 = arith.constant 224 : i32
    %dma_wait3A_148 = tpu.memref_slice %arg5[%dma_wait3A_147] : memref<1024xi32, #tpu.memory_space<vmem>> -> memref<32xi32, #tpu.memory_space<vmem>>
    %dma_wait3A_149 = arith.constant 0 : i32
    %dma_wait3A_150 = arith.constant 0 : i32
    %dma_wait3A_151 = tpu.memref_slice %arg2[%dma_wait3A_149, %dma_wait3A_150] : memref<100000x1024xf32, #tpu.memory_space<hbm>> -> memref<100000x1024xf32, #tpu.memory_space<hbm>>
    tpu.wait_indirect_dma semaphore(%arg10 : memref<!tpu.dma_semaphore, #tpu.memory_space<semaphore_mem>>) src(%dma_wait3A_151 : memref<100000x1024xf32, #tpu.memory_space<hbm>>) dst(%arg7 : memref<32x1024xf32, #tpu.memory_space<vmem>>)
    %add3A_152 = arith.constant 224 : i32
    %add3A_153 = arith.addi %mul3A_2, %add3A_152 : i32
    %dma_start3A_154 = arith.constant 0 : i32
    %dma_start3A_155 = tpu.memref_slice %arg4[%add3A_153, %dma_start3A_154] : memref<32768x1024xf32, #tpu.memory_space<hbm>> -> memref<32x1024xf32, #tpu.memory_space<hbm>>
    %dma_start3A_156 = arith.constant 0 : i32
    %dma_start3A_157 = tpu.memref_slice %arg4[%add3A_153, %dma_start3A_156] : memref<32768x1024xf32, #tpu.memory_space<hbm>> -> memref<32x1024xf32, #tpu.memory_space<hbm>>
    tpu.enqueue_dma source(%arg7 : memref<32x1024xf32, #tpu.memory_space<vmem>>) target(%dma_start3A_157 : memref<32x1024xf32, #tpu.memory_space<hbm>>) target_semaphore(%arg13 : memref<!tpu.dma_semaphore, #tpu.memory_space<semaphore_mem>>)
    %dma_wait3A_158 = arith.constant 0 : i32
    %dma_wait3A_159 = tpu.memref_slice %arg4[%add3A_133, %dma_wait3A_158] : memref<32768x1024xf32, #tpu.memory_space<hbm>> -> memref<32x1024xf32, #tpu.memory_space<hbm>>
    %dma_wait3A_160 = arith.constant 0 : i32
    %dma_wait3A_161 = tpu.memref_slice %arg4[%add3A_133, %dma_wait3A_160] : memref<32768x1024xf32, #tpu.memory_space<hbm>> -> memref<32x1024xf32, #tpu.memory_space<hbm>>
    tpu.wait_dma2 semaphore(%arg12 : memref<!tpu.dma_semaphore, #tpu.memory_space<semaphore_mem>>) src(%arg6 : memref<32x1024xf32, #tpu.memory_space<vmem>>) dst(%dma_wait3A_161 : memref<32x1024xf32, #tpu.memory_space<hbm>>)
    %dma_start3A_162 = arith.constant 288 : i32
    %dma_start3A_163 = tpu.memref_slice %arg5[%dma_start3A_162] : memref<1024xi32, #tpu.memory_space<vmem>> -> memref<32xi32, #tpu.memory_space<vmem>>
    %dma_start3A_164 = arith.constant 0 : i32
    %dma_start3A_165 = arith.constant 0 : i32
    %dma_start3A_166 = tpu.memref_slice %arg2[%dma_start3A_164, %dma_start3A_165] : memref<100000x1024xf32, #tpu.memory_space<hbm>> -> memref<100000x1024xf32, #tpu.memory_space<hbm>>
    tpu.enqueue_indirect_dma source(%dma_start3A_166 : memref<100000x1024xf32, #tpu.memory_space<hbm>>) target(%arg6 : memref<32x1024xf32, #tpu.memory_space<vmem>>) offsets(%dma_start3A_163 : memref<32xi32, #tpu.memory_space<vmem>>) semaphore(%arg9 : memref<!tpu.dma_semaphore, #tpu.memory_space<semaphore_mem>>)
    %dma_wait3A_167 = arith.constant 256 : i32
    %dma_wait3A_168 = tpu.memref_slice %arg5[%dma_wait3A_167] : memref<1024xi32, #tpu.memory_space<vmem>> -> memref<32xi32, #tpu.memory_space<vmem>>
    %dma_wait3A_169 = arith.constant 0 : i32
    %dma_wait3A_170 = arith.constant 0 : i32
    %dma_wait3A_171 = tpu.memref_slice %arg2[%dma_wait3A_169, %dma_wait3A_170] : memref<100000x1024xf32, #tpu.memory_space<hbm>> -> memref<100000x1024xf32, #tpu.memory_space<hbm>>
    tpu.wait_indirect_dma semaphore(%arg11 : memref<!tpu.dma_semaphore, #tpu.memory_space<semaphore_mem>>) src(%dma_wait3A_171 : memref<100000x1024xf32, #tpu.memory_space<hbm>>) dst(%arg8 : memref<32x1024xf32, #tpu.memory_space<vmem>>)
    %add3A_172 = arith.constant 256 : i32
    %add3A_173 = arith.addi %mul3A_2, %add3A_172 : i32
    %dma_start3A_174 = arith.constant 0 : i32
    %dma_start3A_175 = tpu.memref_slice %arg4[%add3A_173, %dma_start3A_174] : memref<32768x1024xf32, #tpu.memory_space<hbm>> -> memref<32x1024xf32, #tpu.memory_space<hbm>>
    %dma_start3A_176 = arith.constant 0 : i32
    %dma_start3A_177 = tpu.memref_slice %arg4[%add3A_173, %dma_start3A_176] : memref<32768x1024xf32, #tpu.memory_space<hbm>> -> memref<32x1024xf32, #tpu.memory_space<hbm>>
    tpu.enqueue_dma source(%arg8 : memref<32x1024xf32, #tpu.memory_space<vmem>>) target(%dma_start3A_177 : memref<32x1024xf32, #tpu.memory_space<hbm>>) target_semaphore(%arg14 : memref<!tpu.dma_semaphore, #tpu.memory_space<semaphore_mem>>)
    %dma_wait3A_178 = arith.constant 0 : i32
    %dma_wait3A_179 = tpu.memref_slice %arg4[%add3A_153, %dma_wait3A_178] : memref<32768x1024xf32, #tpu.memory_space<hbm>> -> memref<32x1024xf32, #tpu.memory_space<hbm>>
    %dma_wait3A_180 = arith.constant 0 : i32
    %dma_wait3A_181 = tpu.memref_slice %arg4[%add3A_153, %dma_wait3A_180] : memref<32768x1024xf32, #tpu.memory_space<hbm>> -> memref<32x1024xf32, #tpu.memory_space<hbm>>
    tpu.wait_dma2 semaphore(%arg13 : memref<!tpu.dma_semaphore, #tpu.memory_space<semaphore_mem>>) src(%arg7 : memref<32x1024xf32, #tpu.memory_space<vmem>>) dst(%dma_wait3A_181 : memref<32x1024xf32, #tpu.memory_space<hbm>>)
    %dma_start3A_182 = arith.constant 320 : i32
    %dma_start3A_183 = tpu.memref_slice %arg5[%dma_start3A_182] : memref<1024xi32, #tpu.memory_space<vmem>> -> memref<32xi32, #tpu.memory_space<vmem>>
    %dma_start3A_184 = arith.constant 0 : i32
    %dma_start3A_185 = arith.constant 0 : i32
    %dma_start3A_186 = tpu.memref_slice %arg2[%dma_start3A_184, %dma_start3A_185] : memref<100000x1024xf32, #tpu.memory_space<hbm>> -> memref<100000x1024xf32, #tpu.memory_space<hbm>>
    tpu.enqueue_indirect_dma source(%dma_start3A_186 : memref<100000x1024xf32, #tpu.memory_space<hbm>>) target(%arg7 : memref<32x1024xf32, #tpu.memory_space<vmem>>) offsets(%dma_start3A_183 : memref<32xi32, #tpu.memory_space<vmem>>) semaphore(%arg10 : memref<!tpu.dma_semaphore, #tpu.memory_space<semaphore_mem>>)
    %dma_wait3A_187 = arith.constant 288 : i32
    %dma_wait3A_188 = tpu.memref_slice %arg5[%dma_wait3A_187] : memref<1024xi32, #tpu.memory_space<vmem>> -> memref<32xi32, #tpu.memory_space<vmem>>
    %dma_wait3A_189 = arith.constant 0 : i32
    %dma_wait3A_190 = arith.constant 0 : i32
    %dma_wait3A_191 = tpu.memref_slice %arg2[%dma_wait3A_189, %dma_wait3A_190] : memref<100000x1024xf32, #tpu.memory_space<hbm>> -> memref<100000x1024xf32, #tpu.memory_space<hbm>>
    tpu.wait_indirect_dma semaphore(%arg9 : memref<!tpu.dma_semaphore, #tpu.memory_space<semaphore_mem>>) src(%dma_wait3A_191 : memref<100000x1024xf32, #tpu.memory_space<hbm>>) dst(%arg6 : memref<32x1024xf32, #tpu.memory_space<vmem>>)
    %add3A_192 = arith.constant 288 : i32
    %add3A_193 = arith.addi %mul3A_2, %add3A_192 : i32
    %dma_start3A_194 = arith.constant 0 : i32
    %dma_start3A_195 = tpu.memref_slice %arg4[%add3A_193, %dma_start3A_194] : memref<32768x1024xf32, #tpu.memory_space<hbm>> -> memref<32x1024xf32, #tpu.memory_space<hbm>>
    %dma_start3A_196 = arith.constant 0 : i32
    %dma_start3A_197 = tpu.memref_slice %arg4[%add3A_193, %dma_start3A_196] : memref<32768x1024xf32, #tpu.memory_space<hbm>> -> memref<32x1024xf32, #tpu.memory_space<hbm>>
    tpu.enqueue_dma source(%arg6 : memref<32x1024xf32, #tpu.memory_space<vmem>>) target(%dma_start3A_197 : memref<32x1024xf32, #tpu.memory_space<hbm>>) target_semaphore(%arg12 : memref<!tpu.dma_semaphore, #tpu.memory_space<semaphore_mem>>)
    %dma_wait3A_198 = arith.constant 0 : i32
    %dma_wait3A_199 = tpu.memref_slice %arg4[%add3A_173, %dma_wait3A_198] : memref<32768x1024xf32, #tpu.memory_space<hbm>> -> memref<32x1024xf32, #tpu.memory_space<hbm>>
    %dma_wait3A_200 = arith.constant 0 : i32
    %dma_wait3A_201 = tpu.memref_slice %arg4[%add3A_173, %dma_wait3A_200] : memref<32768x1024xf32, #tpu.memory_space<hbm>> -> memref<32x1024xf32, #tpu.memory_space<hbm>>
    tpu.wait_dma2 semaphore(%arg14 : memref<!tpu.dma_semaphore, #tpu.memory_space<semaphore_mem>>) src(%arg8 : memref<32x1024xf32, #tpu.memory_space<vmem>>) dst(%dma_wait3A_201 : memref<32x1024xf32, #tpu.memory_space<hbm>>)
    %dma_start3A_202 = arith.constant 352 : i32
    %dma_start3A_203 = tpu.memref_slice %arg5[%dma_start3A_202] : memref<1024xi32, #tpu.memory_space<vmem>> -> memref<32xi32, #tpu.memory_space<vmem>>
    %dma_start3A_204 = arith.constant 0 : i32
    %dma_start3A_205 = arith.constant 0 : i32
    %dma_start3A_206 = tpu.memref_slice %arg2[%dma_start3A_204, %dma_start3A_205] : memref<100000x1024xf32, #tpu.memory_space<hbm>> -> memref<100000x1024xf32, #tpu.memory_space<hbm>>
    tpu.enqueue_indirect_dma source(%dma_start3A_206 : memref<100000x1024xf32, #tpu.memory_space<hbm>>) target(%arg8 : memref<32x1024xf32, #tpu.memory_space<vmem>>) offsets(%dma_start3A_203 : memref<32xi32, #tpu.memory_space<vmem>>) semaphore(%arg11 : memref<!tpu.dma_semaphore, #tpu.memory_space<semaphore_mem>>)
    %dma_wait3A_207 = arith.constant 320 : i32
    %dma_wait3A_208 = tpu.memref_slice %arg5[%dma_wait3A_207] : memref<1024xi32, #tpu.memory_space<vmem>> -> memref<32xi32, #tpu.memory_space<vmem>>
    %dma_wait3A_209 = arith.constant 0 : i32
    %dma_wait3A_210 = arith.constant 0 : i32
    %dma_wait3A_211 = tpu.memref_slice %arg2[%dma_wait3A_209, %dma_wait3A_210] : memref<100000x1024xf32, #tpu.memory_space<hbm>> -> memref<100000x1024xf32, #tpu.memory_space<hbm>>
    tpu.wait_indirect_dma semaphore(%arg10 : memref<!tpu.dma_semaphore, #tpu.memory_space<semaphore_mem>>) src(%dma_wait3A_211 : memref<100000x1024xf32, #tpu.memory_space<hbm>>) dst(%arg7 : memref<32x1024xf32, #tpu.memory_space<vmem>>)
    %add3A_212 = arith.constant 320 : i32
    %add3A_213 = arith.addi %mul3A_2, %add3A_212 : i32
    %dma_start3A_214 = arith.constant 0 : i32
    %dma_start3A_215 = tpu.memref_slice %arg4[%add3A_213, %dma_start3A_214] : memref<32768x1024xf32, #tpu.memory_space<hbm>> -> memref<32x1024xf32, #tpu.memory_space<hbm>>
    %dma_start3A_216 = arith.constant 0 : i32
    %dma_start3A_217 = tpu.memref_slice %arg4[%add3A_213, %dma_start3A_216] : memref<32768x1024xf32, #tpu.memory_space<hbm>> -> memref<32x1024xf32, #tpu.memory_space<hbm>>
    tpu.enqueue_dma source(%arg7 : memref<32x1024xf32, #tpu.memory_space<vmem>>) target(%dma_start3A_217 : memref<32x1024xf32, #tpu.memory_space<hbm>>) target_semaphore(%arg13 : memref<!tpu.dma_semaphore, #tpu.memory_space<semaphore_mem>>)
    %dma_wait3A_218 = arith.constant 0 : i32
    %dma_wait3A_219 = tpu.memref_slice %arg4[%add3A_193, %dma_wait3A_218] : memref<32768x1024xf32, #tpu.memory_space<hbm>> -> memref<32x1024xf32, #tpu.memory_space<hbm>>
    %dma_wait3A_220 = arith.constant 0 : i32
    %dma_wait3A_221 = tpu.memref_slice %arg4[%add3A_193, %dma_wait3A_220] : memref<32768x1024xf32, #tpu.memory_space<hbm>> -> memref<32x1024xf32, #tpu.memory_space<hbm>>
    tpu.wait_dma2 semaphore(%arg12 : memref<!tpu.dma_semaphore, #tpu.memory_space<semaphore_mem>>) src(%arg6 : memref<32x1024xf32, #tpu.memory_space<vmem>>) dst(%dma_wait3A_221 : memref<32x1024xf32, #tpu.memory_space<hbm>>)
    %dma_start3A_222 = arith.constant 384 : i32
    %dma_start3A_223 = tpu.memref_slice %arg5[%dma_start3A_222] : memref<1024xi32, #tpu.memory_space<vmem>> -> memref<32xi32, #tpu.memory_space<vmem>>
    %dma_start3A_224 = arith.constant 0 : i32
    %dma_start3A_225 = arith.constant 0 : i32
    %dma_start3A_226 = tpu.memref_slice %arg2[%dma_start3A_224, %dma_start3A_225] : memref<100000x1024xf32, #tpu.memory_space<hbm>> -> memref<100000x1024xf32, #tpu.memory_space<hbm>>
    tpu.enqueue_indirect_dma source(%dma_start3A_226 : memref<100000x1024xf32, #tpu.memory_space<hbm>>) target(%arg6 : memref<32x1024xf32, #tpu.memory_space<vmem>>) offsets(%dma_start3A_223 : memref<32xi32, #tpu.memory_space<vmem>>) semaphore(%arg9 : memref<!tpu.dma_semaphore, #tpu.memory_space<semaphore_mem>>)
    %dma_wait3A_227 = arith.constant 352 : i32
    %dma_wait3A_228 = tpu.memref_slice %arg5[%dma_wait3A_227] : memref<1024xi32, #tpu.memory_space<vmem>> -> memref<32xi32, #tpu.memory_space<vmem>>
    %dma_wait3A_229 = arith.constant 0 : i32
    %dma_wait3A_230 = arith.constant 0 : i32
    %dma_wait3A_231 = tpu.memref_slice %arg2[%dma_wait3A_229, %dma_wait3A_230] : memref<100000x1024xf32, #tpu.memory_space<hbm>> -> memref<100000x1024xf32, #tpu.memory_space<hbm>>
    tpu.wait_indirect_dma semaphore(%arg11 : memref<!tpu.dma_semaphore, #tpu.memory_space<semaphore_mem>>) src(%dma_wait3A_231 : memref<100000x1024xf32, #tpu.memory_space<hbm>>) dst(%arg8 : memref<32x1024xf32, #tpu.memory_space<vmem>>)
    %add3A_232 = arith.constant 352 : i32
    %add3A_233 = arith.addi %mul3A_2, %add3A_232 : i32
    %dma_start3A_234 = arith.constant 0 : i32
    %dma_start3A_235 = tpu.memref_slice %arg4[%add3A_233, %dma_start3A_234] : memref<32768x1024xf32, #tpu.memory_space<hbm>> -> memref<32x1024xf32, #tpu.memory_space<hbm>>
    %dma_start3A_236 = arith.constant 0 : i32
    %dma_start3A_237 = tpu.memref_slice %arg4[%add3A_233, %dma_start3A_236] : memref<32768x1024xf32, #tpu.memory_space<hbm>> -> memref<32x1024xf32, #tpu.memory_space<hbm>>
    tpu.enqueue_dma source(%arg8 : memref<32x1024xf32, #tpu.memory_space<vmem>>) target(%dma_start3A_237 : memref<32x1024xf32, #tpu.memory_space<hbm>>) target_semaphore(%arg14 : memref<!tpu.dma_semaphore, #tpu.memory_space<semaphore_mem>>)
    %dma_wait3A_238 = arith.constant 0 : i32
    %dma_wait3A_239 = tpu.memref_slice %arg4[%add3A_213, %dma_wait3A_238] : memref<32768x1024xf32, #tpu.memory_space<hbm>> -> memref<32x1024xf32, #tpu.memory_space<hbm>>
    %dma_wait3A_240 = arith.constant 0 : i32
    %dma_wait3A_241 = tpu.memref_slice %arg4[%add3A_213, %dma_wait3A_240] : memref<32768x1024xf32, #tpu.memory_space<hbm>> -> memref<32x1024xf32, #tpu.memory_space<hbm>>
    tpu.wait_dma2 semaphore(%arg13 : memref<!tpu.dma_semaphore, #tpu.memory_space<semaphore_mem>>) src(%arg7 : memref<32x1024xf32, #tpu.memory_space<vmem>>) dst(%dma_wait3A_241 : memref<32x1024xf32, #tpu.memory_space<hbm>>)
    %dma_start3A_242 = arith.constant 416 : i32
    %dma_start3A_243 = tpu.memref_slice %arg5[%dma_start3A_242] : memref<1024xi32, #tpu.memory_space<vmem>> -> memref<32xi32, #tpu.memory_space<vmem>>
    %dma_start3A_244 = arith.constant 0 : i32
    %dma_start3A_245 = arith.constant 0 : i32
    %dma_start3A_246 = tpu.memref_slice %arg2[%dma_start3A_244, %dma_start3A_245] : memref<100000x1024xf32, #tpu.memory_space<hbm>> -> memref<100000x1024xf32, #tpu.memory_space<hbm>>
    tpu.enqueue_indirect_dma source(%dma_start3A_246 : memref<100000x1024xf32, #tpu.memory_space<hbm>>) target(%arg7 : memref<32x1024xf32, #tpu.memory_space<vmem>>) offsets(%dma_start3A_243 : memref<32xi32, #tpu.memory_space<vmem>>) semaphore(%arg10 : memref<!tpu.dma_semaphore, #tpu.memory_space<semaphore_mem>>)
    %dma_wait3A_247 = arith.constant 384 : i32
    %dma_wait3A_248 = tpu.memref_slice %arg5[%dma_wait3A_247] : memref<1024xi32, #tpu.memory_space<vmem>> -> memref<32xi32, #tpu.memory_space<vmem>>
    %dma_wait3A_249 = arith.constant 0 : i32
    %dma_wait3A_250 = arith.constant 0 : i32
    %dma_wait3A_251 = tpu.memref_slice %arg2[%dma_wait3A_249, %dma_wait3A_250] : memref<100000x1024xf32, #tpu.memory_space<hbm>> -> memref<100000x1024xf32, #tpu.memory_space<hbm>>
    tpu.wait_indirect_dma semaphore(%arg9 : memref<!tpu.dma_semaphore, #tpu.memory_space<semaphore_mem>>) src(%dma_wait3A_251 : memref<100000x1024xf32, #tpu.memory_space<hbm>>) dst(%arg6 : memref<32x1024xf32, #tpu.memory_space<vmem>>)
    %add3A_252 = arith.constant 384 : i32
    %add3A_253 = arith.addi %mul3A_2, %add3A_252 : i32
    %dma_start3A_254 = arith.constant 0 : i32
    %dma_start3A_255 = tpu.memref_slice %arg4[%add3A_253, %dma_start3A_254] : memref<32768x1024xf32, #tpu.memory_space<hbm>> -> memref<32x1024xf32, #tpu.memory_space<hbm>>
    %dma_start3A_256 = arith.constant 0 : i32
    %dma_start3A_257 = tpu.memref_slice %arg4[%add3A_253, %dma_start3A_256] : memref<32768x1024xf32, #tpu.memory_space<hbm>> -> memref<32x1024xf32, #tpu.memory_space<hbm>>
    tpu.enqueue_dma source(%arg6 : memref<32x1024xf32, #tpu.memory_space<vmem>>) target(%dma_start3A_257 : memref<32x1024xf32, #tpu.memory_space<hbm>>) target_semaphore(%arg12 : memref<!tpu.dma_semaphore, #tpu.memory_space<semaphore_mem>>)
    %dma_wait3A_258 = arith.constant 0 : i32
    %dma_wait3A_259 = tpu.memref_slice %arg4[%add3A_233, %dma_wait3A_258] : memref<32768x1024xf32, #tpu.memory_space<hbm>> -> memref<32x1024xf32, #tpu.memory_space<hbm>>
    %dma_wait3A_260 = arith.constant 0 : i32
    %dma_wait3A_261 = tpu.memref_slice %arg4[%add3A_233, %dma_wait3A_260] : memref<32768x1024xf32, #tpu.memory_space<hbm>> -> memref<32x1024xf32, #tpu.memory_space<hbm>>
    tpu.wait_dma2 semaphore(%arg14 : memref<!tpu.dma_semaphore, #tpu.memory_space<semaphore_mem>>) src(%arg8 : memref<32x1024xf32, #tpu.memory_space<vmem>>) dst(%dma_wait3A_261 : memref<32x1024xf32, #tpu.memory_space<hbm>>)
    %dma_start3A_262 = arith.constant 448 : i32
    %dma_start3A_263 = tpu.memref_slice %arg5[%dma_start3A_262] : memref<1024xi32, #tpu.memory_space<vmem>> -> memref<32xi32, #tpu.memory_space<vmem>>
    %dma_start3A_264 = arith.constant 0 : i32
    %dma_start3A_265 = arith.constant 0 : i32
    %dma_start3A_266 = tpu.memref_slice %arg2[%dma_start3A_264, %dma_start3A_265] : memref<100000x1024xf32, #tpu.memory_space<hbm>> -> memref<100000x1024xf32, #tpu.memory_space<hbm>>
    tpu.enqueue_indirect_dma source(%dma_start3A_266 : memref<100000x1024xf32, #tpu.memory_space<hbm>>) target(%arg8 : memref<32x1024xf32, #tpu.memory_space<vmem>>) offsets(%dma_start3A_263 : memref<32xi32, #tpu.memory_space<vmem>>) semaphore(%arg11 : memref<!tpu.dma_semaphore, #tpu.memory_space<semaphore_mem>>)
    %dma_wait3A_267 = arith.constant 416 : i32
    %dma_wait3A_268 = tpu.memref_slice %arg5[%dma_wait3A_267] : memref<1024xi32, #tpu.memory_space<vmem>> -> memref<32xi32, #tpu.memory_space<vmem>>
    %dma_wait3A_269 = arith.constant 0 : i32
    %dma_wait3A_270 = arith.constant 0 : i32
    %dma_wait3A_271 = tpu.memref_slice %arg2[%dma_wait3A_269, %dma_wait3A_270] : memref<100000x1024xf32, #tpu.memory_space<hbm>> -> memref<100000x1024xf32, #tpu.memory_space<hbm>>
    tpu.wait_indirect_dma semaphore(%arg10 : memref<!tpu.dma_semaphore, #tpu.memory_space<semaphore_mem>>) src(%dma_wait3A_271 : memref<100000x1024xf32, #tpu.memory_space<hbm>>) dst(%arg7 : memref<32x1024xf32, #tpu.memory_space<vmem>>)
    %add3A_272 = arith.constant 416 : i32
    %add3A_273 = arith.addi %mul3A_2, %add3A_272 : i32
    %dma_start3A_274 = arith.constant 0 : i32
    %dma_start3A_275 = tpu.memref_slice %arg4[%add3A_273, %dma_start3A_274] : memref<32768x1024xf32, #tpu.memory_space<hbm>> -> memref<32x1024xf32, #tpu.memory_space<hbm>>
    %dma_start3A_276 = arith.constant 0 : i32
    %dma_start3A_277 = tpu.memref_slice %arg4[%add3A_273, %dma_start3A_276] : memref<32768x1024xf32, #tpu.memory_space<hbm>> -> memref<32x1024xf32, #tpu.memory_space<hbm>>
    tpu.enqueue_dma source(%arg7 : memref<32x1024xf32, #tpu.memory_space<vmem>>) target(%dma_start3A_277 : memref<32x1024xf32, #tpu.memory_space<hbm>>) target_semaphore(%arg13 : memref<!tpu.dma_semaphore, #tpu.memory_space<semaphore_mem>>)
    %dma_wait3A_278 = arith.constant 0 : i32
    %dma_wait3A_279 = tpu.memref_slice %arg4[%add3A_253, %dma_wait3A_278] : memref<32768x1024xf32, #tpu.memory_space<hbm>> -> memref<32x1024xf32, #tpu.memory_space<hbm>>
    %dma_wait3A_280 = arith.constant 0 : i32
    %dma_wait3A_281 = tpu.memref_slice %arg4[%add3A_253, %dma_wait3A_280] : memref<32768x1024xf32, #tpu.memory_space<hbm>> -> memref<32x1024xf32, #tpu.memory_space<hbm>>
    tpu.wait_dma2 semaphore(%arg12 : memref<!tpu.dma_semaphore, #tpu.memory_space<semaphore_mem>>) src(%arg6 : memref<32x1024xf32, #tpu.memory_space<vmem>>) dst(%dma_wait3A_281 : memref<32x1024xf32, #tpu.memory_space<hbm>>)
    %dma_start3A_282 = arith.constant 480 : i32
    %dma_start3A_283 = tpu.memref_slice %arg5[%dma_start3A_282] : memref<1024xi32, #tpu.memory_space<vmem>> -> memref<32xi32, #tpu.memory_space<vmem>>
    %dma_start3A_284 = arith.constant 0 : i32
    %dma_start3A_285 = arith.constant 0 : i32
    %dma_start3A_286 = tpu.memref_slice %arg2[%dma_start3A_284, %dma_start3A_285] : memref<100000x1024xf32, #tpu.memory_space<hbm>> -> memref<100000x1024xf32, #tpu.memory_space<hbm>>
    tpu.enqueue_indirect_dma source(%dma_start3A_286 : memref<100000x1024xf32, #tpu.memory_space<hbm>>) target(%arg6 : memref<32x1024xf32, #tpu.memory_space<vmem>>) offsets(%dma_start3A_283 : memref<32xi32, #tpu.memory_space<vmem>>) semaphore(%arg9 : memref<!tpu.dma_semaphore, #tpu.memory_space<semaphore_mem>>)
    %dma_wait3A_287 = arith.constant 448 : i32
    %dma_wait3A_288 = tpu.memref_slice %arg5[%dma_wait3A_287] : memref<1024xi32, #tpu.memory_space<vmem>> -> memref<32xi32, #tpu.memory_space<vmem>>
    %dma_wait3A_289 = arith.constant 0 : i32
    %dma_wait3A_290 = arith.constant 0 : i32
    %dma_wait3A_291 = tpu.memref_slice %arg2[%dma_wait3A_289, %dma_wait3A_290] : memref<100000x1024xf32, #tpu.memory_space<hbm>> -> memref<100000x1024xf32, #tpu.memory_space<hbm>>
    tpu.wait_indirect_dma semaphore(%arg11 : memref<!tpu.dma_semaphore, #tpu.memory_space<semaphore_mem>>) src(%dma_wait3A_291 : memref<100000x1024xf32, #tpu.memory_space<hbm>>) dst(%arg8 : memref<32x1024xf32, #tpu.memory_space<vmem>>)
    %add3A_292 = arith.constant 448 : i32
    %add3A_293 = arith.addi %mul3A_2, %add3A_292 : i32
    %dma_start3A_294 = arith.constant 0 : i32
    %dma_start3A_295 = tpu.memref_slice %arg4[%add3A_293, %dma_start3A_294] : memref<32768x1024xf32, #tpu.memory_space<hbm>> -> memref<32x1024xf32, #tpu.memory_space<hbm>>
    %dma_start3A_296 = arith.constant 0 : i32
    %dma_start3A_297 = tpu.memref_slice %arg4[%add3A_293, %dma_start3A_296] : memref<32768x1024xf32, #tpu.memory_space<hbm>> -> memref<32x1024xf32, #tpu.memory_space<hbm>>
    tpu.enqueue_dma source(%arg8 : memref<32x1024xf32, #tpu.memory_space<vmem>>) target(%dma_start3A_297 : memref<32x1024xf32, #tpu.memory_space<hbm>>) target_semaphore(%arg14 : memref<!tpu.dma_semaphore, #tpu.memory_space<semaphore_mem>>)
    %dma_wait3A_298 = arith.constant 0 : i32
    %dma_wait3A_299 = tpu.memref_slice %arg4[%add3A_273, %dma_wait3A_298] : memref<32768x1024xf32, #tpu.memory_space<hbm>> -> memref<32x1024xf32, #tpu.memory_space<hbm>>
    %dma_wait3A_300 = arith.constant 0 : i32
    %dma_wait3A_301 = tpu.memref_slice %arg4[%add3A_273, %dma_wait3A_300] : memref<32768x1024xf32, #tpu.memory_space<hbm>> -> memref<32x1024xf32, #tpu.memory_space<hbm>>
    tpu.wait_dma2 semaphore(%arg13 : memref<!tpu.dma_semaphore, #tpu.memory_space<semaphore_mem>>) src(%arg7 : memref<32x1024xf32, #tpu.memory_space<vmem>>) dst(%dma_wait3A_301 : memref<32x1024xf32, #tpu.memory_space<hbm>>)
    %dma_start3A_302 = arith.constant 512 : i32
    %dma_start3A_303 = tpu.memref_slice %arg5[%dma_start3A_302] : memref<1024xi32, #tpu.memory_space<vmem>> -> memref<32xi32, #tpu.memory_space<vmem>>
    %dma_start3A_304 = arith.constant 0 : i32
    %dma_start3A_305 = arith.constant 0 : i32
    %dma_start3A_306 = tpu.memref_slice %arg2[%dma_start3A_304, %dma_start3A_305] : memref<100000x1024xf32, #tpu.memory_space<hbm>> -> memref<100000x1024xf32, #tpu.memory_space<hbm>>
    tpu.enqueue_indirect_dma source(%dma_start3A_306 : memref<100000x1024xf32, #tpu.memory_space<hbm>>) target(%arg7 : memref<32x1024xf32, #tpu.memory_space<vmem>>) offsets(%dma_start3A_303 : memref<32xi32, #tpu.memory_space<vmem>>) semaphore(%arg10 : memref<!tpu.dma_semaphore, #tpu.memory_space<semaphore_mem>>)
    %dma_wait3A_307 = arith.constant 480 : i32
    %dma_wait3A_308 = tpu.memref_slice %arg5[%dma_wait3A_307] : memref<1024xi32, #tpu.memory_space<vmem>> -> memref<32xi32, #tpu.memory_space<vmem>>
    %dma_wait3A_309 = arith.constant 0 : i32
    %dma_wait3A_310 = arith.constant 0 : i32
    %dma_wait3A_311 = tpu.memref_slice %arg2[%dma_wait3A_309, %dma_wait3A_310] : memref<100000x1024xf32, #tpu.memory_space<hbm>> -> memref<100000x1024xf32, #tpu.memory_space<hbm>>
    tpu.wait_indirect_dma semaphore(%arg9 : memref<!tpu.dma_semaphore, #tpu.memory_space<semaphore_mem>>) src(%dma_wait3A_311 : memref<100000x1024xf32, #tpu.memory_space<hbm>>) dst(%arg6 : memref<32x1024xf32, #tpu.memory_space<vmem>>)
    %add3A_312 = arith.constant 480 : i32
    %add3A_313 = arith.addi %mul3A_2, %add3A_312 : i32
    %dma_start3A_314 = arith.constant 0 : i32
    %dma_start3A_315 = tpu.memref_slice %arg4[%add3A_313, %dma_start3A_314] : memref<32768x1024xf32, #tpu.memory_space<hbm>> -> memref<32x1024xf32, #tpu.memory_space<hbm>>
    %dma_start3A_316 = arith.constant 0 : i32
    %dma_start3A_317 = tpu.memref_slice %arg4[%add3A_313, %dma_start3A_316] : memref<32768x1024xf32, #tpu.memory_space<hbm>> -> memref<32x1024xf32, #tpu.memory_space<hbm>>
    tpu.enqueue_dma source(%arg6 : memref<32x1024xf32, #tpu.memory_space<vmem>>) target(%dma_start3A_317 : memref<32x1024xf32, #tpu.memory_space<hbm>>) target_semaphore(%arg12 : memref<!tpu.dma_semaphore, #tpu.memory_space<semaphore_mem>>)
    %dma_wait3A_318 = arith.constant 0 : i32
    %dma_wait3A_319 = tpu.memref_slice %arg4[%add3A_293, %dma_wait3A_318] : memref<32768x1024xf32, #tpu.memory_space<hbm>> -> memref<32x1024xf32, #tpu.memory_space<hbm>>
    %dma_wait3A_320 = arith.constant 0 : i32
    %dma_wait3A_321 = tpu.memref_slice %arg4[%add3A_293, %dma_wait3A_320] : memref<32768x1024xf32, #tpu.memory_space<hbm>> -> memref<32x1024xf32, #tpu.memory_space<hbm>>
    tpu.wait_dma2 semaphore(%arg14 : memref<!tpu.dma_semaphore, #tpu.memory_space<semaphore_mem>>) src(%arg8 : memref<32x1024xf32, #tpu.memory_space<vmem>>) dst(%dma_wait3A_321 : memref<32x1024xf32, #tpu.memory_space<hbm>>)
    %dma_start3A_322 = arith.constant 544 : i32
    %dma_start3A_323 = tpu.memref_slice %arg5[%dma_start3A_322] : memref<1024xi32, #tpu.memory_space<vmem>> -> memref<32xi32, #tpu.memory_space<vmem>>
    %dma_start3A_324 = arith.constant 0 : i32
    %dma_start3A_325 = arith.constant 0 : i32
    %dma_start3A_326 = tpu.memref_slice %arg2[%dma_start3A_324, %dma_start3A_325] : memref<100000x1024xf32, #tpu.memory_space<hbm>> -> memref<100000x1024xf32, #tpu.memory_space<hbm>>
    tpu.enqueue_indirect_dma source(%dma_start3A_326 : memref<100000x1024xf32, #tpu.memory_space<hbm>>) target(%arg8 : memref<32x1024xf32, #tpu.memory_space<vmem>>) offsets(%dma_start3A_323 : memref<32xi32, #tpu.memory_space<vmem>>) semaphore(%arg11 : memref<!tpu.dma_semaphore, #tpu.memory_space<semaphore_mem>>)
    %dma_wait3A_327 = arith.constant 512 : i32
    %dma_wait3A_328 = tpu.memref_slice %arg5[%dma_wait3A_327] : memref<1024xi32, #tpu.memory_space<vmem>> -> memref<32xi32, #tpu.memory_space<vmem>>
    %dma_wait3A_329 = arith.constant 0 : i32
    %dma_wait3A_330 = arith.constant 0 : i32
    %dma_wait3A_331 = tpu.memref_slice %arg2[%dma_wait3A_329, %dma_wait3A_330] : memref<100000x1024xf32, #tpu.memory_space<hbm>> -> memref<100000x1024xf32, #tpu.memory_space<hbm>>
    tpu.wait_indirect_dma semaphore(%arg10 : memref<!tpu.dma_semaphore, #tpu.memory_space<semaphore_mem>>) src(%dma_wait3A_331 : memref<100000x1024xf32, #tpu.memory_space<hbm>>) dst(%arg7 : memref<32x1024xf32, #tpu.memory_space<vmem>>)
    %add3A_332 = arith.constant 512 : i32
    %add3A_333 = arith.addi %mul3A_2, %add3A_332 : i32
    %dma_start3A_334 = arith.constant 0 : i32
    %dma_start3A_335 = tpu.memref_slice %arg4[%add3A_333, %dma_start3A_334] : memref<32768x1024xf32, #tpu.memory_space<hbm>> -> memref<32x1024xf32, #tpu.memory_space<hbm>>
    %dma_start3A_336 = arith.constant 0 : i32
    %dma_start3A_337 = tpu.memref_slice %arg4[%add3A_333, %dma_start3A_336] : memref<32768x1024xf32, #tpu.memory_space<hbm>> -> memref<32x1024xf32, #tpu.memory_space<hbm>>
    tpu.enqueue_dma source(%arg7 : memref<32x1024xf32, #tpu.memory_space<vmem>>) target(%dma_start3A_337 : memref<32x1024xf32, #tpu.memory_space<hbm>>) target_semaphore(%arg13 : memref<!tpu.dma_semaphore, #tpu.memory_space<semaphore_mem>>)
    %dma_wait3A_338 = arith.constant 0 : i32
    %dma_wait3A_339 = tpu.memref_slice %arg4[%add3A_313, %dma_wait3A_338] : memref<32768x1024xf32, #tpu.memory_space<hbm>> -> memref<32x1024xf32, #tpu.memory_space<hbm>>
    %dma_wait3A_340 = arith.constant 0 : i32
    %dma_wait3A_341 = tpu.memref_slice %arg4[%add3A_313, %dma_wait3A_340] : memref<32768x1024xf32, #tpu.memory_space<hbm>> -> memref<32x1024xf32, #tpu.memory_space<hbm>>
    tpu.wait_dma2 semaphore(%arg12 : memref<!tpu.dma_semaphore, #tpu.memory_space<semaphore_mem>>) src(%arg6 : memref<32x1024xf32, #tpu.memory_space<vmem>>) dst(%dma_wait3A_341 : memref<32x1024xf32, #tpu.memory_space<hbm>>)
    %dma_start3A_342 = arith.constant 576 : i32
    %dma_start3A_343 = tpu.memref_slice %arg5[%dma_start3A_342] : memref<1024xi32, #tpu.memory_space<vmem>> -> memref<32xi32, #tpu.memory_space<vmem>>
    %dma_start3A_344 = arith.constant 0 : i32
    %dma_start3A_345 = arith.constant 0 : i32
    %dma_start3A_346 = tpu.memref_slice %arg2[%dma_start3A_344, %dma_start3A_345] : memref<100000x1024xf32, #tpu.memory_space<hbm>> -> memref<100000x1024xf32, #tpu.memory_space<hbm>>
    tpu.enqueue_indirect_dma source(%dma_start3A_346 : memref<100000x1024xf32, #tpu.memory_space<hbm>>) target(%arg6 : memref<32x1024xf32, #tpu.memory_space<vmem>>) offsets(%dma_start3A_343 : memref<32xi32, #tpu.memory_space<vmem>>) semaphore(%arg9 : memref<!tpu.dma_semaphore, #tpu.memory_space<semaphore_mem>>)
    %dma_wait3A_347 = arith.constant 544 : i32
    %dma_wait3A_348 = tpu.memref_slice %arg5[%dma_wait3A_347] : memref<1024xi32, #tpu.memory_space<vmem>> -> memref<32xi32, #tpu.memory_space<vmem>>
    %dma_wait3A_349 = arith.constant 0 : i32
    %dma_wait3A_350 = arith.constant 0 : i32
    %dma_wait3A_351 = tpu.memref_slice %arg2[%dma_wait3A_349, %dma_wait3A_350] : memref<100000x1024xf32, #tpu.memory_space<hbm>> -> memref<100000x1024xf32, #tpu.memory_space<hbm>>
    tpu.wait_indirect_dma semaphore(%arg11 : memref<!tpu.dma_semaphore, #tpu.memory_space<semaphore_mem>>) src(%dma_wait3A_351 : memref<100000x1024xf32, #tpu.memory_space<hbm>>) dst(%arg8 : memref<32x1024xf32, #tpu.memory_space<vmem>>)
    %add3A_352 = arith.constant 544 : i32
    %add3A_353 = arith.addi %mul3A_2, %add3A_352 : i32
    %dma_start3A_354 = arith.constant 0 : i32
    %dma_start3A_355 = tpu.memref_slice %arg4[%add3A_353, %dma_start3A_354] : memref<32768x1024xf32, #tpu.memory_space<hbm>> -> memref<32x1024xf32, #tpu.memory_space<hbm>>
    %dma_start3A_356 = arith.constant 0 : i32
    %dma_start3A_357 = tpu.memref_slice %arg4[%add3A_353, %dma_start3A_356] : memref<32768x1024xf32, #tpu.memory_space<hbm>> -> memref<32x1024xf32, #tpu.memory_space<hbm>>
    tpu.enqueue_dma source(%arg8 : memref<32x1024xf32, #tpu.memory_space<vmem>>) target(%dma_start3A_357 : memref<32x1024xf32, #tpu.memory_space<hbm>>) target_semaphore(%arg14 : memref<!tpu.dma_semaphore, #tpu.memory_space<semaphore_mem>>)
    %dma_wait3A_358 = arith.constant 0 : i32
    %dma_wait3A_359 = tpu.memref_slice %arg4[%add3A_333, %dma_wait3A_358] : memref<32768x1024xf32, #tpu.memory_space<hbm>> -> memref<32x1024xf32, #tpu.memory_space<hbm>>
    %dma_wait3A_360 = arith.constant 0 : i32
    %dma_wait3A_361 = tpu.memref_slice %arg4[%add3A_333, %dma_wait3A_360] : memref<32768x1024xf32, #tpu.memory_space<hbm>> -> memref<32x1024xf32, #tpu.memory_space<hbm>>
    tpu.wait_dma2 semaphore(%arg13 : memref<!tpu.dma_semaphore, #tpu.memory_space<semaphore_mem>>) src(%arg7 : memref<32x1024xf32, #tpu.memory_space<vmem>>) dst(%dma_wait3A_361 : memref<32x1024xf32, #tpu.memory_space<hbm>>)
    %dma_start3A_362 = arith.constant 608 : i32
    %dma_start3A_363 = tpu.memref_slice %arg5[%dma_start3A_362] : memref<1024xi32, #tpu.memory_space<vmem>> -> memref<32xi32, #tpu.memory_space<vmem>>
    %dma_start3A_364 = arith.constant 0 : i32
    %dma_start3A_365 = arith.constant 0 : i32
    %dma_start3A_366 = tpu.memref_slice %arg2[%dma_start3A_364, %dma_start3A_365] : memref<100000x1024xf32, #tpu.memory_space<hbm>> -> memref<100000x1024xf32, #tpu.memory_space<hbm>>
    tpu.enqueue_indirect_dma source(%dma_start3A_366 : memref<100000x1024xf32, #tpu.memory_space<hbm>>) target(%arg7 : memref<32x1024xf32, #tpu.memory_space<vmem>>) offsets(%dma_start3A_363 : memref<32xi32, #tpu.memory_space<vmem>>) semaphore(%arg10 : memref<!tpu.dma_semaphore, #tpu.memory_space<semaphore_mem>>)
    %dma_wait3A_367 = arith.constant 576 : i32
    %dma_wait3A_368 = tpu.memref_slice %arg5[%dma_wait3A_367] : memref<1024xi32, #tpu.memory_space<vmem>> -> memref<32xi32, #tpu.memory_space<vmem>>
    %dma_wait3A_369 = arith.constant 0 : i32
    %dma_wait3A_370 = arith.constant 0 : i32
    %dma_wait3A_371 = tpu.memref_slice %arg2[%dma_wait3A_369, %dma_wait3A_370] : memref<100000x1024xf32, #tpu.memory_space<hbm>> -> memref<100000x1024xf32, #tpu.memory_space<hbm>>
    tpu.wait_indirect_dma semaphore(%arg9 : memref<!tpu.dma_semaphore, #tpu.memory_space<semaphore_mem>>) src(%dma_wait3A_371 : memref<100000x1024xf32, #tpu.memory_space<hbm>>) dst(%arg6 : memref<32x1024xf32, #tpu.memory_space<vmem>>)
    %add3A_372 = arith.constant 576 : i32
    %add3A_373 = arith.addi %mul3A_2, %add3A_372 : i32
    %dma_start3A_374 = arith.constant 0 : i32
    %dma_start3A_375 = tpu.memref_slice %arg4[%add3A_373, %dma_start3A_374] : memref<32768x1024xf32, #tpu.memory_space<hbm>> -> memref<32x1024xf32, #tpu.memory_space<hbm>>
    %dma_start3A_376 = arith.constant 0 : i32
    %dma_start3A_377 = tpu.memref_slice %arg4[%add3A_373, %dma_start3A_376] : memref<32768x1024xf32, #tpu.memory_space<hbm>> -> memref<32x1024xf32, #tpu.memory_space<hbm>>
    tpu.enqueue_dma source(%arg6 : memref<32x1024xf32, #tpu.memory_space<vmem>>) target(%dma_start3A_377 : memref<32x1024xf32, #tpu.memory_space<hbm>>) target_semaphore(%arg12 : memref<!tpu.dma_semaphore, #tpu.memory_space<semaphore_mem>>)
    %dma_wait3A_378 = arith.constant 0 : i32
    %dma_wait3A_379 = tpu.memref_slice %arg4[%add3A_353, %dma_wait3A_378] : memref<32768x1024xf32, #tpu.memory_space<hbm>> -> memref<32x1024xf32, #tpu.memory_space<hbm>>
    %dma_wait3A_380 = arith.constant 0 : i32
    %dma_wait3A_381 = tpu.memref_slice %arg4[%add3A_353, %dma_wait3A_380] : memref<32768x1024xf32, #tpu.memory_space<hbm>> -> memref<32x1024xf32, #tpu.memory_space<hbm>>
    tpu.wait_dma2 semaphore(%arg14 : memref<!tpu.dma_semaphore, #tpu.memory_space<semaphore_mem>>) src(%arg8 : memref<32x1024xf32, #tpu.memory_space<vmem>>) dst(%dma_wait3A_381 : memref<32x1024xf32, #tpu.memory_space<hbm>>)
    %dma_start3A_382 = arith.constant 640 : i32
    %dma_start3A_383 = tpu.memref_slice %arg5[%dma_start3A_382] : memref<1024xi32, #tpu.memory_space<vmem>> -> memref<32xi32, #tpu.memory_space<vmem>>
    %dma_start3A_384 = arith.constant 0 : i32
    %dma_start3A_385 = arith.constant 0 : i32
    %dma_start3A_386 = tpu.memref_slice %arg2[%dma_start3A_384, %dma_start3A_385] : memref<100000x1024xf32, #tpu.memory_space<hbm>> -> memref<100000x1024xf32, #tpu.memory_space<hbm>>
    tpu.enqueue_indirect_dma source(%dma_start3A_386 : memref<100000x1024xf32, #tpu.memory_space<hbm>>) target(%arg8 : memref<32x1024xf32, #tpu.memory_space<vmem>>) offsets(%dma_start3A_383 : memref<32xi32, #tpu.memory_space<vmem>>) semaphore(%arg11 : memref<!tpu.dma_semaphore, #tpu.memory_space<semaphore_mem>>)
    %dma_wait3A_387 = arith.constant 608 : i32
    %dma_wait3A_388 = tpu.memref_slice %arg5[%dma_wait3A_387] : memref<1024xi32, #tpu.memory_space<vmem>> -> memref<32xi32, #tpu.memory_space<vmem>>
    %dma_wait3A_389 = arith.constant 0 : i32
    %dma_wait3A_390 = arith.constant 0 : i32
    %dma_wait3A_391 = tpu.memref_slice %arg2[%dma_wait3A_389, %dma_wait3A_390] : memref<100000x1024xf32, #tpu.memory_space<hbm>> -> memref<100000x1024xf32, #tpu.memory_space<hbm>>
    tpu.wait_indirect_dma semaphore(%arg10 : memref<!tpu.dma_semaphore, #tpu.memory_space<semaphore_mem>>) src(%dma_wait3A_391 : memref<100000x1024xf32, #tpu.memory_space<hbm>>) dst(%arg7 : memref<32x1024xf32, #tpu.memory_space<vmem>>)
    %add3A_392 = arith.constant 608 : i32
    %add3A_393 = arith.addi %mul3A_2, %add3A_392 : i32
    %dma_start3A_394 = arith.constant 0 : i32
    %dma_start3A_395 = tpu.memref_slice %arg4[%add3A_393, %dma_start3A_394] : memref<32768x1024xf32, #tpu.memory_space<hbm>> -> memref<32x1024xf32, #tpu.memory_space<hbm>>
    %dma_start3A_396 = arith.constant 0 : i32
    %dma_start3A_397 = tpu.memref_slice %arg4[%add3A_393, %dma_start3A_396] : memref<32768x1024xf32, #tpu.memory_space<hbm>> -> memref<32x1024xf32, #tpu.memory_space<hbm>>
    tpu.enqueue_dma source(%arg7 : memref<32x1024xf32, #tpu.memory_space<vmem>>) target(%dma_start3A_397 : memref<32x1024xf32, #tpu.memory_space<hbm>>) target_semaphore(%arg13 : memref<!tpu.dma_semaphore, #tpu.memory_space<semaphore_mem>>)
    %dma_wait3A_398 = arith.constant 0 : i32
    %dma_wait3A_399 = tpu.memref_slice %arg4[%add3A_373, %dma_wait3A_398] : memref<32768x1024xf32, #tpu.memory_space<hbm>> -> memref<32x1024xf32, #tpu.memory_space<hbm>>
    %dma_wait3A_400 = arith.constant 0 : i32
    %dma_wait3A_401 = tpu.memref_slice %arg4[%add3A_373, %dma_wait3A_400] : memref<32768x1024xf32, #tpu.memory_space<hbm>> -> memref<32x1024xf32, #tpu.memory_space<hbm>>
    tpu.wait_dma2 semaphore(%arg12 : memref<!tpu.dma_semaphore, #tpu.memory_space<semaphore_mem>>) src(%arg6 : memref<32x1024xf32, #tpu.memory_space<vmem>>) dst(%dma_wait3A_401 : memref<32x1024xf32, #tpu.memory_space<hbm>>)
    %dma_start3A_402 = arith.constant 672 : i32
    %dma_start3A_403 = tpu.memref_slice %arg5[%dma_start3A_402] : memref<1024xi32, #tpu.memory_space<vmem>> -> memref<32xi32, #tpu.memory_space<vmem>>
    %dma_start3A_404 = arith.constant 0 : i32
    %dma_start3A_405 = arith.constant 0 : i32
    %dma_start3A_406 = tpu.memref_slice %arg2[%dma_start3A_404, %dma_start3A_405] : memref<100000x1024xf32, #tpu.memory_space<hbm>> -> memref<100000x1024xf32, #tpu.memory_space<hbm>>
    tpu.enqueue_indirect_dma source(%dma_start3A_406 : memref<100000x1024xf32, #tpu.memory_space<hbm>>) target(%arg6 : memref<32x1024xf32, #tpu.memory_space<vmem>>) offsets(%dma_start3A_403 : memref<32xi32, #tpu.memory_space<vmem>>) semaphore(%arg9 : memref<!tpu.dma_semaphore, #tpu.memory_space<semaphore_mem>>)
    %dma_wait3A_407 = arith.constant 640 : i32
    %dma_wait3A_408 = tpu.memref_slice %arg5[%dma_wait3A_407] : memref<1024xi32, #tpu.memory_space<vmem>> -> memref<32xi32, #tpu.memory_space<vmem>>
    %dma_wait3A_409 = arith.constant 0 : i32
    %dma_wait3A_410 = arith.constant 0 : i32
    %dma_wait3A_411 = tpu.memref_slice %arg2[%dma_wait3A_409, %dma_wait3A_410] : memref<100000x1024xf32, #tpu.memory_space<hbm>> -> memref<100000x1024xf32, #tpu.memory_space<hbm>>
    tpu.wait_indirect_dma semaphore(%arg11 : memref<!tpu.dma_semaphore, #tpu.memory_space<semaphore_mem>>) src(%dma_wait3A_411 : memref<100000x1024xf32, #tpu.memory_space<hbm>>) dst(%arg8 : memref<32x1024xf32, #tpu.memory_space<vmem>>)
    %add3A_412 = arith.constant 640 : i32
    %add3A_413 = arith.addi %mul3A_2, %add3A_412 : i32
    %dma_start3A_414 = arith.constant 0 : i32
    %dma_start3A_415 = tpu.memref_slice %arg4[%add3A_413, %dma_start3A_414] : memref<32768x1024xf32, #tpu.memory_space<hbm>> -> memref<32x1024xf32, #tpu.memory_space<hbm>>
    %dma_start3A_416 = arith.constant 0 : i32
    %dma_start3A_417 = tpu.memref_slice %arg4[%add3A_413, %dma_start3A_416] : memref<32768x1024xf32, #tpu.memory_space<hbm>> -> memref<32x1024xf32, #tpu.memory_space<hbm>>
    tpu.enqueue_dma source(%arg8 : memref<32x1024xf32, #tpu.memory_space<vmem>>) target(%dma_start3A_417 : memref<32x1024xf32, #tpu.memory_space<hbm>>) target_semaphore(%arg14 : memref<!tpu.dma_semaphore, #tpu.memory_space<semaphore_mem>>)
    %dma_wait3A_418 = arith.constant 0 : i32
    %dma_wait3A_419 = tpu.memref_slice %arg4[%add3A_393, %dma_wait3A_418] : memref<32768x1024xf32, #tpu.memory_space<hbm>> -> memref<32x1024xf32, #tpu.memory_space<hbm>>
    %dma_wait3A_420 = arith.constant 0 : i32
    %dma_wait3A_421 = tpu.memref_slice %arg4[%add3A_393, %dma_wait3A_420] : memref<32768x1024xf32, #tpu.memory_space<hbm>> -> memref<32x1024xf32, #tpu.memory_space<hbm>>
    tpu.wait_dma2 semaphore(%arg13 : memref<!tpu.dma_semaphore, #tpu.memory_space<semaphore_mem>>) src(%arg7 : memref<32x1024xf32, #tpu.memory_space<vmem>>) dst(%dma_wait3A_421 : memref<32x1024xf32, #tpu.memory_space<hbm>>)
    %dma_start3A_422 = arith.constant 704 : i32
    %dma_start3A_423 = tpu.memref_slice %arg5[%dma_start3A_422] : memref<1024xi32, #tpu.memory_space<vmem>> -> memref<32xi32, #tpu.memory_space<vmem>>
    %dma_start3A_424 = arith.constant 0 : i32
    %dma_start3A_425 = arith.constant 0 : i32
    %dma_start3A_426 = tpu.memref_slice %arg2[%dma_start3A_424, %dma_start3A_425] : memref<100000x1024xf32, #tpu.memory_space<hbm>> -> memref<100000x1024xf32, #tpu.memory_space<hbm>>
    tpu.enqueue_indirect_dma source(%dma_start3A_426 : memref<100000x1024xf32, #tpu.memory_space<hbm>>) target(%arg7 : memref<32x1024xf32, #tpu.memory_space<vmem>>) offsets(%dma_start3A_423 : memref<32xi32, #tpu.memory_space<vmem>>) semaphore(%arg10 : memref<!tpu.dma_semaphore, #tpu.memory_space<semaphore_mem>>)
    %dma_wait3A_427 = arith.constant 672 : i32
    %dma_wait3A_428 = tpu.memref_slice %arg5[%dma_wait3A_427] : memref<1024xi32, #tpu.memory_space<vmem>> -> memref<32xi32, #tpu.memory_space<vmem>>
    %dma_wait3A_429 = arith.constant 0 : i32
    %dma_wait3A_430 = arith.constant 0 : i32
    %dma_wait3A_431 = tpu.memref_slice %arg2[%dma_wait3A_429, %dma_wait3A_430] : memref<100000x1024xf32, #tpu.memory_space<hbm>> -> memref<100000x1024xf32, #tpu.memory_space<hbm>>
    tpu.wait_indirect_dma semaphore(%arg9 : memref<!tpu.dma_semaphore, #tpu.memory_space<semaphore_mem>>) src(%dma_wait3A_431 : memref<100000x1024xf32, #tpu.memory_space<hbm>>) dst(%arg6 : memref<32x1024xf32, #tpu.memory_space<vmem>>)
    %add3A_432 = arith.constant 672 : i32
    %add3A_433 = arith.addi %mul3A_2, %add3A_432 : i32
    %dma_start3A_434 = arith.constant 0 : i32
    %dma_start3A_435 = tpu.memref_slice %arg4[%add3A_433, %dma_start3A_434] : memref<32768x1024xf32, #tpu.memory_space<hbm>> -> memref<32x1024xf32, #tpu.memory_space<hbm>>
    %dma_start3A_436 = arith.constant 0 : i32
    %dma_start3A_437 = tpu.memref_slice %arg4[%add3A_433, %dma_start3A_436] : memref<32768x1024xf32, #tpu.memory_space<hbm>> -> memref<32x1024xf32, #tpu.memory_space<hbm>>
    tpu.enqueue_dma source(%arg6 : memref<32x1024xf32, #tpu.memory_space<vmem>>) target(%dma_start3A_437 : memref<32x1024xf32, #tpu.memory_space<hbm>>) target_semaphore(%arg12 : memref<!tpu.dma_semaphore, #tpu.memory_space<semaphore_mem>>)
    %dma_wait3A_438 = arith.constant 0 : i32
    %dma_wait3A_439 = tpu.memref_slice %arg4[%add3A_413, %dma_wait3A_438] : memref<32768x1024xf32, #tpu.memory_space<hbm>> -> memref<32x1024xf32, #tpu.memory_space<hbm>>
    %dma_wait3A_440 = arith.constant 0 : i32
    %dma_wait3A_441 = tpu.memref_slice %arg4[%add3A_413, %dma_wait3A_440] : memref<32768x1024xf32, #tpu.memory_space<hbm>> -> memref<32x1024xf32, #tpu.memory_space<hbm>>
    tpu.wait_dma2 semaphore(%arg14 : memref<!tpu.dma_semaphore, #tpu.memory_space<semaphore_mem>>) src(%arg8 : memref<32x1024xf32, #tpu.memory_space<vmem>>) dst(%dma_wait3A_441 : memref<32x1024xf32, #tpu.memory_space<hbm>>)
    %dma_start3A_442 = arith.constant 736 : i32
    %dma_start3A_443 = tpu.memref_slice %arg5[%dma_start3A_442] : memref<1024xi32, #tpu.memory_space<vmem>> -> memref<32xi32, #tpu.memory_space<vmem>>
    %dma_start3A_444 = arith.constant 0 : i32
    %dma_start3A_445 = arith.constant 0 : i32
    %dma_start3A_446 = tpu.memref_slice %arg2[%dma_start3A_444, %dma_start3A_445] : memref<100000x1024xf32, #tpu.memory_space<hbm>> -> memref<100000x1024xf32, #tpu.memory_space<hbm>>
    tpu.enqueue_indirect_dma source(%dma_start3A_446 : memref<100000x1024xf32, #tpu.memory_space<hbm>>) target(%arg8 : memref<32x1024xf32, #tpu.memory_space<vmem>>) offsets(%dma_start3A_443 : memref<32xi32, #tpu.memory_space<vmem>>) semaphore(%arg11 : memref<!tpu.dma_semaphore, #tpu.memory_space<semaphore_mem>>)
    %dma_wait3A_447 = arith.constant 704 : i32
    %dma_wait3A_448 = tpu.memref_slice %arg5[%dma_wait3A_447] : memref<1024xi32, #tpu.memory_space<vmem>> -> memref<32xi32, #tpu.memory_space<vmem>>
    %dma_wait3A_449 = arith.constant 0 : i32
    %dma_wait3A_450 = arith.constant 0 : i32
    %dma_wait3A_451 = tpu.memref_slice %arg2[%dma_wait3A_449, %dma_wait3A_450] : memref<100000x1024xf32, #tpu.memory_space<hbm>> -> memref<100000x1024xf32, #tpu.memory_space<hbm>>
    tpu.wait_indirect_dma semaphore(%arg10 : memref<!tpu.dma_semaphore, #tpu.memory_space<semaphore_mem>>) src(%dma_wait3A_451 : memref<100000x1024xf32, #tpu.memory_space<hbm>>) dst(%arg7 : memref<32x1024xf32, #tpu.memory_space<vmem>>)
    %add3A_452 = arith.constant 704 : i32
    %add3A_453 = arith.addi %mul3A_2, %add3A_452 : i32
    %dma_start3A_454 = arith.constant 0 : i32
    %dma_start3A_455 = tpu.memref_slice %arg4[%add3A_453, %dma_start3A_454] : memref<32768x1024xf32, #tpu.memory_space<hbm>> -> memref<32x1024xf32, #tpu.memory_space<hbm>>
    %dma_start3A_456 = arith.constant 0 : i32
    %dma_start3A_457 = tpu.memref_slice %arg4[%add3A_453, %dma_start3A_456] : memref<32768x1024xf32, #tpu.memory_space<hbm>> -> memref<32x1024xf32, #tpu.memory_space<hbm>>
    tpu.enqueue_dma source(%arg7 : memref<32x1024xf32, #tpu.memory_space<vmem>>) target(%dma_start3A_457 : memref<32x1024xf32, #tpu.memory_space<hbm>>) target_semaphore(%arg13 : memref<!tpu.dma_semaphore, #tpu.memory_space<semaphore_mem>>)
    %dma_wait3A_458 = arith.constant 0 : i32
    %dma_wait3A_459 = tpu.memref_slice %arg4[%add3A_433, %dma_wait3A_458] : memref<32768x1024xf32, #tpu.memory_space<hbm>> -> memref<32x1024xf32, #tpu.memory_space<hbm>>
    %dma_wait3A_460 = arith.constant 0 : i32
    %dma_wait3A_461 = tpu.memref_slice %arg4[%add3A_433, %dma_wait3A_460] : memref<32768x1024xf32, #tpu.memory_space<hbm>> -> memref<32x1024xf32, #tpu.memory_space<hbm>>
    tpu.wait_dma2 semaphore(%arg12 : memref<!tpu.dma_semaphore, #tpu.memory_space<semaphore_mem>>) src(%arg6 : memref<32x1024xf32, #tpu.memory_space<vmem>>) dst(%dma_wait3A_461 : memref<32x1024xf32, #tpu.memory_space<hbm>>)
    %dma_start3A_462 = arith.constant 768 : i32
    %dma_start3A_463 = tpu.memref_slice %arg5[%dma_start3A_462] : memref<1024xi32, #tpu.memory_space<vmem>> -> memref<32xi32, #tpu.memory_space<vmem>>
    %dma_start3A_464 = arith.constant 0 : i32
    %dma_start3A_465 = arith.constant 0 : i32
    %dma_start3A_466 = tpu.memref_slice %arg2[%dma_start3A_464, %dma_start3A_465] : memref<100000x1024xf32, #tpu.memory_space<hbm>> -> memref<100000x1024xf32, #tpu.memory_space<hbm>>
    tpu.enqueue_indirect_dma source(%dma_start3A_466 : memref<100000x1024xf32, #tpu.memory_space<hbm>>) target(%arg6 : memref<32x1024xf32, #tpu.memory_space<vmem>>) offsets(%dma_start3A_463 : memref<32xi32, #tpu.memory_space<vmem>>) semaphore(%arg9 : memref<!tpu.dma_semaphore, #tpu.memory_space<semaphore_mem>>)
    %dma_wait3A_467 = arith.constant 736 : i32
    %dma_wait3A_468 = tpu.memref_slice %arg5[%dma_wait3A_467] : memref<1024xi32, #tpu.memory_space<vmem>> -> memref<32xi32, #tpu.memory_space<vmem>>
    %dma_wait3A_469 = arith.constant 0 : i32
    %dma_wait3A_470 = arith.constant 0 : i32
    %dma_wait3A_471 = tpu.memref_slice %arg2[%dma_wait3A_469, %dma_wait3A_470] : memref<100000x1024xf32, #tpu.memory_space<hbm>> -> memref<100000x1024xf32, #tpu.memory_space<hbm>>
    tpu.wait_indirect_dma semaphore(%arg11 : memref<!tpu.dma_semaphore, #tpu.memory_space<semaphore_mem>>) src(%dma_wait3A_471 : memref<100000x1024xf32, #tpu.memory_space<hbm>>) dst(%arg8 : memref<32x1024xf32, #tpu.memory_space<vmem>>)
    %add3A_472 = arith.constant 736 : i32
    %add3A_473 = arith.addi %mul3A_2, %add3A_472 : i32
    %dma_start3A_474 = arith.constant 0 : i32
    %dma_start3A_475 = tpu.memref_slice %arg4[%add3A_473, %dma_start3A_474] : memref<32768x1024xf32, #tpu.memory_space<hbm>> -> memref<32x1024xf32, #tpu.memory_space<hbm>>
    %dma_start3A_476 = arith.constant 0 : i32
    %dma_start3A_477 = tpu.memref_slice %arg4[%add3A_473, %dma_start3A_476] : memref<32768x1024xf32, #tpu.memory_space<hbm>> -> memref<32x1024xf32, #tpu.memory_space<hbm>>
    tpu.enqueue_dma source(%arg8 : memref<32x1024xf32, #tpu.memory_space<vmem>>) target(%dma_start3A_477 : memref<32x1024xf32, #tpu.memory_space<hbm>>) target_semaphore(%arg14 : memref<!tpu.dma_semaphore, #tpu.memory_space<semaphore_mem>>)
    %dma_wait3A_478 = arith.constant 0 : i32
    %dma_wait3A_479 = tpu.memref_slice %arg4[%add3A_453, %dma_wait3A_478] : memref<32768x1024xf32, #tpu.memory_space<hbm>> -> memref<32x1024xf32, #tpu.memory_space<hbm>>
    %dma_wait3A_480 = arith.constant 0 : i32
    %dma_wait3A_481 = tpu.memref_slice %arg4[%add3A_453, %dma_wait3A_480] : memref<32768x1024xf32, #tpu.memory_space<hbm>> -> memref<32x1024xf32, #tpu.memory_space<hbm>>
    tpu.wait_dma2 semaphore(%arg13 : memref<!tpu.dma_semaphore, #tpu.memory_space<semaphore_mem>>) src(%arg7 : memref<32x1024xf32, #tpu.memory_space<vmem>>) dst(%dma_wait3A_481 : memref<32x1024xf32, #tpu.memory_space<hbm>>)
    %dma_start3A_482 = arith.constant 800 : i32
    %dma_start3A_483 = tpu.memref_slice %arg5[%dma_start3A_482] : memref<1024xi32, #tpu.memory_space<vmem>> -> memref<32xi32, #tpu.memory_space<vmem>>
    %dma_start3A_484 = arith.constant 0 : i32
    %dma_start3A_485 = arith.constant 0 : i32
    %dma_start3A_486 = tpu.memref_slice %arg2[%dma_start3A_484, %dma_start3A_485] : memref<100000x1024xf32, #tpu.memory_space<hbm>> -> memref<100000x1024xf32, #tpu.memory_space<hbm>>
    tpu.enqueue_indirect_dma source(%dma_start3A_486 : memref<100000x1024xf32, #tpu.memory_space<hbm>>) target(%arg7 : memref<32x1024xf32, #tpu.memory_space<vmem>>) offsets(%dma_start3A_483 : memref<32xi32, #tpu.memory_space<vmem>>) semaphore(%arg10 : memref<!tpu.dma_semaphore, #tpu.memory_space<semaphore_mem>>)
    %dma_wait3A_487 = arith.constant 768 : i32
    %dma_wait3A_488 = tpu.memref_slice %arg5[%dma_wait3A_487] : memref<1024xi32, #tpu.memory_space<vmem>> -> memref<32xi32, #tpu.memory_space<vmem>>
    %dma_wait3A_489 = arith.constant 0 : i32
    %dma_wait3A_490 = arith.constant 0 : i32
    %dma_wait3A_491 = tpu.memref_slice %arg2[%dma_wait3A_489, %dma_wait3A_490] : memref<100000x1024xf32, #tpu.memory_space<hbm>> -> memref<100000x1024xf32, #tpu.memory_space<hbm>>
    tpu.wait_indirect_dma semaphore(%arg9 : memref<!tpu.dma_semaphore, #tpu.memory_space<semaphore_mem>>) src(%dma_wait3A_491 : memref<100000x1024xf32, #tpu.memory_space<hbm>>) dst(%arg6 : memref<32x1024xf32, #tpu.memory_space<vmem>>)
    %add3A_492 = arith.constant 768 : i32
    %add3A_493 = arith.addi %mul3A_2, %add3A_492 : i32
    %dma_start3A_494 = arith.constant 0 : i32
    %dma_start3A_495 = tpu.memref_slice %arg4[%add3A_493, %dma_start3A_494] : memref<32768x1024xf32, #tpu.memory_space<hbm>> -> memref<32x1024xf32, #tpu.memory_space<hbm>>
    %dma_start3A_496 = arith.constant 0 : i32
    %dma_start3A_497 = tpu.memref_slice %arg4[%add3A_493, %dma_start3A_496] : memref<32768x1024xf32, #tpu.memory_space<hbm>> -> memref<32x1024xf32, #tpu.memory_space<hbm>>
    tpu.enqueue_dma source(%arg6 : memref<32x1024xf32, #tpu.memory_space<vmem>>) target(%dma_start3A_497 : memref<32x1024xf32, #tpu.memory_space<hbm>>) target_semaphore(%arg12 : memref<!tpu.dma_semaphore, #tpu.memory_space<semaphore_mem>>)
    %dma_wait3A_498 = arith.constant 0 : i32
    %dma_wait3A_499 = tpu.memref_slice %arg4[%add3A_473, %dma_wait3A_498] : memref<32768x1024xf32, #tpu.memory_space<hbm>> -> memref<32x1024xf32, #tpu.memory_space<hbm>>
    %dma_wait3A_500 = arith.constant 0 : i32
    %dma_wait3A_501 = tpu.memref_slice %arg4[%add3A_473, %dma_wait3A_500] : memref<32768x1024xf32, #tpu.memory_space<hbm>> -> memref<32x1024xf32, #tpu.memory_space<hbm>>
    tpu.wait_dma2 semaphore(%arg14 : memref<!tpu.dma_semaphore, #tpu.memory_space<semaphore_mem>>) src(%arg8 : memref<32x1024xf32, #tpu.memory_space<vmem>>) dst(%dma_wait3A_501 : memref<32x1024xf32, #tpu.memory_space<hbm>>)
    %dma_start3A_502 = arith.constant 832 : i32
    %dma_start3A_503 = tpu.memref_slice %arg5[%dma_start3A_502] : memref<1024xi32, #tpu.memory_space<vmem>> -> memref<32xi32, #tpu.memory_space<vmem>>
    %dma_start3A_504 = arith.constant 0 : i32
    %dma_start3A_505 = arith.constant 0 : i32
    %dma_start3A_506 = tpu.memref_slice %arg2[%dma_start3A_504, %dma_start3A_505] : memref<100000x1024xf32, #tpu.memory_space<hbm>> -> memref<100000x1024xf32, #tpu.memory_space<hbm>>
    tpu.enqueue_indirect_dma source(%dma_start3A_506 : memref<100000x1024xf32, #tpu.memory_space<hbm>>) target(%arg8 : memref<32x1024xf32, #tpu.memory_space<vmem>>) offsets(%dma_start3A_503 : memref<32xi32, #tpu.memory_space<vmem>>) semaphore(%arg11 : memref<!tpu.dma_semaphore, #tpu.memory_space<semaphore_mem>>)
    %dma_wait3A_507 = arith.constant 800 : i32
    %dma_wait3A_508 = tpu.memref_slice %arg5[%dma_wait3A_507] : memref<1024xi32, #tpu.memory_space<vmem>> -> memref<32xi32, #tpu.memory_space<vmem>>
    %dma_wait3A_509 = arith.constant 0 : i32
    %dma_wait3A_510 = arith.constant 0 : i32
    %dma_wait3A_511 = tpu.memref_slice %arg2[%dma_wait3A_509, %dma_wait3A_510] : memref<100000x1024xf32, #tpu.memory_space<hbm>> -> memref<100000x1024xf32, #tpu.memory_space<hbm>>
    tpu.wait_indirect_dma semaphore(%arg10 : memref<!tpu.dma_semaphore, #tpu.memory_space<semaphore_mem>>) src(%dma_wait3A_511 : memref<100000x1024xf32, #tpu.memory_space<hbm>>) dst(%arg7 : memref<32x1024xf32, #tpu.memory_space<vmem>>)
    %add3A_512 = arith.constant 800 : i32
    %add3A_513 = arith.addi %mul3A_2, %add3A_512 : i32
    %dma_start3A_514 = arith.constant 0 : i32
    %dma_start3A_515 = tpu.memref_slice %arg4[%add3A_513, %dma_start3A_514] : memref<32768x1024xf32, #tpu.memory_space<hbm>> -> memref<32x1024xf32, #tpu.memory_space<hbm>>
    %dma_start3A_516 = arith.constant 0 : i32
    %dma_start3A_517 = tpu.memref_slice %arg4[%add3A_513, %dma_start3A_516] : memref<32768x1024xf32, #tpu.memory_space<hbm>> -> memref<32x1024xf32, #tpu.memory_space<hbm>>
    tpu.enqueue_dma source(%arg7 : memref<32x1024xf32, #tpu.memory_space<vmem>>) target(%dma_start3A_517 : memref<32x1024xf32, #tpu.memory_space<hbm>>) target_semaphore(%arg13 : memref<!tpu.dma_semaphore, #tpu.memory_space<semaphore_mem>>)
    %dma_wait3A_518 = arith.constant 0 : i32
    %dma_wait3A_519 = tpu.memref_slice %arg4[%add3A_493, %dma_wait3A_518] : memref<32768x1024xf32, #tpu.memory_space<hbm>> -> memref<32x1024xf32, #tpu.memory_space<hbm>>
    %dma_wait3A_520 = arith.constant 0 : i32
    %dma_wait3A_521 = tpu.memref_slice %arg4[%add3A_493, %dma_wait3A_520] : memref<32768x1024xf32, #tpu.memory_space<hbm>> -> memref<32x1024xf32, #tpu.memory_space<hbm>>
    tpu.wait_dma2 semaphore(%arg12 : memref<!tpu.dma_semaphore, #tpu.memory_space<semaphore_mem>>) src(%arg6 : memref<32x1024xf32, #tpu.memory_space<vmem>>) dst(%dma_wait3A_521 : memref<32x1024xf32, #tpu.memory_space<hbm>>)
    %dma_start3A_522 = arith.constant 864 : i32
    %dma_start3A_523 = tpu.memref_slice %arg5[%dma_start3A_522] : memref<1024xi32, #tpu.memory_space<vmem>> -> memref<32xi32, #tpu.memory_space<vmem>>
    %dma_start3A_524 = arith.constant 0 : i32
    %dma_start3A_525 = arith.constant 0 : i32
    %dma_start3A_526 = tpu.memref_slice %arg2[%dma_start3A_524, %dma_start3A_525] : memref<100000x1024xf32, #tpu.memory_space<hbm>> -> memref<100000x1024xf32, #tpu.memory_space<hbm>>
    tpu.enqueue_indirect_dma source(%dma_start3A_526 : memref<100000x1024xf32, #tpu.memory_space<hbm>>) target(%arg6 : memref<32x1024xf32, #tpu.memory_space<vmem>>) offsets(%dma_start3A_523 : memref<32xi32, #tpu.memory_space<vmem>>) semaphore(%arg9 : memref<!tpu.dma_semaphore, #tpu.memory_space<semaphore_mem>>)
    %dma_wait3A_527 = arith.constant 832 : i32
    %dma_wait3A_528 = tpu.memref_slice %arg5[%dma_wait3A_527] : memref<1024xi32, #tpu.memory_space<vmem>> -> memref<32xi32, #tpu.memory_space<vmem>>
    %dma_wait3A_529 = arith.constant 0 : i32
    %dma_wait3A_530 = arith.constant 0 : i32
    %dma_wait3A_531 = tpu.memref_slice %arg2[%dma_wait3A_529, %dma_wait3A_530] : memref<100000x1024xf32, #tpu.memory_space<hbm>> -> memref<100000x1024xf32, #tpu.memory_space<hbm>>
    tpu.wait_indirect_dma semaphore(%arg11 : memref<!tpu.dma_semaphore, #tpu.memory_space<semaphore_mem>>) src(%dma_wait3A_531 : memref<100000x1024xf32, #tpu.memory_space<hbm>>) dst(%arg8 : memref<32x1024xf32, #tpu.memory_space<vmem>>)
    %add3A_532 = arith.constant 832 : i32
    %add3A_533 = arith.addi %mul3A_2, %add3A_532 : i32
    %dma_start3A_534 = arith.constant 0 : i32
    %dma_start3A_535 = tpu.memref_slice %arg4[%add3A_533, %dma_start3A_534] : memref<32768x1024xf32, #tpu.memory_space<hbm>> -> memref<32x1024xf32, #tpu.memory_space<hbm>>
    %dma_start3A_536 = arith.constant 0 : i32
    %dma_start3A_537 = tpu.memref_slice %arg4[%add3A_533, %dma_start3A_536] : memref<32768x1024xf32, #tpu.memory_space<hbm>> -> memref<32x1024xf32, #tpu.memory_space<hbm>>
    tpu.enqueue_dma source(%arg8 : memref<32x1024xf32, #tpu.memory_space<vmem>>) target(%dma_start3A_537 : memref<32x1024xf32, #tpu.memory_space<hbm>>) target_semaphore(%arg14 : memref<!tpu.dma_semaphore, #tpu.memory_space<semaphore_mem>>)
    %dma_wait3A_538 = arith.constant 0 : i32
    %dma_wait3A_539 = tpu.memref_slice %arg4[%add3A_513, %dma_wait3A_538] : memref<32768x1024xf32, #tpu.memory_space<hbm>> -> memref<32x1024xf32, #tpu.memory_space<hbm>>
    %dma_wait3A_540 = arith.constant 0 : i32
    %dma_wait3A_541 = tpu.memref_slice %arg4[%add3A_513, %dma_wait3A_540] : memref<32768x1024xf32, #tpu.memory_space<hbm>> -> memref<32x1024xf32, #tpu.memory_space<hbm>>
    tpu.wait_dma2 semaphore(%arg13 : memref<!tpu.dma_semaphore, #tpu.memory_space<semaphore_mem>>) src(%arg7 : memref<32x1024xf32, #tpu.memory_space<vmem>>) dst(%dma_wait3A_541 : memref<32x1024xf32, #tpu.memory_space<hbm>>)
    %dma_start3A_542 = arith.constant 896 : i32
    %dma_start3A_543 = tpu.memref_slice %arg5[%dma_start3A_542] : memref<1024xi32, #tpu.memory_space<vmem>> -> memref<32xi32, #tpu.memory_space<vmem>>
    %dma_start3A_544 = arith.constant 0 : i32
    %dma_start3A_545 = arith.constant 0 : i32
    %dma_start3A_546 = tpu.memref_slice %arg2[%dma_start3A_544, %dma_start3A_545] : memref<100000x1024xf32, #tpu.memory_space<hbm>> -> memref<100000x1024xf32, #tpu.memory_space<hbm>>
    tpu.enqueue_indirect_dma source(%dma_start3A_546 : memref<100000x1024xf32, #tpu.memory_space<hbm>>) target(%arg7 : memref<32x1024xf32, #tpu.memory_space<vmem>>) offsets(%dma_start3A_543 : memref<32xi32, #tpu.memory_space<vmem>>) semaphore(%arg10 : memref<!tpu.dma_semaphore, #tpu.memory_space<semaphore_mem>>)
    %dma_wait3A_547 = arith.constant 864 : i32
    %dma_wait3A_548 = tpu.memref_slice %arg5[%dma_wait3A_547] : memref<1024xi32, #tpu.memory_space<vmem>> -> memref<32xi32, #tpu.memory_space<vmem>>
    %dma_wait3A_549 = arith.constant 0 : i32
    %dma_wait3A_550 = arith.constant 0 : i32
    %dma_wait3A_551 = tpu.memref_slice %arg2[%dma_wait3A_549, %dma_wait3A_550] : memref<100000x1024xf32, #tpu.memory_space<hbm>> -> memref<100000x1024xf32, #tpu.memory_space<hbm>>
    tpu.wait_indirect_dma semaphore(%arg9 : memref<!tpu.dma_semaphore, #tpu.memory_space<semaphore_mem>>) src(%dma_wait3A_551 : memref<100000x1024xf32, #tpu.memory_space<hbm>>) dst(%arg6 : memref<32x1024xf32, #tpu.memory_space<vmem>>)
    %add3A_552 = arith.constant 864 : i32
    %add3A_553 = arith.addi %mul3A_2, %add3A_552 : i32
    %dma_start3A_554 = arith.constant 0 : i32
    %dma_start3A_555 = tpu.memref_slice %arg4[%add3A_553, %dma_start3A_554] : memref<32768x1024xf32, #tpu.memory_space<hbm>> -> memref<32x1024xf32, #tpu.memory_space<hbm>>
    %dma_start3A_556 = arith.constant 0 : i32
    %dma_start3A_557 = tpu.memref_slice %arg4[%add3A_553, %dma_start3A_556] : memref<32768x1024xf32, #tpu.memory_space<hbm>> -> memref<32x1024xf32, #tpu.memory_space<hbm>>
    tpu.enqueue_dma source(%arg6 : memref<32x1024xf32, #tpu.memory_space<vmem>>) target(%dma_start3A_557 : memref<32x1024xf32, #tpu.memory_space<hbm>>) target_semaphore(%arg12 : memref<!tpu.dma_semaphore, #tpu.memory_space<semaphore_mem>>)
    %dma_wait3A_558 = arith.constant 0 : i32
    %dma_wait3A_559 = tpu.memref_slice %arg4[%add3A_533, %dma_wait3A_558] : memref<32768x1024xf32, #tpu.memory_space<hbm>> -> memref<32x1024xf32, #tpu.memory_space<hbm>>
    %dma_wait3A_560 = arith.constant 0 : i32
    %dma_wait3A_561 = tpu.memref_slice %arg4[%add3A_533, %dma_wait3A_560] : memref<32768x1024xf32, #tpu.memory_space<hbm>> -> memref<32x1024xf32, #tpu.memory_space<hbm>>
    tpu.wait_dma2 semaphore(%arg14 : memref<!tpu.dma_semaphore, #tpu.memory_space<semaphore_mem>>) src(%arg8 : memref<32x1024xf32, #tpu.memory_space<vmem>>) dst(%dma_wait3A_561 : memref<32x1024xf32, #tpu.memory_space<hbm>>)
    %dma_start3A_562 = arith.constant 928 : i32
    %dma_start3A_563 = tpu.memref_slice %arg5[%dma_start3A_562] : memref<1024xi32, #tpu.memory_space<vmem>> -> memref<32xi32, #tpu.memory_space<vmem>>
    %dma_start3A_564 = arith.constant 0 : i32
    %dma_start3A_565 = arith.constant 0 : i32
    %dma_start3A_566 = tpu.memref_slice %arg2[%dma_start3A_564, %dma_start3A_565] : memref<100000x1024xf32, #tpu.memory_space<hbm>> -> memref<100000x1024xf32, #tpu.memory_space<hbm>>
    tpu.enqueue_indirect_dma source(%dma_start3A_566 : memref<100000x1024xf32, #tpu.memory_space<hbm>>) target(%arg8 : memref<32x1024xf32, #tpu.memory_space<vmem>>) offsets(%dma_start3A_563 : memref<32xi32, #tpu.memory_space<vmem>>) semaphore(%arg11 : memref<!tpu.dma_semaphore, #tpu.memory_space<semaphore_mem>>)
    %dma_wait3A_567 = arith.constant 896 : i32
    %dma_wait3A_568 = tpu.memref_slice %arg5[%dma_wait3A_567] : memref<1024xi32, #tpu.memory_space<vmem>> -> memref<32xi32, #tpu.memory_space<vmem>>
    %dma_wait3A_569 = arith.constant 0 : i32
    %dma_wait3A_570 = arith.constant 0 : i32
    %dma_wait3A_571 = tpu.memref_slice %arg2[%dma_wait3A_569, %dma_wait3A_570] : memref<100000x1024xf32, #tpu.memory_space<hbm>> -> memref<100000x1024xf32, #tpu.memory_space<hbm>>
    tpu.wait_indirect_dma semaphore(%arg10 : memref<!tpu.dma_semaphore, #tpu.memory_space<semaphore_mem>>) src(%dma_wait3A_571 : memref<100000x1024xf32, #tpu.memory_space<hbm>>) dst(%arg7 : memref<32x1024xf32, #tpu.memory_space<vmem>>)
    %add3A_572 = arith.constant 896 : i32
    %add3A_573 = arith.addi %mul3A_2, %add3A_572 : i32
    %dma_start3A_574 = arith.constant 0 : i32
    %dma_start3A_575 = tpu.memref_slice %arg4[%add3A_573, %dma_start3A_574] : memref<32768x1024xf32, #tpu.memory_space<hbm>> -> memref<32x1024xf32, #tpu.memory_space<hbm>>
    %dma_start3A_576 = arith.constant 0 : i32
    %dma_start3A_577 = tpu.memref_slice %arg4[%add3A_573, %dma_start3A_576] : memref<32768x1024xf32, #tpu.memory_space<hbm>> -> memref<32x1024xf32, #tpu.memory_space<hbm>>
    tpu.enqueue_dma source(%arg7 : memref<32x1024xf32, #tpu.memory_space<vmem>>) target(%dma_start3A_577 : memref<32x1024xf32, #tpu.memory_space<hbm>>) target_semaphore(%arg13 : memref<!tpu.dma_semaphore, #tpu.memory_space<semaphore_mem>>)
    %dma_wait3A_578 = arith.constant 0 : i32
    %dma_wait3A_579 = tpu.memref_slice %arg4[%add3A_553, %dma_wait3A_578] : memref<32768x1024xf32, #tpu.memory_space<hbm>> -> memref<32x1024xf32, #tpu.memory_space<hbm>>
    %dma_wait3A_580 = arith.constant 0 : i32
    %dma_wait3A_581 = tpu.memref_slice %arg4[%add3A_553, %dma_wait3A_580] : memref<32768x1024xf32, #tpu.memory_space<hbm>> -> memref<32x1024xf32, #tpu.memory_space<hbm>>
    tpu.wait_dma2 semaphore(%arg12 : memref<!tpu.dma_semaphore, #tpu.memory_space<semaphore_mem>>) src(%arg6 : memref<32x1024xf32, #tpu.memory_space<vmem>>) dst(%dma_wait3A_581 : memref<32x1024xf32, #tpu.memory_space<hbm>>)
    %dma_start3A_582 = arith.constant 960 : i32
    %dma_start3A_583 = tpu.memref_slice %arg5[%dma_start3A_582] : memref<1024xi32, #tpu.memory_space<vmem>> -> memref<32xi32, #tpu.memory_space<vmem>>
    %dma_start3A_584 = arith.constant 0 : i32
    %dma_start3A_585 = arith.constant 0 : i32
    %dma_start3A_586 = tpu.memref_slice %arg2[%dma_start3A_584, %dma_start3A_585] : memref<100000x1024xf32, #tpu.memory_space<hbm>> -> memref<100000x1024xf32, #tpu.memory_space<hbm>>
    tpu.enqueue_indirect_dma source(%dma_start3A_586 : memref<100000x1024xf32, #tpu.memory_space<hbm>>) target(%arg6 : memref<32x1024xf32, #tpu.memory_space<vmem>>) offsets(%dma_start3A_583 : memref<32xi32, #tpu.memory_space<vmem>>) semaphore(%arg9 : memref<!tpu.dma_semaphore, #tpu.memory_space<semaphore_mem>>)
    %dma_wait3A_587 = arith.constant 928 : i32
    %dma_wait3A_588 = tpu.memref_slice %arg5[%dma_wait3A_587] : memref<1024xi32, #tpu.memory_space<vmem>> -> memref<32xi32, #tpu.memory_space<vmem>>
    %dma_wait3A_589 = arith.constant 0 : i32
    %dma_wait3A_590 = arith.constant 0 : i32
    %dma_wait3A_591 = tpu.memref_slice %arg2[%dma_wait3A_589, %dma_wait3A_590] : memref<100000x1024xf32, #tpu.memory_space<hbm>> -> memref<100000x1024xf32, #tpu.memory_space<hbm>>
    tpu.wait_indirect_dma semaphore(%arg11 : memref<!tpu.dma_semaphore, #tpu.memory_space<semaphore_mem>>) src(%dma_wait3A_591 : memref<100000x1024xf32, #tpu.memory_space<hbm>>) dst(%arg8 : memref<32x1024xf32, #tpu.memory_space<vmem>>)
    %add3A_592 = arith.constant 928 : i32
    %add3A_593 = arith.addi %mul3A_2, %add3A_592 : i32
    %dma_start3A_594 = arith.constant 0 : i32
    %dma_start3A_595 = tpu.memref_slice %arg4[%add3A_593, %dma_start3A_594] : memref<32768x1024xf32, #tpu.memory_space<hbm>> -> memref<32x1024xf32, #tpu.memory_space<hbm>>
    %dma_start3A_596 = arith.constant 0 : i32
    %dma_start3A_597 = tpu.memref_slice %arg4[%add3A_593, %dma_start3A_596] : memref<32768x1024xf32, #tpu.memory_space<hbm>> -> memref<32x1024xf32, #tpu.memory_space<hbm>>
    tpu.enqueue_dma source(%arg8 : memref<32x1024xf32, #tpu.memory_space<vmem>>) target(%dma_start3A_597 : memref<32x1024xf32, #tpu.memory_space<hbm>>) target_semaphore(%arg14 : memref<!tpu.dma_semaphore, #tpu.memory_space<semaphore_mem>>)
    %dma_wait3A_598 = arith.constant 0 : i32
    %dma_wait3A_599 = tpu.memref_slice %arg4[%add3A_573, %dma_wait3A_598] : memref<32768x1024xf32, #tpu.memory_space<hbm>> -> memref<32x1024xf32, #tpu.memory_space<hbm>>
    %dma_wait3A_600 = arith.constant 0 : i32
    %dma_wait3A_601 = tpu.memref_slice %arg4[%add3A_573, %dma_wait3A_600] : memref<32768x1024xf32, #tpu.memory_space<hbm>> -> memref<32x1024xf32, #tpu.memory_space<hbm>>
    tpu.wait_dma2 semaphore(%arg13 : memref<!tpu.dma_semaphore, #tpu.memory_space<semaphore_mem>>) src(%arg7 : memref<32x1024xf32, #tpu.memory_space<vmem>>) dst(%dma_wait3A_601 : memref<32x1024xf32, #tpu.memory_space<hbm>>)
    %dma_start3A_602 = arith.constant 992 : i32
    %dma_start3A_603 = tpu.memref_slice %arg5[%dma_start3A_602] : memref<1024xi32, #tpu.memory_space<vmem>> -> memref<32xi32, #tpu.memory_space<vmem>>
    %dma_start3A_604 = arith.constant 0 : i32
    %dma_start3A_605 = arith.constant 0 : i32
    %dma_start3A_606 = tpu.memref_slice %arg2[%dma_start3A_604, %dma_start3A_605] : memref<100000x1024xf32, #tpu.memory_space<hbm>> -> memref<100000x1024xf32, #tpu.memory_space<hbm>>
    tpu.enqueue_indirect_dma source(%dma_start3A_606 : memref<100000x1024xf32, #tpu.memory_space<hbm>>) target(%arg7 : memref<32x1024xf32, #tpu.memory_space<vmem>>) offsets(%dma_start3A_603 : memref<32xi32, #tpu.memory_space<vmem>>) semaphore(%arg10 : memref<!tpu.dma_semaphore, #tpu.memory_space<semaphore_mem>>)
    %dma_wait3A_607 = arith.constant 960 : i32
    %dma_wait3A_608 = tpu.memref_slice %arg5[%dma_wait3A_607] : memref<1024xi32, #tpu.memory_space<vmem>> -> memref<32xi32, #tpu.memory_space<vmem>>
    %dma_wait3A_609 = arith.constant 0 : i32
    %dma_wait3A_610 = arith.constant 0 : i32
    %dma_wait3A_611 = tpu.memref_slice %arg2[%dma_wait3A_609, %dma_wait3A_610] : memref<100000x1024xf32, #tpu.memory_space<hbm>> -> memref<100000x1024xf32, #tpu.memory_space<hbm>>
    tpu.wait_indirect_dma semaphore(%arg9 : memref<!tpu.dma_semaphore, #tpu.memory_space<semaphore_mem>>) src(%dma_wait3A_611 : memref<100000x1024xf32, #tpu.memory_space<hbm>>) dst(%arg6 : memref<32x1024xf32, #tpu.memory_space<vmem>>)
    %add3A_612 = arith.constant 960 : i32
    %add3A_613 = arith.addi %mul3A_2, %add3A_612 : i32
    %dma_start3A_614 = arith.constant 0 : i32
    %dma_start3A_615 = tpu.memref_slice %arg4[%add3A_613, %dma_start3A_614] : memref<32768x1024xf32, #tpu.memory_space<hbm>> -> memref<32x1024xf32, #tpu.memory_space<hbm>>
    %dma_start3A_616 = arith.constant 0 : i32
    %dma_start3A_617 = tpu.memref_slice %arg4[%add3A_613, %dma_start3A_616] : memref<32768x1024xf32, #tpu.memory_space<hbm>> -> memref<32x1024xf32, #tpu.memory_space<hbm>>
    tpu.enqueue_dma source(%arg6 : memref<32x1024xf32, #tpu.memory_space<vmem>>) target(%dma_start3A_617 : memref<32x1024xf32, #tpu.memory_space<hbm>>) target_semaphore(%arg12 : memref<!tpu.dma_semaphore, #tpu.memory_space<semaphore_mem>>)
    %dma_wait3A_618 = arith.constant 992 : i32
    %dma_wait3A_619 = tpu.memref_slice %arg5[%dma_wait3A_618] : memref<1024xi32, #tpu.memory_space<vmem>> -> memref<32xi32, #tpu.memory_space<vmem>>
    %dma_wait3A_620 = arith.constant 0 : i32
    %dma_wait3A_621 = arith.constant 0 : i32
    %dma_wait3A_622 = tpu.memref_slice %arg2[%dma_wait3A_620, %dma_wait3A_621] : memref<100000x1024xf32, #tpu.memory_space<hbm>> -> memref<100000x1024xf32, #tpu.memory_space<hbm>>
    tpu.wait_indirect_dma semaphore(%arg10 : memref<!tpu.dma_semaphore, #tpu.memory_space<semaphore_mem>>) src(%dma_wait3A_622 : memref<100000x1024xf32, #tpu.memory_space<hbm>>) dst(%arg7 : memref<32x1024xf32, #tpu.memory_space<vmem>>)
    %add3A_623 = arith.constant 992 : i32
    %add3A_624 = arith.addi %mul3A_2, %add3A_623 : i32
    %dma_start3A_625 = arith.constant 0 : i32
    %dma_start3A_626 = tpu.memref_slice %arg4[%add3A_624, %dma_start3A_625] : memref<32768x1024xf32, #tpu.memory_space<hbm>> -> memref<32x1024xf32, #tpu.memory_space<hbm>>
    %dma_start3A_627 = arith.constant 0 : i32
    %dma_start3A_628 = tpu.memref_slice %arg4[%add3A_624, %dma_start3A_627] : memref<32768x1024xf32, #tpu.memory_space<hbm>> -> memref<32x1024xf32, #tpu.memory_space<hbm>>
    tpu.enqueue_dma source(%arg7 : memref<32x1024xf32, #tpu.memory_space<vmem>>) target(%dma_start3A_628 : memref<32x1024xf32, #tpu.memory_space<hbm>>) target_semaphore(%arg13 : memref<!tpu.dma_semaphore, #tpu.memory_space<semaphore_mem>>)
    %dma_wait3A_629 = arith.constant 0 : i32
    %dma_wait3A_630 = tpu.memref_slice %arg4[%add3A_613, %dma_wait3A_629] : memref<32768x1024xf32, #tpu.memory_space<hbm>> -> memref<32x1024xf32, #tpu.memory_space<hbm>>
    %dma_wait3A_631 = arith.constant 0 : i32
    %dma_wait3A_632 = tpu.memref_slice %arg4[%add3A_613, %dma_wait3A_631] : memref<32768x1024xf32, #tpu.memory_space<hbm>> -> memref<32x1024xf32, #tpu.memory_space<hbm>>
    tpu.wait_dma2 semaphore(%arg12 : memref<!tpu.dma_semaphore, #tpu.memory_space<semaphore_mem>>) src(%arg6 : memref<32x1024xf32, #tpu.memory_space<vmem>>) dst(%dma_wait3A_632 : memref<32x1024xf32, #tpu.memory_space<hbm>>)
    %dma_wait3A_633 = arith.constant 0 : i32
    %dma_wait3A_634 = tpu.memref_slice %arg4[%add3A_624, %dma_wait3A_633] : memref<32768x1024xf32, #tpu.memory_space<hbm>> -> memref<32x1024xf32, #tpu.memory_space<hbm>>
    %dma_wait3A_635 = arith.constant 0 : i32
    %dma_wait3A_636 = tpu.memref_slice %arg4[%add3A_624, %dma_wait3A_635] : memref<32768x1024xf32, #tpu.memory_space<hbm>> -> memref<32x1024xf32, #tpu.memory_space<hbm>>
    tpu.wait_dma2 semaphore(%arg13 : memref<!tpu.dma_semaphore, #tpu.memory_space<semaphore_mem>>) src(%arg7 : memref<32x1024xf32, #tpu.memory_space<vmem>>) dst(%dma_wait3A_636 : memref<32x1024xf32, #tpu.memory_space<hbm>>)
    %dma_wait3A_637 = arith.constant 0 : i32
    %dma_wait3A_638 = tpu.memref_slice %arg4[%add3A_593, %dma_wait3A_637] : memref<32768x1024xf32, #tpu.memory_space<hbm>> -> memref<32x1024xf32, #tpu.memory_space<hbm>>
    %dma_wait3A_639 = arith.constant 0 : i32
    %dma_wait3A_640 = tpu.memref_slice %arg4[%add3A_593, %dma_wait3A_639] : memref<32768x1024xf32, #tpu.memory_space<hbm>> -> memref<32x1024xf32, #tpu.memory_space<hbm>>
    tpu.wait_dma2 semaphore(%arg14 : memref<!tpu.dma_semaphore, #tpu.memory_space<semaphore_mem>>) src(%arg8 : memref<32x1024xf32, #tpu.memory_space<vmem>>) dst(%dma_wait3A_640 : memref<32x1024xf32, #tpu.memory_space<hbm>>)
    return
  }
}

module attributes {stable_mosaic.version = 14 : i64} {
  func.func @_mm_body(%arg0: i32, %arg1: memref<1xf32, #tpu.memory_space<smem>>, %arg2: memref<512x1024xf32, #tpu.memory_space<vmem>>, %arg3: memref<512x1024xf32, #tpu.memory_space<vmem>>, %arg4: memref<512x1024xf32, #tpu.memory_space<vmem>>, %arg5: memref<512x1024xf32, #tpu.memory_space<vmem>>, %arg6: memref<1024x4096xbf16, #tpu.memory_space<vmem>>, %arg7: memref<1x1024xf32, #tpu.memory_space<vmem>>, %arg8: memref<512x1024xf32, #tpu.memory_space<vmem>>, %arg9: memref<512x1024xf32, #tpu.memory_space<vmem>>) attributes {dimension_semantics = [#tpu.dimension_semantics<arbitrary>], iteration_bounds = array<i64: 16>, scalar_prefetch = 0 : i64, scratch_operands = 0 : i64, tpu.core_type = #tpu.core_type<tc>, window_params = [{transform_indices = @transform_0, window_bounds = array<i64: 1>}, {transform_indices = @transform_1, window_bounds = array<i64: 512, 1024>}, {transform_indices = @transform_2, window_bounds = array<i64: 512, 1024>}, {transform_indices = @transform_3, window_bounds = array<i64: 512, 1024>}, {transform_indices = @transform_4, window_bounds = array<i64: 512, 1024>}, {pipeline_mode = #tpu.pipeline_mode<synchronous>, transform_indices = @transform_5, window_bounds = array<i64: 1024, 4096>}, {pipeline_mode = #tpu.pipeline_mode<synchronous>, transform_indices = @transform_6, window_bounds = array<i64: 1, 1024>}, {transform_indices = @transform_7, window_bounds = array<i64: 512, 1024>}, {transform_indices = @transform_8, window_bounds = array<i64: 512, 1024>}]} {
    %get3A = arith.constant 0 : index
    %get3A_0 = memref.load %arg1[%get3A] : memref<1xf32, #tpu.memory_space<smem>>
    %get3A_1 = arith.constant 0 : index
    %get3A_2 = arith.constant 0 : index
    %get3A_3 = vector.load %arg2[%get3A_1, %get3A_2] : memref<512x1024xf32, #tpu.memory_space<vmem>>, vector<512x1024xf32>
    %convert_element_type3A = arith.truncf %get3A_3 : vector<512x1024xf32> to vector<512x1024xbf16>
    %get3A_4 = arith.constant 0 : index
    %get3A_5 = arith.constant 0 : index
    %get3A_6 = vector.load %arg6[%get3A_4, %get3A_5] : memref<1024x4096xbf16, #tpu.memory_space<vmem>>, vector<1024x1024xbf16>
    %dot_general3A = arith.constant dense<0.000000e+00> : vector<512x1024xf32>
    %dot_general3A_7 = tpu.matmul %convert_element_type3A, %get3A_6, %dot_general3A {dimension_numbers = #tpu.dot_dimension_numbers<[1], [1], [0], [0], [0, 0, 1, 0], [], []>, transpose_lhs_hint = false} : vector<512x1024xbf16>, vector<1024x1024xbf16>, vector<512x1024xf32> -> vector<512x1024xf32>
    %get3A_8 = arith.constant 0 : index
    %get3A_9 = arith.constant 0 : index
    %get3A_10 = vector.load %arg3[%get3A_8, %get3A_9] : memref<512x1024xf32, #tpu.memory_space<vmem>>, vector<512x1024xf32>
    %convert_element_type3A_11 = arith.truncf %get3A_10 : vector<512x1024xf32> to vector<512x1024xbf16>
    %get3A_12 = arith.constant 0 : index
    %get3A_13 = arith.constant 1024 : index
    %get3A_14 = vector.load %arg6[%get3A_12, %get3A_13] : memref<1024x4096xbf16, #tpu.memory_space<vmem>>, vector<1024x1024xbf16>
    %dot_general3A_15 = arith.constant dense<0.000000e+00> : vector<512x1024xf32>
    %dot_general3A_16 = tpu.matmul %convert_element_type3A_11, %get3A_14, %dot_general3A_15 {dimension_numbers = #tpu.dot_dimension_numbers<[1], [1], [0], [0], [0, 0, 1, 0], [], []>, transpose_lhs_hint = false} : vector<512x1024xbf16>, vector<1024x1024xbf16>, vector<512x1024xf32> -> vector<512x1024xf32>
    %add3A = arith.addf %dot_general3A_7, %dot_general3A_16 : vector<512x1024xf32>
    %get3A_17 = arith.constant 0 : index
    %get3A_18 = arith.constant 0 : index
    %get3A_19 = vector.load %arg4[%get3A_17, %get3A_18] : memref<512x1024xf32, #tpu.memory_space<vmem>>, vector<512x1024xf32>
    %convert_element_type3A_20 = arith.truncf %get3A_19 : vector<512x1024xf32> to vector<512x1024xbf16>
    %get3A_21 = arith.constant 0 : index
    %get3A_22 = arith.constant 2048 : index
    %get3A_23 = vector.load %arg6[%get3A_21, %get3A_22] : memref<1024x4096xbf16, #tpu.memory_space<vmem>>, vector<1024x1024xbf16>
    %dot_general3A_24 = arith.constant dense<0.000000e+00> : vector<512x1024xf32>
    %dot_general3A_25 = tpu.matmul %convert_element_type3A_20, %get3A_23, %dot_general3A_24 {dimension_numbers = #tpu.dot_dimension_numbers<[1], [1], [0], [0], [0, 0, 1, 0], [], []>, transpose_lhs_hint = false} : vector<512x1024xbf16>, vector<1024x1024xbf16>, vector<512x1024xf32> -> vector<512x1024xf32>
    %add3A_26 = arith.addf %add3A, %dot_general3A_25 : vector<512x1024xf32>
    %get3A_27 = arith.constant 0 : index
    %get3A_28 = arith.constant 0 : index
    %get3A_29 = vector.load %arg5[%get3A_27, %get3A_28] : memref<512x1024xf32, #tpu.memory_space<vmem>>, vector<512x1024xf32>
    %convert_element_type3A_30 = arith.truncf %get3A_29 : vector<512x1024xf32> to vector<512x1024xbf16>
    %get3A_31 = arith.constant 0 : index
    %get3A_32 = arith.constant 3072 : index
    %get3A_33 = vector.load %arg6[%get3A_31, %get3A_32] : memref<1024x4096xbf16, #tpu.memory_space<vmem>>, vector<1024x1024xbf16>
    %dot_general3A_34 = arith.constant dense<0.000000e+00> : vector<512x1024xf32>
    %dot_general3A_35 = tpu.matmul %convert_element_type3A_30, %get3A_33, %dot_general3A_34 {dimension_numbers = #tpu.dot_dimension_numbers<[1], [1], [0], [0], [0, 0, 1, 0], [], []>, transpose_lhs_hint = false} : vector<512x1024xbf16>, vector<1024x1024xbf16>, vector<512x1024xf32> -> vector<512x1024xf32>
    %add3A_36 = arith.addf %add3A_26, %dot_general3A_35 : vector<512x1024xf32>
    %sub3A = arith.constant 1.000000e+00 : f32
    %sub3A_37 = arith.subf %sub3A, %get3A_0 : f32
    %get3A_38 = arith.constant 0 : index
    %get3A_39 = arith.constant 0 : index
    %get3A_40 = vector.load %arg8[%get3A_38, %get3A_39] : memref<512x1024xf32, #tpu.memory_space<vmem>>, vector<512x1024xf32>
    %mul3A = vector.broadcast %sub3A_37 : f32 to vector<512x1024xf32>
    %mul3A_41 = arith.mulf %mul3A, %get3A_40 : vector<512x1024xf32>
    %get3A_42 = arith.constant 0 : index
    %get3A_43 = arith.constant 0 : index
    %get3A_44 = vector.load %arg7[%get3A_42, %get3A_43] : memref<1x1024xf32, #tpu.memory_space<vmem>>, vector<1x1024xf32>
    %add3A_45 = vector.broadcast %get3A_44 : vector<1x1024xf32> to vector<512x1024xf32>
    %add3A_46 = arith.addf %add3A_36, %add3A_45 : vector<512x1024xf32>
    %mul3A_47 = vector.broadcast %get3A_0 : f32 to vector<512x1024xf32>
    %mul3A_48 = arith.mulf %mul3A_47, %add3A_46 : vector<512x1024xf32>
    %add3A_49 = arith.addf %mul3A_41, %mul3A_48 : vector<512x1024xf32>
    %swap3A = arith.constant 0 : index
    %swap3A_50 = arith.constant 0 : index
    %swap3A_51 = vector.load %arg9[%swap3A, %swap3A_50] : memref<512x1024xf32, #tpu.memory_space<vmem>>, vector<512x1024xf32>
    tpu.vector_store %arg9[%swap3A, %swap3A_50], %add3A_49 {strides = array<i32>} : memref<512x1024xf32, #tpu.memory_space<vmem>>, vector<512x1024xf32>,
    return
  }
  func.func @transform_0(%arg0: i32) -> i32 {
    %c0_i32 = arith.constant 0 : i32
    %c0_i32_0 = arith.constant 0 : i32
    return %c0_i32 : i32
  }
  func.func @transform_1(%arg0: i32) -> (i32, i32) {
    %add3A = arith.constant 0 : i32
    %add3A_0 = arith.addi %add3A, %arg0 : i32
    %c0_i32 = arith.constant 0 : i32
    %c0_i32_1 = arith.constant 0 : i32
    return %add3A_0, %c0_i32 : i32, i32
  }
  func.func @transform_2(%arg0: i32) -> (i32, i32) {
    %add3A = arith.constant 16 : i32
    %add3A_0 = arith.addi %add3A, %arg0 : i32
    %c0_i32 = arith.constant 0 : i32
    %c0_i32_1 = arith.constant 0 : i32
    return %add3A_0, %c0_i32 : i32, i32
  }
  func.func @transform_3(%arg0: i32) -> (i32, i32) {
    %add3A = arith.constant 32 : i32
    %add3A_0 = arith.addi %add3A, %arg0 : i32
    %c0_i32 = arith.constant 0 : i32
    %c0_i32_1 = arith.constant 0 : i32
    return %add3A_0, %c0_i32 : i32, i32
  }
  func.func @transform_4(%arg0: i32) -> (i32, i32) {
    %add3A = arith.constant 48 : i32
    %add3A_0 = arith.addi %add3A, %arg0 : i32
    %c0_i32 = arith.constant 0 : i32
    %c0_i32_1 = arith.constant 0 : i32
    return %add3A_0, %c0_i32 : i32, i32
  }
  func.func @transform_5(%arg0: i32) -> (i32, i32) {
    %c0_i32 = arith.constant 0 : i32
    %c0_i32_0 = arith.constant 0 : i32
    %c0_i32_1 = arith.constant 0 : i32
    return %c0_i32, %c0_i32_0 : i32, i32
  }
  func.func @transform_6(%arg0: i32) -> (i32, i32) {
    %c0_i32 = arith.constant 0 : i32
    %c0_i32_0 = arith.constant 0 : i32
    %c0_i32_1 = arith.constant 0 : i32
    return %c0_i32, %c0_i32_0 : i32, i32
  }
  func.func @transform_7(%arg0: i32) -> (i32, i32) {
    %c0_i32 = arith.constant 0 : i32
    %c0_i32_0 = arith.constant 0 : i32
    return %arg0, %c0_i32 : i32, i32
  }
  func.func @transform_8(%arg0: i32) -> (i32, i32) {
    %c0_i32 = arith.constant 0 : i32
    %c0_i32_0 = arith.constant 0 : i32
    return %arg0, %c0_i32 : i32, i32
  }
}

</mosaic_0001>

<sc_bundles>
// kernel: kernel.4.cloned.1.call-start
scs
__scs_entry_jumppad:
0x0: {  	(pc) =	sbr.rel $0x88, $3  }
0x1: {  	(tag) =	ssettag $0x0;
	lr =	simm.s32 $0x1  }
0x2: {  	[smem:$0x3F9A] =	sst lr;
	_ =	strace $0xD0000000  }
0x3: {  	_ = 	snop  }
0x4: {  	_ = 	snop  }
0x5: {  	_ = 	snop  }
0x6: {  	_ = 	snop  }
0x7: {  	_ = 	snop  }
__scs_overlays_trampoline_lowered:
0x8: {  	[smem:$0x3FA9] =	sst s0  }
0x9: {  	[smem:$0x3FAA] =	sst s1  }
0xa: {  	[smem:$0x3FAB] =	sst s2  }
0xb: {  	[smem:$0x3FAC] =	sst s3  }
0xc: {  	[smem:$0x3FAD] =	sst s4  }
0xd: {  	[smem:$0x3FAE] =	sst s5  }
0xe: {  	[smem:$0x3FAF] =	sst s6  }
0xf: {  	[smem:$0x3FB0] =	sst s7  }
0x10: {  	[smem:$0x3FB1] =	sst s8  }
0x11: {  	[smem:$0x3FB2] =	sst s9;
	s0 =	simm.s32 @!p0 $0x0  }
0x12: {  	s1 =	sld [smem:$0x3F98];
	s0 =	simm.s32 @p0 $0x1  }
0x13: {  	[smem:$0x3FB3] =	sst s0;
	s0 =	simm.s32 @!p1 $0x0  }
0x14: {  	s2 =	sld [smem:$0x3F97];
	s0 =	simm.s32 @p1 $0x1  }
0x15: {  	[smem:$0x3FB4] =	sst s0;
	s0 =	simm.s32 @!p2 $0x0  }
0x16: {  	s3 =	sld [smem:$0x3FDB];
	s0 =	simm.s32 @p2 $0x1  }
0x17: {  	s4 =	simm.s32 $0x1BF5;
	[smem:$0x3FB6] =	sst s0  }
0x18: {  	s0 =	sld [smem:$0x3F99];
	_ =	swait.ge [sflag:s4], $0x0  }
0x19: {  	s7 =	sld [smem:$0x3F9A]  }
0x1a: {  	s8 =	sadd.s32 $0xFFFFE003, lr  }
0x1b: {  	s9 =	sadd.s32 $0xFFFFFEF7, lr;
	s5 =	simm.s32 $0xFFFFFFFF;
	p2 =	slt.u32 s8, $0xFFFFF086  }
0x1c: {  	p1 =	slt.u32 s9, $0xF7A;
	s5 =	simm.s32 @!p2 $0x0  }
0x1d: {  	s5 =	simm.s32 @p1 $0x1;
	p0 =	seq.s32 s7, s2  }
0x1e: {  	s7 =	smul.u32 @!p0 $0xF7A, s2;
	p2 =	seq.s32 @!p0 s5, $0x0  }
0x1f: {  	s9 =	smul.u32 $0xF7A, s1;
	s8 =	simm.s32 @!p0 $0x1BF5;
	p2 =	por !p2, p0  }
0x20: {  	[sflag:s8] =	ssyncset.s32 @!p0 $0xFFFFF086;
	s6 =	sadd.s32 @!p0 s3, s7;
	s7 =	simm.s32 @!p0 $0x108  }
0x21: {  	s3 =	sadd.s32 s3, s9;
	s6 =	sadd.s32 @!p0 $0x88, s6;
	s7 =	simm.s32 @p2 $0x1082  }
0x22: {  	[simem:s7], [sflag:s8] =	dma.local @!p0 [hbm:s6], $0xF7A  }
0x23: {  	s9 =	sor.u32 $0xD0000000, s2;
	s6 =	simm.s32 $0x108;
	_ =	swait.ge @!p0 [sflag:s8], $0x0  }
0x24: {  	s3 =	sadd.s32 $0x88, s3;
	s6 =	simm.s32 @!p1 $0x1082;
	[sflag:s4] =	ssyncset.s32 $0xFFFFF086  }
0x25: {  	[simem:s6], [sflag:s4] =	dma.local [hbm:s3], $0xF7A  }
0x26: {  	[smem:$0x3F9A] =	sst s1;
	(tag) =	ssettag s2;
	_ =	strace s9  }
0x27: {  	s1 =	sld [smem:$0x3FAA]  }
0x28: {  	s2 =	sld [smem:$0x3FAB]  }
0x29: {  	s4 =	sld [smem:$0x3FAD]  }
0x2a: {  	p0 =	seq.s32 s5, $0x0;
	s5 =	sld [smem:$0x3FAE]  }
0x2b: {  	s6 =	sld [smem:$0x3FAF]  }
0x2c: {  	s7 =	sld [smem:$0x3FB0]  }
0x2d: {  	s3 =	simm.s32 $0x108;
	s8 =	sld [smem:$0x3FB1]  }
0x2e: {  	s3 =	simm.s32 @!p0 $0x1082;
	s9 =	sld [smem:$0x3FB2]  }
0x2f: {  	lr =	sadd.s32 s0, s3;
	s0 =	sld [smem:$0x3FA9]  }
0x30: {  	s3 =	sld [smem:$0x3FAC]  }
0x31: {  	[smem:$0x3FB5] =	sst s10  }
0x32: {  	s10 =	sld [smem:$0x3FB3];
	_ =	sdelay $0x3  }
0x33: {  	p0 =	seq.s32 s10, $0x1;
	s10 =	sld [smem:$0x3FB5];
	_ =	sdelay $0x3  }
0x34: {  	[smem:$0x3FB5] =	sst s10  }
0x35: {  	s10 =	sld [smem:$0x3FB4];
	_ =	sdelay $0x3  }
0x36: {  	p1 =	seq.s32 s10, $0x1;
	s10 =	sld [smem:$0x3FB5];
	_ =	sdelay $0x3  }
0x37: {  	[smem:$0x3FB5] =	sst s10  }
0x38: {  	s10 =	sld [smem:$0x3FB6]  }
0x39: {  	_ = 	snop;
	(pc) =	sbr.ind lr, $3  }
0x3a: {  	_ = 	snop  }
0x3b: {  	_ = 	snop  }
0x3c: {  	p2 =	seq.s32 s10, $0x1;
	s10 =	sld [smem:$0x3FB5]  }
0x3d: {  	_ =	shalt  }
0x3e: {  	_ =	shalt  }
0x3f: {  	_ =	shalt  }
0x40: {  	_ =	shalt  }
0x41: {  	_ =	shalt  }
0x42: {  	_ =	shalt  }
0x43: {  	_ =	shalt  }
0x44: {  	_ =	shalt  }
0x45: {  	_ =	shalt  }
0x46: {  	_ =	shalt  }
0x47: {  	_ =	shalt  }
0x48: {  	_ =	shalt  }
0x49: {  	_ =	shalt  }
0x4a: {  	_ =	shalt  }
0x4b: {  	_ =	shalt  }
0x4c: {  	_ =	shalt  }
0x4d: {  	_ =	shalt  }
0x4e: {  	_ =	shalt  }
0x4f: {  	_ =	shalt  }
0x50: {  	_ =	shalt  }
0x51: {  	_ =	shalt  }
0x52: {  	_ =	shalt  }
0x53: {  	_ =	shalt  }
0x54: {  	_ =	shalt  }
0x55: {  	_ =	shalt  }
0x56: {  	_ =	shalt  }
0x57: {  	_ =	shalt  }
0x58: {  	_ =	shalt  }
0x59: {  	_ =	shalt  }
0x5a: {  	_ =	shalt  }
0x5b: {  	_ =	shalt  }
0x5c: {  	_ =	shalt  }
0x5d: {  	_ =	shalt  }
0x5e: {  	_ =	shalt  }
0x5f: {  	_ =	shalt  }
0x60: {  	_ =	shalt  }
0x61: {  	_ =	shalt  }
0x62: {  	_ =	shalt  }
0x63: {  	_ =	shalt  }
0x64: {  	_ =	shalt  }
0x65: {  	_ =	shalt  }
0x66: {  	_ =	shalt  }
0x67: {  	_ =	shalt  }
0x68: {  	_ =	shalt  }
0x69: {  	_ =	shalt  }
0x6a: {  	_ =	shalt  }
0x6b: {  	_ =	shalt  }
0x6c: {  	_ =	shalt  }
0x6d: {  	_ =	shalt  }
0x6e: {  	_ =	shalt  }
0x6f: {  	_ =	shalt  }
0x70: {  	_ =	shalt  }
0x71: {  	_ =	shalt  }
0x72: {  	_ =	shalt  }
0x73: {  	_ =	shalt  }
0x74: {  	_ =	shalt  }
0x75: {  	_ =	shalt  }
0x76: {  	_ =	shalt  }
0x77: {  	_ =	shalt  }
0x78: {  	_ =	shalt  }
0x79: {  	_ =	shalt  }
0x7a: {  	_ =	shalt  }
0x7b: {  	_ =	shalt  }
0x7c: {  	_ =	shalt  }
0x7d: {  	_ =	shalt  }
0x7e: {  	_ =	shalt  }
0x7f: {  	_ =	shalt  }
0x80: {  	_ =	shalt  }
0x81: {  	_ =	shalt  }
0x82: {  	_ =	shalt  }
0x83: {  	_ =	shalt  }
0x84: {  	_ =	shalt  }
0x85: {  	_ =	shalt  }
0x86: {  	_ =	shalt  }
0x87: {  	_ =	shalt  }
.Lfunc_end0:
.L_simem_size_0:
called_computation_lowered:
.L_overlay_start_0:
0x88: {  	s2 =	sld [smem:$0x3FD9]  }
0x89: {  	s3 =	sld [smem:$0x3FFE];
	_ =	sdelay $0x1  }
0x8a: {  	s1 =	srdreg.scid  }
0x8b: {  	s0 =	sand.u32 $0x1, s1  }
0x8c: {  	s17 =	sshll.u32 s0, $0xA;
	s2 =	sadd.s32 s3, s2  }
0x8d: {  	s2 =	sadd.s32 s2, s17  }
0x8e: {  	[smem:$0x3FC1] =	sst s2  }
0x8f: {  	_ = 	snop  }
0x90: {  	s2 =	sld [smem:$0x3FC7]  }
0x91: {  	s18 =	sld [smem:$0x3FD0];
	(tm) =	ssettm $0x1  }
0x92: {  	s4 =	sld [smem:$0x3FFB];
	_ =	sdelay $0x3  }
0x93: {  	_ =	strace s4  }
0x94: {  	s4 =	sld [smem:$0x3FFC];
	_ =	sdelay $0x3  }
0x95: {  	_ =	strace s4  }
0x96: {  	s4 =	sld [smem:$0x3FFD];
	_ =	sdelay $0x3  }
0x97: {  	_ =	strace s4  }
0x98: {  	_ =	strace $0x8FFFFFFF  }
0x99: {  	s19 =	sld [smem:$0x3FDB];
	_ =	sdelay $0x1  }
0x9a: {  	s5 =	simm.s32 $_scs_section_size  }
0x9b: {  	s6 =	simm.s32 $_size__tile_overlayer_lowered;
	s7 =	simm.s32 $_tile_overlayer_lowered  }
0x9c: {  	s22 =	simm.s32 $0x1BFF;
	s21 =	sshll.u32 s7, $0x1;
	s4 =	sadd.s32 s5, s19  }
0x9d: {  	s8 =	simm.s32 $0x0;
	s20 =	sshll.u32 s6, $0x1;
	s6 =	sadd.s32 s21, s4  }
0x9e: {  	[timem:s8], [sflag:s22] =	dma.local [hbm:s6], s20  }
0x9f: {  	_ =	swait.ge [sflag:s22], s20  }
0xa0: {  	s5 =	ssub.s32 $0x0, s20;
	[sflag:s22] =	ssyncset.done $0x0  }
0xa1: {  	[sflag:s22] =	ssyncadd.s32 s5;
	_ =	sdelay $0x1  }
0xa2: {  	s23 =	simm.s32 $0x1B8B  }
0xa3: {  	_ =	swait.ge [sflag:s23], $0x1  }
0xa4: {  	[sflag:s23] =	ssyncset.done $0x0  }
0xa5: {  	s25 =	simm.s32 $0x1B8E;
	s24 =	sld [smem:$0x3FFE];
	[sflag:s23] =	ssyncadd.s32 $0xFFFFFFFF  }
0xa6: {  	s26 =	simm.s32 $execute0_lowered;
	[smem:$0x3FD2] =	sst s25  }
0xa7: {  	s6 =	sshll.u32 s26, $0x1;
	_ =	strace $0x80000046;
	[dreg:$0x1] =	wrdreg $0xFFFFFFFF  }
0xa8: {  	s28 =	simm.s32 $_size_execute0_lowered;
	s4 =	sadd.s32 s4, s6;
	[dreg:$0x0] =	wrdreg $0x0  }
0xa9: {  	s6 =	sshll.u32 s28, $0x1;
	[dreg:$0x2] =	wrdreg s4  }
0xaa: {  	[dreg:$0x3] =	wrdreg s6  }
0xab: {  	[dreg:$0x4] =	wrdreg $0xC0  }
0xac: {  	_ =	task [dreg:s8], $0x5FFFF  }
0xad: {  	[dreg:$0x1] =	wrdreg $0xFFFFFFFF  }
0xae: {  	[dreg:$0x0] =	wrdreg $0x60  }
0xaf: {  	[dreg:$0x2] =	wrdreg s2  }
0xb0: {  	[dreg:$0x3] =	wrdreg s18  }
0xb1: {  	[dreg:$0x4] =	wrdreg s24  }
0xb2: {  	[dreg:$0x5] =	wrdreg $0x9  }
0xb3: {  	_ =	task.clear_ibuf [dreg:s8], $0x6FFFF;
	_ =	strace $0x90000046  }
0xb4: {  	s29 =	simm.s32 $0x9;
	_ =	strace $0x80000048  }
0xb5: {  	_ =	swait.ge [sflag:s29], $0x1  }
0xb6: {  	[sflag:s29] =	ssyncadd.s32 $0xFFFFFFFF  }
0xb7: {  	_ =	strace $0x90000048  }
0xb8: {  	_ =	sfence  }
0xb9: {  	s30 =	sld [smem:$0x0];
	_ =	sdelay $0x2  }
0xba: {  	s31 =	sshll.u32 s1, $0xD;
	s1 =	sshrl.u32 s1, $0x2  }
0xbb: {  	s3 =	sand.u32 $0x4000, s31;
	s1 =	sadd.s32 s1, s30  }
0xbc: {  	s0 =	sor.u32 s3, s0;
	s1 =	sshll.u32 s1, $0x11  }
0xbd: {  	s0 =	sor.u32 s1, s0  }
0xbe: {  	s0 =	sadd.s32 $0x8F2B, s0  }
0xbf: {  	[sflag:s0] =	ssyncadd.remote.s32 $0x1  }
0xc0: {  	_ =	sfence.sel $0xFFFF  }
0xc1: {  	[dreg:$0x0] =	wrdreg $0xFFFFFFFF;
	(pc) =	sbr.abs _section_cstart, $3  }
0xc2: {  	[dreg:$0x1] =	wrdreg $0xFFFFFFFF  }
0xc3: {  	_ =	task.clear_ibuf [dreg:s8], $0x2FFFF;
	_ =	strace $0x9FFFFFFF  }
0xc4: {  	(tm) =	ssettm $0x7FFFFFFF  }
0xc5: {  	_ =	shalt  }
tec
execute0_lowered:
.L_overlay_start_1:
0x0: {  	(tag) =	ssettag $0x1  }
0x1: {  	s0 =	srdreg.scid  }
0x2: {  	s1 =	rddreg [dreg:$0x0];
	s3 =	stileid.u32;
	s2 =	sand.u32 $0x1, s0  }
0x3: {  	s4 =	rddreg [dreg:$0x1];
	s5 =	sshll.u32 s3, $0xB;
	s6 =	sshll.u32 s2, $0xA  }
0x4: {  	s26 =	rddreg [dreg:$0x2];
	s5 =	sor.u32 s6, s5  }
0x5: {  	s3 =	simm.s32 $0x0;
	s6 =	sshll.u32 s5, $0x7;
	s5 =	sshrl.u32 s5, $0x3  }
0x6: {  	[smem:$0x7FF] =	sst s3;
	s0 =	sadd.s32 s6, s26;
	s4 =	sadd.s32 s4, s5  }
0x7: {  	_ =	strace $0x80000047;
	[dreg:$0x4] =	wrdreg s4;
	s28 =	sadd.s32 $0x800, s0  }
0x8: {  	s29 =	sadd.s32 $0x1800, s0;
	[dreg:$0x5] =	wrdreg s28  }
0x9: {  	s30 =	sadd.s32 $0x2800, s0;
	[dreg:$0x6] =	wrdreg s29  }
0xa: {  	s31 =	sadd.s32 $0x3800, s0;
	[dreg:$0x7] =	wrdreg s30  }
0xb: {  	s5 =	sadd.s32 $0x4800, s0;
	[dreg:$0x8] =	wrdreg s31  }
0xc: {  	s6 =	sadd.s32 $0x5800, s0;
	[dreg:$0x9] =	wrdreg s5  }
0xd: {  	s7 =	sadd.s32 $0x6800, s0;
	[dreg:$0xa] =	wrdreg s6  }
0xe: {  	s8 =	sadd.s32 $0x7800, s0;
	[dreg:$0xb] =	wrdreg s7  }
0xf: {  	s9 =	sadd.s32 $0x8800, s0;
	[dreg:$0xc] =	wrdreg s8  }
0x10: {  	s10 =	sadd.s32 $0x9800, s0;
	[dreg:$0xd] =	wrdreg s9  }
0x11: {  	s11 =	sadd.s32 $0xA800, s0;
	[dreg:$0xe] =	wrdreg s10  }
0x12: {  	s12 =	sadd.s32 $0xB800, s0;
	[dreg:$0xf] =	wrdreg s11  }
0x13: {  	s13 =	sadd.s32 $0xC800, s0;
	[dreg:$0x10] =	wrdreg s12  }
0x14: {  	s14 =	sadd.s32 $0xD800, s0;
	[dreg:$0x11] =	wrdreg s13  }
0x15: {  	s15 =	sadd.s32 $0xE800, s0;
	[dreg:$0x12] =	wrdreg s14  }
0x16: {  	s16 =	sadd.s32 $0xF800, s0;
	[dreg:$0x13] =	wrdreg s15  }
0x17: {  	s17 =	sadd.s32 $0x10800, s0;
	[dreg:$0x14] =	wrdreg s16  }
0x18: {  	s18 =	sadd.s32 $0x11800, s0;
	[dreg:$0x15] =	wrdreg s17  }
0x19: {  	s19 =	sadd.s32 $0x12800, s0;
	[dreg:$0x16] =	wrdreg s18  }
0x1a: {  	s20 =	sadd.s32 $0x13800, s0;
	[dreg:$0x17] =	wrdreg s19  }
0x1b: {  	s21 =	sadd.s32 $0x14800, s0;
	[dreg:$0x18] =	wrdreg s20  }
0x1c: {  	s22 =	sadd.s32 $0x15800, s0;
	[dreg:$0x19] =	wrdreg s21  }
0x1d: {  	s23 =	sadd.s32 $0x16800, s0;
	[dreg:$0x1a] =	wrdreg s22  }
0x1e: {  	s24 =	sadd.s32 $0x17800, s0;
	[dreg:$0x1b] =	wrdreg s23  }
0x1f: {  	s2 =	ssub.s32 $0x2, s2;
	s25 =	sadd.s32 $0x18800, s0;
	[dreg:$0x1c] =	wrdreg s24  }
0x20: {  	s26 =	sadd.s32 $0x19800, s0;
	s4 =	sadd.s32 $0x100, s1;
	[dreg:$0x1d] =	wrdreg s25  }
0x21: {  	[dreg:$0x1e] =	wrdreg s26;
	s28 =	sadd.s32 $0x1A800, s0;
	s29 =	sshrl.u32 s2, $0x1  }
0x22: {  	s30 =	sadd.s32 $0x1B800, s0;
	s31 =	sadd.s32 $0x1C800, s0;
	s6 =	sadd.s32 $0x1D800, s0  }
0x23: {  	s5 =	sadd.s32 $0x200, s1;
	s7 =	sadd.s32 $0x1E800, s0;
	[dreg:$0x1f] =	wrdreg s28  }
0x24: {  	s0 =	sadd.s32 $0x1F800, s0;
	s17 =	simm.s32 $0x1;
	[smem:$0x7F9] =	sst s30  }
0x25: {  	s19 =	simm.s32 $0x2;
	s20 =	simm.s32 $0x4;
	[smem:$0x7FA] =	sst s31  }
0x26: {  	v2 =	vlaneseq.u32;
	s21 =	simm.s32 $0x3;
	s22 =	simm.s32 $0x5;
	[smem:$0x7FB] =	sst s6  }
0x27: {  	vm0 =	vmmov $0xffff;
	v1 =	vshrl.u32 v2, $0x3;
	s23 =	simm.s32 $0x6;
	s2 =	ssub.s32 s2, s29;
	[smem:$0x7FC] =	sst s7  }
0x28: {  	v0 =	vand.u32 $0x7, v2;
	v2 =	vor.u32 $0x8, v2;
	v1 =	vmul.u32 $0x8, v1;
	s6 =	sadd.s32 $0x300, s1;
	[smem:$0x7FD] =	sst s0;
	s0 =	smax.u32 s2, $0x1  }
.LBB2_1:
0x29: {  	[smem:$0x7F8] =	sst s0  }
0x2a: {  	s24 =	rddreg [dreg:$0x4];
	s9 =	simm.s32 $0x7  }
0x2b: {  	[tilespmem:s3], [sflag:$0x7] =	stream.linear.gather [hbm4b:s24+s3], $0x400, $0x38;
	[tilespmem:$0x18400] =	vst v63  }
0x2c: {  	_ =	swait.ge [sflag:s9], $0x400  }
0x2d: {  	[sflag:s9] =	ssyncset.done $0x0  }
0x2e: {  	[sflag:s9] =	ssyncadd.s32 $0xFFFFFC00  }
0x2f: {  	v3 =	vld [tilespmem:$0x0];
	_ =	sdelay $0x4  }
0x30: {  	v4 =	vshll.u32 v3, $0x3  }
0x31: {  	v3 =	vand.u32 $0x7, v3;
	v4 =	vand.u32 $0xFFFFFFC0, v4  }
0x32: {  	v3 =	vor.u32 v3, v4  }
0x33: {  	v4 =	vperm.xlane v3, v0;
	_ =	sdelay $0x1  }
0x34: {  	v4 =	vadd.s32 v1, v4;
	_ =	sdelay $0x3  }
0x35: {  	s10 =	simm.s32 $0x400  }
0x36: {  	[tilespmem:s10], [sflag:$0x1] =	stream.indirect_vreg.gather [hbm4b:s1+s3], $0x80, v4, vm0, $0xb8;
	[tilespmem:$0x18400] =	vst v63  }
0x37: {  	s11 =	simm.s32 $0xC00;
	v3 =	vperm.xlane v3, v2  }
0x38: {  	[tilespmem:s11], [sflag:$0x1] =	stream.indirect_vreg.gather [hbm4b:s4+s3], $0x80, v4, vm0, $0xb8;
	[tilespmem:$0x18400] =	vst v63  }
0x39: {  	s12 =	simm.s32 $0x1400;
	v3 =	vadd.s32 v1, v3  }
0x3a: {  	[tilespmem:s12], [sflag:$0x1] =	stream.indirect_vreg.gather [hbm4b:s5+s3], $0x80, v4, vm0, $0xb8;
	[tilespmem:$0x18400] =	vst v63  }
0x3b: {  	s13 =	simm.s32 $0x1C00  }
0x3c: {  	[tilespmem:s13], [sflag:$0x1] =	stream.indirect_vreg.gather [hbm4b:s6+s3], $0x80, v4, vm0, $0xb8;
	[tilespmem:$0x18400] =	vst v63  }
0x3d: {  	s14 =	simm.s32 $0x2400  }
0x3e: {  	[tilespmem:s14], [sflag:$0x1] =	stream.indirect_vreg.gather [hbm4b:s1+s3], $0x80, v3, vm0, $0xb8;
	[tilespmem:$0x18400] =	vst v63  }
0x3f: {  	s15 =	simm.s32 $0x2C00  }
0x40: {  	[tilespmem:s15], [sflag:$0x1] =	stream.indirect_vreg.gather [hbm4b:s4+s3], $0x80, v3, vm0, $0xb8;
	[tilespmem:$0x18400] =	vst v63  }
0x41: {  	s16 =	simm.s32 $0x3400  }
0x42: {  	[tilespmem:s16], [sflag:$0x1] =	stream.indirect_vreg.gather [hbm4b:s5+s3], $0x80, v3, vm0, $0xb8;
	[tilespmem:$0x18400] =	vst v63  }
0x43: {  	s18 =	simm.s32 $0x3C00  }
0x44: {  	[tilespmem:s18], [sflag:$0x1] =	stream.indirect_vreg.gather [hbm4b:s6+s3], $0x80, v3, vm0, $0xb8;
	[tilespmem:$0x18400] =	vst v63  }
0x45: {  	v3 =	vld [tilespmem:$0x10];
	_ =	sdelay $0x4  }
0x46: {  	v57 =	vshll.u32 v3, $0x3  }
0x47: {  	v3 =	vand.u32 $0x7, v3;
	v4 =	vand.u32 $0xFFFFFFC0, v57  }
0x48: {  	v3 =	vor.u32 v3, v4  }
0x49: {  	v4 =	vperm.xlane v3, v0;
	_ =	sdelay $0x1  }
0x4a: {  	v4 =	vadd.s32 v1, v4;
	_ =	sdelay $0x3  }
0x4b: {  	s24 =	simm.s32 $0x4400  }
0x4c: {  	[tilespmem:s24], [sflag:$0x1] =	stream.indirect_vreg.gather [hbm4b:s1+s3], $0x80, v4, vm0, $0xb8;
	[tilespmem:$0x18400] =	vst v63  }
0x4d: {  	s25 =	simm.s32 $0x4C00;
	v3 =	vperm.xlane v3, v2  }
0x4e: {  	[tilespmem:s25], [sflag:$0x1] =	stream.indirect_vreg.gather [hbm4b:s4+s3], $0x80, v4, vm0, $0xb8;
	[tilespmem:$0x18400] =	vst v63  }
0x4f: {  	s26 =	simm.s32 $0x5400;
	v3 =	vadd.s32 v1, v3  }
0x50: {  	[tilespmem:s26], [sflag:$0x1] =	stream.indirect_vreg.gather [hbm4b:s5+s3], $0x80, v4, vm0, $0xb8;
	[tilespmem:$0x18400] =	vst v63  }
0x51: {  	s28 =	simm.s32 $0x5C00  }
0x52: {  	[tilespmem:s28], [sflag:$0x1] =	stream.indirect_vreg.gather [hbm4b:s6+s3], $0x80, v4, vm0, $0xb8;
	[tilespmem:$0x18400] =	vst v63  }
0x53: {  	s29 =	simm.s32 $0x6400  }
0x54: {  	[tilespmem:s29], [sflag:$0x1] =	stream.indirect_vreg.gather [hbm4b:s1+s3], $0x80, v3, vm0, $0xb8;
	[tilespmem:$0x18400] =	vst v63  }
0x55: {  	s30 =	simm.s32 $0x6C00  }
0x56: {  	[tilespmem:s30], [sflag:$0x1] =	stream.indirect_vreg.gather [hbm4b:s4+s3], $0x80, v3, vm0, $0xb8;
	[tilespmem:$0x18400] =	vst v63  }
0x57: {  	s31 =	simm.s32 $0x7400  }
0x58: {  	[tilespmem:s31], [sflag:$0x1] =	stream.indirect_vreg.gather [hbm4b:s5+s3], $0x80, v3, vm0, $0xb8;
	[tilespmem:$0x18400] =	vst v63  }
0x59: {  	s13 =	simm.s32 $0x7C00  }
0x5a: {  	[tilespmem:s13], [sflag:$0x1] =	stream.indirect_vreg.gather [hbm4b:s6+s3], $0x80, v3, vm0, $0xb8;
	[tilespmem:$0x18400] =	vst v63  }
0x5b: {  	v3 =	vld [tilespmem:$0x20];
	_ =	sdelay $0x4  }
0x5c: {  	v58 =	vshll.u32 v3, $0x3  }
0x5d: {  	v3 =	vand.u32 $0x7, v3;
	v4 =	vand.u32 $0xFFFFFFC0, v58  }
0x5e: {  	v3 =	vor.u32 v3, v4  }
0x5f: {  	v4 =	vperm.xlane v3, v0;
	_ =	sdelay $0x1  }
0x60: {  	v4 =	vadd.s32 v1, v4;
	_ =	sdelay $0x3  }
0x61: {  	s16 =	simm.s32 $0x8400  }
0x62: {  	[tilespmem:s16], [sflag:$0x2] =	stream.indirect_vreg.gather [hbm4b:s1+s3], $0x80, v4, vm0, $0xb8;
	[tilespmem:$0x18400] =	vst v63  }
0x63: {  	s18 =	simm.s32 $0x8C00;
	v3 =	vperm.xlane v3, v2  }
0x64: {  	[tilespmem:s18], [sflag:$0x2] =	stream.indirect_vreg.gather [hbm4b:s4+s3], $0x80, v4, vm0, $0xb8;
	[tilespmem:$0x18400] =	vst v63  }
0x65: {  	s24 =	simm.s32 $0x9400;
	v3 =	vadd.s32 v1, v3  }
0x66: {  	[tilespmem:s24], [sflag:$0x2] =	stream.indirect_vreg.gather [hbm4b:s5+s3], $0x80, v4, vm0, $0xb8;
	[tilespmem:$0x18400] =	vst v63  }
0x67: {  	s25 =	simm.s32 $0x9C00  }
0x68: {  	[tilespmem:s25], [sflag:$0x2] =	stream.indirect_vreg.gather [hbm4b:s6+s3], $0x80, v4, vm0, $0xb8;
	[tilespmem:$0x18400] =	vst v63  }
0x69: {  	s26 =	simm.s32 $0xA400  }
0x6a: {  	[tilespmem:s26], [sflag:$0x2] =	stream.indirect_vreg.gather [hbm4b:s1+s3], $0x80, v3, vm0, $0xb8;
	[tilespmem:$0x18400] =	vst v63  }
0x6b: {  	s28 =	simm.s32 $0xAC00  }
0x6c: {  	[tilespmem:s28], [sflag:$0x2] =	stream.indirect_vreg.gather [hbm4b:s4+s3], $0x80, v3, vm0, $0xb8;
	[tilespmem:$0x18400] =	vst v63  }
0x6d: {  	s13 =	simm.s32 $0xB400  }
0x6e: {  	[tilespmem:s13], [sflag:$0x2] =	stream.indirect_vreg.gather [hbm4b:s5+s3], $0x80, v3, vm0, $0xb8;
	[tilespmem:$0x18400] =	vst v63  }
0x6f: {  	s16 =	simm.s32 $0xBC00  }
0x70: {  	[tilespmem:s16], [sflag:$0x2] =	stream.indirect_vreg.gather [hbm4b:s6+s3], $0x80, v3, vm0, $0xb8;
	[tilespmem:$0x18400] =	vst v63  }
0x71: {  	v3 =	vld [tilespmem:$0x30];
	_ =	sdelay $0x4  }
0x72: {  	v59 =	vshll.u32 v3, $0x3  }
0x73: {  	v3 =	vand.u32 $0x7, v3;
	v4 =	vand.u32 $0xFFFFFFC0, v59  }
0x74: {  	v3 =	vor.u32 v3, v4  }
0x75: {  	v4 =	vperm.xlane v3, v0;
	_ =	sdelay $0x1  }
0x76: {  	v4 =	vadd.s32 v1, v4;
	_ =	sdelay $0x3  }
0x77: {  	s18 =	simm.s32 $0xC400  }
0x78: {  	[tilespmem:s18], [sflag:$0x2] =	stream.indirect_vreg.gather [hbm4b:s1+s3], $0x80, v4, vm0, $0xb8;
	[tilespmem:$0x18400] =	vst v63  }
0x79: {  	s24 =	simm.s32 $0xCC00;
	v3 =	vperm.xlane v3, v2  }
0x7a: {  	[tilespmem:s24], [sflag:$0x2] =	stream.indirect_vreg.gather [hbm4b:s4+s3], $0x80, v4, vm0, $0xb8;
	[tilespmem:$0x18400] =	vst v63  }
0x7b: {  	s25 =	simm.s32 $0xD400;
	v3 =	vadd.s32 v1, v3  }
0x7c: {  	[tilespmem:s25], [sflag:$0x2] =	stream.indirect_vreg.gather [hbm4b:s5+s3], $0x80, v4, vm0, $0xb8;
	[tilespmem:$0x18400] =	vst v63  }
0x7d: {  	s26 =	simm.s32 $0xDC00  }
0x7e: {  	[tilespmem:s26], [sflag:$0x2] =	stream.indirect_vreg.gather [hbm4b:s6+s3], $0x80, v4, vm0, $0xb8;
	[tilespmem:$0x18400] =	vst v63  }
0x7f: {  	s28 =	simm.s32 $0xE400  }
0x80: {  	[tilespmem:s28], [sflag:$0x2] =	stream.indirect_vreg.gather [hbm4b:s1+s3], $0x80, v3, vm0, $0xb8;
	[tilespmem:$0x18400] =	vst v63  }
0x81: {  	s16 =	simm.s32 $0xEC00  }
0x82: {  	[tilespmem:s16], [sflag:$0x2] =	stream.indirect_vreg.gather [hbm4b:s4+s3], $0x80, v3, vm0, $0xb8;
	[tilespmem:$0x18400] =	vst v63  }
0x83: {  	s18 =	simm.s32 $0xF400  }
0x84: {  	[tilespmem:s18], [sflag:$0x2] =	stream.indirect_vreg.gather [hbm4b:s5+s3], $0x80, v3, vm0, $0xb8;
	[tilespmem:$0x18400] =	vst v63  }
0x85: {  	s24 =	simm.s32 $0xFC00  }
0x86: {  	[tilespmem:s24], [sflag:$0x2] =	stream.indirect_vreg.gather [hbm4b:s6+s3], $0x80, v3, vm0, $0xb8;
	[tilespmem:$0x18400] =	vst v63  }
0x87: {  	_ =	swait.ge [sflag:s17], $0x8000  }
0x88: {  	[sflag:s17] =	ssyncset.done $0x0  }
0x89: {  	s9 =	simm.s32 $0x400;
	s25 =	rddreg [dreg:$0x5];
	[sflag:s17] =	ssyncadd.s32 $0xFFFF8000  }
0x8a: {  	[hbm4b:s25+s3] =	stream.linear.scatter [tilespmem:s9], [sflag:$0x4], $0x8000, $0x38;
	[tilespmem:$0x18400] =	vst v63  }
0x8b: {  	v3 =	vld [tilespmem:$0x40];
	_ =	sdelay $0x4  }
0x8c: {  	v60 =	vshll.u32 v3, $0x3  }
0x8d: {  	v3 =	vand.u32 $0x7, v3;
	v4 =	vand.u32 $0xFFFFFFC0, v60  }
0x8e: {  	v3 =	vor.u32 v3, v4  }
0x8f: {  	v4 =	vperm.xlane v3, v0;
	_ =	sdelay $0x1  }
0x90: {  	v4 =	vadd.s32 v1, v4;
	_ =	sdelay $0x3  }
0x91: {  	s26 =	simm.s32 $0x10400  }
0x92: {  	[tilespmem:s26], [sflag:$0x3] =	stream.indirect_vreg.gather [hbm4b:s1+s3], $0x80, v4, vm0, $0xb8;
	[tilespmem:$0x18400] =	vst v63  }
0x93: {  	s28 =	simm.s32 $0x10C00;
	v3 =	vperm.xlane v3, v2  }
0x94: {  	[tilespmem:s28], [sflag:$0x3] =	stream.indirect_vreg.gather [hbm4b:s4+s3], $0x80, v4, vm0, $0xb8;
	[tilespmem:$0x18400] =	vst v63  }
0x95: {  	s16 =	simm.s32 $0x11400;
	v3 =	vadd.s32 v1, v3  }
0x96: {  	[tilespmem:s16], [sflag:$0x3] =	stream.indirect_vreg.gather [hbm4b:s5+s3], $0x80, v4, vm0, $0xb8;
	[tilespmem:$0x18400] =	vst v63  }
0x97: {  	s18 =	simm.s32 $0x11C00  }
0x98: {  	[tilespmem:s18], [sflag:$0x3] =	stream.indirect_vreg.gather [hbm4b:s6+s3], $0x80, v4, vm0, $0xb8;
	[tilespmem:$0x18400] =	vst v63  }
0x99: {  	s24 =	simm.s32 $0x12400  }
0x9a: {  	[tilespmem:s24], [sflag:$0x3] =	stream.indirect_vreg.gather [hbm4b:s1+s3], $0x80, v3, vm0, $0xb8;
	[tilespmem:$0x18400] =	vst v63  }
0x9b: {  	s26 =	simm.s32 $0x12C00  }
0x9c: {  	[tilespmem:s26], [sflag:$0x3] =	stream.indirect_vreg.gather [hbm4b:s4+s3], $0x80, v3, vm0, $0xb8;
	[tilespmem:$0x18400] =	vst v63  }
0x9d: {  	s28 =	simm.s32 $0x13400  }
0x9e: {  	[tilespmem:s28], [sflag:$0x3] =	stream.indirect_vreg.gather [hbm4b:s5+s3], $0x80, v3, vm0, $0xb8;
	[tilespmem:$0x18400] =	vst v63  }
0x9f: {  	s16 =	simm.s32 $0x13C00  }
0xa0: {  	[tilespmem:s16], [sflag:$0x3] =	stream.indirect_vreg.gather [hbm4b:s6+s3], $0x80, v3, vm0, $0xb8;
	[tilespmem:$0x18400] =	vst v63  }
0xa1: {  	v3 =	vld [tilespmem:$0x50];
	_ =	sdelay $0x4  }
0xa2: {  	v61 =	vshll.u32 v3, $0x3  }
0xa3: {  	v3 =	vand.u32 $0x7, v3;
	v4 =	vand.u32 $0xFFFFFFC0, v61  }
0xa4: {  	v3 =	vor.u32 v3, v4  }
0xa5: {  	v4 =	vperm.xlane v3, v0;
	_ =	sdelay $0x1  }
0xa6: {  	v4 =	vadd.s32 v1, v4;
	_ =	sdelay $0x3  }
0xa7: {  	s18 =	simm.s32 $0x14400  }
0xa8: {  	[tilespmem:s18], [sflag:$0x3] =	stream.indirect_vreg.gather [hbm4b:s1+s3], $0x80, v4, vm0, $0xb8;
	[tilespmem:$0x18400] =	vst v63  }
0xa9: {  	s24 =	simm.s32 $0x14C00;
	v3 =	vperm.xlane v3, v2  }
0xaa: {  	[tilespmem:s24], [sflag:$0x3] =	stream.indirect_vreg.gather [hbm4b:s4+s3], $0x80, v4, vm0, $0xb8;
	[tilespmem:$0x18400] =	vst v63  }
0xab: {  	s26 =	simm.s32 $0x15400;
	v3 =	vadd.s32 v1, v3  }
0xac: {  	[tilespmem:s26], [sflag:$0x3] =	stream.indirect_vreg.gather [hbm4b:s5+s3], $0x80, v4, vm0, $0xb8;
	[tilespmem:$0x18400] =	vst v63  }
0xad: {  	s28 =	simm.s32 $0x15C00  }
0xae: {  	[tilespmem:s28], [sflag:$0x3] =	stream.indirect_vreg.gather [hbm4b:s6+s3], $0x80, v4, vm0, $0xb8;
	[tilespmem:$0x18400] =	vst v63  }
0xaf: {  	s16 =	simm.s32 $0x16400  }
0xb0: {  	[tilespmem:s16], [sflag:$0x3] =	stream.indirect_vreg.gather [hbm4b:s1+s3], $0x80, v3, vm0, $0xb8;
	[tilespmem:$0x18400] =	vst v63  }
0xb1: {  	s18 =	simm.s32 $0x16C00  }
0xb2: {  	[tilespmem:s18], [sflag:$0x3] =	stream.indirect_vreg.gather [hbm4b:s4+s3], $0x80, v3, vm0, $0xb8;
	[tilespmem:$0x18400] =	vst v63  }
0xb3: {  	s24 =	simm.s32 $0x17400  }
0xb4: {  	[tilespmem:s24], [sflag:$0x3] =	stream.indirect_vreg.gather [hbm4b:s5+s3], $0x80, v3, vm0, $0xb8;
	[tilespmem:$0x18400] =	vst v63  }
0xb5: {  	s26 =	simm.s32 $0x17C00  }
0xb6: {  	[tilespmem:s26], [sflag:$0x3] =	stream.indirect_vreg.gather [hbm4b:s6+s3], $0x80, v3, vm0, $0xb8;
	[tilespmem:$0x18400] =	vst v63  }
0xb7: {  	_ =	swait.ge [sflag:s19], $0x8000  }
0xb8: {  	[sflag:s19] =	ssyncset.done $0x0  }
0xb9: {  	s0 =	simm.s32 $0x8400;
	s28 =	rddreg [dreg:$0x6];
	[sflag:s19] =	ssyncadd.s32 $0xFFFF8000  }
0xba: {  	[hbm4b:s28+s3] =	stream.linear.scatter [tilespmem:s0], [sflag:$0x5], $0x8000, $0x38;
	[tilespmem:$0x18400] =	vst v63  }
0xbb: {  	_ =	swait.ge [sflag:s20], $0x8000  }
0xbc: {  	[sflag:s20] =	ssyncset.done $0x0  }
0xbd: {  	[sflag:s20] =	ssyncadd.s32 $0xFFFF8000  }
0xbe: {  	v3 =	vld [tilespmem:$0x60];
	_ =	sdelay $0x4  }
0xbf: {  	v62 =	vshll.u32 v3, $0x3  }
0xc0: {  	v3 =	vand.u32 $0x7, v3;
	v4 =	vand.u32 $0xFFFFFFC0, v62  }
0xc1: {  	v3 =	vor.u32 v3, v4  }
0xc2: {  	v4 =	vperm.xlane v3, v0;
	_ =	sdelay $0x1  }
0xc3: {  	v4 =	vadd.s32 v1, v4;
	_ =	sdelay $0x3  }
0xc4: {  	s9 =	simm.s32 $0x400  }
0xc5: {  	[tilespmem:s9], [sflag:$0x1] =	stream.indirect_vreg.gather [hbm4b:s1+s3], $0x80, v4, vm0, $0xb8;
	[tilespmem:$0x18400] =	vst v63  }
0xc6: {  	s18 =	simm.s32 $0xC00;
	v3 =	vperm.xlane v3, v2  }
0xc7: {  	[tilespmem:s18], [sflag:$0x1] =	stream.indirect_vreg.gather [hbm4b:s4+s3], $0x80, v4, vm0, $0xb8;
	[tilespmem:$0x18400] =	vst v63  }
0xc8: {  	s7 =	simm.s32 $0x1400;
	v3 =	vadd.s32 v1, v3  }
0xc9: {  	[tilespmem:s7], [sflag:$0x1] =	stream.indirect_vreg.gather [hbm4b:s5+s3], $0x80, v4, vm0, $0xb8;
	[tilespmem:$0x18400] =	vst v63  }
0xca: {  	s8 =	simm.s32 $0x1C00  }
0xcb: {  	[tilespmem:s8], [sflag:$0x1] =	stream.indirect_vreg.gather [hbm4b:s6+s3], $0x80, v4, vm0, $0xb8;
	[tilespmem:$0x18400] =	vst v63  }
0xcc: {  	s10 =	simm.s32 $0x2400  }
0xcd: {  	[tilespmem:s10], [sflag:$0x1] =	stream.indirect_vreg.gather [hbm4b:s1+s3], $0x80, v3, vm0, $0xb8;
	[tilespmem:$0x18400] =	vst v63  }
0xce: {  	s14 =	simm.s32 $0x2C00  }
0xcf: {  	[tilespmem:s14], [sflag:$0x1] =	stream.indirect_vreg.gather [hbm4b:s4+s3], $0x80, v3, vm0, $0xb8;
	[tilespmem:$0x18400] =	vst v63  }
0xd0: {  	s15 =	simm.s32 $0x3400  }
0xd1: {  	[tilespmem:s15], [sflag:$0x1] =	stream.indirect_vreg.gather [hbm4b:s5+s3], $0x80, v3, vm0, $0xb8;
	[tilespmem:$0x18400] =	vst v63  }
0xd2: {  	s16 =	simm.s32 $0x3C00  }
0xd3: {  	[tilespmem:s16], [sflag:$0x1] =	stream.indirect_vreg.gather [hbm4b:s6+s3], $0x80, v3, vm0, $0xb8;
	[tilespmem:$0x18400] =	vst v63  }
0xd4: {  	v3 =	vld [tilespmem:$0x70];
	_ =	sdelay $0x4  }
0xd5: {  	v63 =	vshll.u32 v3, $0x3  }
0xd6: {  	v3 =	vand.u32 $0x7, v3;
	v4 =	vand.u32 $0xFFFFFFC0, v63  }
0xd7: {  	v3 =	vor.u32 v3, v4  }
0xd8: {  	v4 =	vperm.xlane v3, v0;
	_ =	sdelay $0x1  }
0xd9: {  	v4 =	vadd.s32 v1, v4;
	_ =	sdelay $0x3  }
0xda: {  	s26 =	simm.s32 $0x4400  }
0xdb: {  	[tilespmem:s26], [sflag:$0x1] =	stream.indirect_vreg.gather [hbm4b:s1+s3], $0x80, v4, vm0, $0xb8;
	[tilespmem:$0x18400] =	vst v63  }
0xdc: {  	s28 =	simm.s32 $0x4C00;
	v3 =	vperm.xlane v3, v2  }
0xdd: {  	[tilespmem:s28], [sflag:$0x1] =	stream.indirect_vreg.gather [hbm4b:s4+s3], $0x80, v4, vm0, $0xb8;
	[tilespmem:$0x18400] =	vst v63  }
0xde: {  	s2 =	simm.s32 $0x5400;
	v3 =	vadd.s32 v1, v3  }
0xdf: {  	[tilespmem:s2], [sflag:$0x1] =	stream.indirect_vreg.gather [hbm4b:s5+s3], $0x80, v4, vm0, $0xb8;
	[tilespmem:$0x18400] =	vst v63  }
0xe0: {  	s11 =	simm.s32 $0x5C00  }
0xe1: {  	[tilespmem:s11], [sflag:$0x1] =	stream.indirect_vreg.gather [hbm4b:s6+s3], $0x80, v4, vm0, $0xb8;
	[tilespmem:$0x18400] =	vst v63  }
0xe2: {  	s12 =	simm.s32 $0x6400  }
0xe3: {  	[tilespmem:s12], [sflag:$0x1] =	stream.indirect_vreg.gather [hbm4b:s1+s3], $0x80, v3, vm0, $0xb8;
	[tilespmem:$0x18400] =	vst v63  }
0xe4: {  	s29 =	simm.s32 $0x6C00  }
0xe5: {  	[tilespmem:s29], [sflag:$0x1] =	stream.indirect_vreg.gather [hbm4b:s4+s3], $0x80, v3, vm0, $0xb8;
	[tilespmem:$0x18400] =	vst v63  }
0xe6: {  	s30 =	simm.s32 $0x7400  }
0xe7: {  	[tilespmem:s30], [sflag:$0x1] =	stream.indirect_vreg.gather [hbm4b:s5+s3], $0x80, v3, vm0, $0xb8;
	[tilespmem:$0x18400] =	vst v63  }
0xe8: {  	s29 =	simm.s32 $0x7C00  }
0xe9: {  	[tilespmem:s29], [sflag:$0x1] =	stream.indirect_vreg.gather [hbm4b:s6+s3], $0x80, v3, vm0, $0xb8;
	[tilespmem:$0x18400] =	vst v63  }
0xea: {  	_ =	swait.ge [sflag:s21], $0x8000  }
0xeb: {  	[sflag:s21] =	ssyncset.done $0x0  }
0xec: {  	s30 =	simm.s32 $0x10400;
	s10 =	rddreg [dreg:$0x7];
	[sflag:s21] =	ssyncadd.s32 $0xFFFF8000  }
0xed: {  	[hbm4b:s10+s3] =	stream.linear.scatter [tilespmem:s30], [sflag:$0x6], $0x8000, $0x38;
	[tilespmem:$0x18400] =	vst v63  }
0xee: {  	_ =	swait.ge [sflag:s22], $0x8000  }
0xef: {  	[sflag:s22] =	ssyncset.done $0x0  }
0xf0: {  	[sflag:s22] =	ssyncadd.s32 $0xFFFF8000  }
0xf1: {  	v3 =	vld [tilespmem:$0x80];
	_ =	sdelay $0x4  }
0xf2: {  	v8 =	vshll.u32 v3, $0x3  }
0xf3: {  	v3 =	vand.u32 $0x7, v3;
	v4 =	vand.u32 $0xFFFFFFC0, v8  }
0xf4: {  	v3 =	vor.u32 v3, v4  }
0xf5: {  	v4 =	vperm.xlane v3, v0;
	_ =	sdelay $0x1  }
0xf6: {  	v4 =	vadd.s32 v1, v4;
	_ =	sdelay $0x4  }
0xf7: {  	[tilespmem:s0], [sflag:$0x2] =	stream.indirect_vreg.gather [hbm4b:s1+s3], $0x80, v4, vm0, $0xb8;
	[tilespmem:$0x18400] =	vst v63  }
0xf8: {  	s31 =	simm.s32 $0x8C00;
	v3 =	vperm.xlane v3, v2  }
0xf9: {  	[tilespmem:s31], [sflag:$0x2] =	stream.indirect_vreg.gather [hbm4b:s4+s3], $0x80, v4, vm0, $0xb8;
	[tilespmem:$0x18400] =	vst v63  }
0xfa: {  	s11 =	simm.s32 $0x9400;
	v3 =	vadd.s32 v1, v3  }
0xfb: {  	[tilespmem:s11], [sflag:$0x2] =	stream.indirect_vreg.gather [hbm4b:s5+s3], $0x80, v4, vm0, $0xb8;
	[tilespmem:$0x18400] =	vst v63  }
0xfc: {  	s12 =	simm.s32 $0x9C00  }
0xfd: {  	[tilespmem:s12], [sflag:$0x2] =	stream.indirect_vreg.gather [hbm4b:s6+s3], $0x80, v4, vm0, $0xb8;
	[tilespmem:$0x18400] =	vst v63  }
0xfe: {  	s14 =	simm.s32 $0xA400  }
0xff: {  	[tilespmem:s14], [sflag:$0x2] =	stream.indirect_vreg.gather [hbm4b:s1+s3], $0x80, v3, vm0, $0xb8;
	[tilespmem:$0x18400] =	vst v63  }
0x100: {  	s15 =	simm.s32 $0xAC00  }
0x101: {  	[tilespmem:s15], [sflag:$0x2] =	stream.indirect_vreg.gather [hbm4b:s4+s3], $0x80, v3, vm0, $0xb8;
	[tilespmem:$0x18400] =	vst v63  }
0x102: {  	s10 =	simm.s32 $0xB400  }
0x103: {  	[tilespmem:s10], [sflag:$0x2] =	stream.indirect_vreg.gather [hbm4b:s5+s3], $0x80, v3, vm0, $0xb8;
	[tilespmem:$0x18400] =	vst v63  }
0x104: {  	s24 =	simm.s32 $0xBC00  }
0x105: {  	[tilespmem:s24], [sflag:$0x2] =	stream.indirect_vreg.gather [hbm4b:s6+s3], $0x80, v3, vm0, $0xb8;
	[tilespmem:$0x18400] =	vst v63  }
0x106: {  	v3 =	vld [tilespmem:$0x90];
	_ =	sdelay $0x4  }
0x107: {  	v9 =	vshll.u32 v3, $0x3  }
0x108: {  	v3 =	vand.u32 $0x7, v3;
	v4 =	vand.u32 $0xFFFFFFC0, v9  }
0x109: {  	v3 =	vor.u32 v3, v4  }
0x10a: {  	v4 =	vperm.xlane v3, v0;
	_ =	sdelay $0x1  }
0x10b: {  	v4 =	vadd.s32 v1, v4;
	_ =	sdelay $0x3  }
0x10c: {  	s31 =	simm.s32 $0xC400  }
0x10d: {  	[tilespmem:s31], [sflag:$0x2] =	stream.indirect_vreg.gather [hbm4b:s1+s3], $0x80, v4, vm0, $0xb8;
	[tilespmem:$0x18400] =	vst v63  }
0x10e: {  	s13 =	simm.s32 $0xCC00;
	v3 =	vperm.xlane v3, v2  }
0x10f: {  	[tilespmem:s13], [sflag:$0x2] =	stream.indirect_vreg.gather [hbm4b:s4+s3], $0x80, v4, vm0, $0xb8;
	[tilespmem:$0x18400] =	vst v63  }
0x110: {  	s11 =	simm.s32 $0xD400;
	v3 =	vadd.s32 v1, v3  }
0x111: {  	[tilespmem:s11], [sflag:$0x2] =	stream.indirect_vreg.gather [hbm4b:s5+s3], $0x80, v4, vm0, $0xb8;
	[tilespmem:$0x18400] =	vst v63  }
0x112: {  	s12 =	simm.s32 $0xDC00  }
0x113: {  	[tilespmem:s12], [sflag:$0x2] =	stream.indirect_vreg.gather [hbm4b:s6+s3], $0x80, v4, vm0, $0xb8;
	[tilespmem:$0x18400] =	vst v63  }
0x114: {  	s13 =	simm.s32 $0xE400  }
0x115: {  	[tilespmem:s13], [sflag:$0x2] =	stream.indirect_vreg.gather [hbm4b:s1+s3], $0x80, v3, vm0, $0xb8;
	[tilespmem:$0x18400] =	vst v63  }
0x116: {  	s14 =	simm.s32 $0xEC00  }
0x117: {  	[tilespmem:s14], [sflag:$0x2] =	stream.indirect_vreg.gather [hbm4b:s4+s3], $0x80, v3, vm0, $0xb8;
	[tilespmem:$0x18400] =	vst v63  }
0x118: {  	s15 =	simm.s32 $0xF400  }
0x119: {  	[tilespmem:s15], [sflag:$0x2] =	stream.indirect_vreg.gather [hbm4b:s5+s3], $0x80, v3, vm0, $0xb8;
	[tilespmem:$0x18400] =	vst v63  }
0x11a: {  	s7 =	simm.s32 $0xFC00  }
0x11b: {  	[tilespmem:s7], [sflag:$0x2] =	stream.indirect_vreg.gather [hbm4b:s6+s3], $0x80, v3, vm0, $0xb8;
	[tilespmem:$0x18400] =	vst v63  }
0x11c: {  	_ =	swait.ge [sflag:s17], $0x8000  }
0x11d: {  	[sflag:s17] =	ssyncset.done $0x0  }
0x11e: {  	s9 =	simm.s32 $0x400;
	s8 =	rddreg [dreg:$0x8];
	[sflag:s17] =	ssyncadd.s32 $0xFFFF8000  }
0x11f: {  	[hbm4b:s8+s3] =	stream.linear.scatter [tilespmem:s9], [sflag:$0x4], $0x8000, $0x38;
	[tilespmem:$0x18400] =	vst v63  }
0x120: {  	_ =	swait.ge [sflag:s23], $0x8000  }
0x121: {  	[sflag:s23] =	ssyncset.done $0x0  }
0x122: {  	[sflag:s23] =	ssyncadd.s32 $0xFFFF8000  }
0x123: {  	v3 =	vld [tilespmem:$0xA0];
	_ =	sdelay $0x4  }
0x124: {  	v10 =	vshll.u32 v3, $0x3  }
0x125: {  	v3 =	vand.u32 $0x7, v3;
	v4 =	vand.u32 $0xFFFFFFC0, v10  }
0x126: {  	v3 =	vor.u32 v3, v4  }
0x127: {  	v4 =	vperm.xlane v3, v0;
	_ =	sdelay $0x1  }
0x128: {  	v4 =	vadd.s32 v1, v4;
	_ =	sdelay $0x4  }
0x129: {  	[tilespmem:s30], [sflag:$0x3] =	stream.indirect_vreg.gather [hbm4b:s1+s3], $0x80, v4, vm0, $0xb8;
	[tilespmem:$0x18400] =	vst v63  }
0x12a: {  	s25 =	simm.s32 $0x10C00;
	v3 =	vperm.xlane v3, v2  }
0x12b: {  	[tilespmem:s25], [sflag:$0x3] =	stream.indirect_vreg.gather [hbm4b:s4+s3], $0x80, v4, vm0, $0xb8;
	[tilespmem:$0x18400] =	vst v63  }
0x12c: {  	v3 =	vadd.s32 v1, v3;
	s30 =	simm.s32 $0x11400  }
0x12d: {  	[tilespmem:s30], [sflag:$0x3] =	stream.indirect_vreg.gather [hbm4b:s5+s3], $0x80, v4, vm0, $0xb8;
	[tilespmem:$0x18400] =	vst v63  }
0x12e: {  	s31 =	simm.s32 $0x11C00  }
0x12f: {  	[tilespmem:s31], [sflag:$0x3] =	stream.indirect_vreg.gather [hbm4b:s6+s3], $0x80, v4, vm0, $0xb8;
	[tilespmem:$0x18400] =	vst v63  }
0x130: {  	s9 =	simm.s32 $0x12400  }
0x131: {  	[tilespmem:s9], [sflag:$0x3] =	stream.indirect_vreg.gather [hbm4b:s1+s3], $0x80, v3, vm0, $0xb8;
	[tilespmem:$0x18400] =	vst v63  }
0x132: {  	s25 =	simm.s32 $0x12C00  }
0x133: {  	[tilespmem:s25], [sflag:$0x3] =	stream.indirect_vreg.gather [hbm4b:s4+s3], $0x80, v3, vm0, $0xb8;
	[tilespmem:$0x18400] =	vst v63  }
0x134: {  	s24 =	simm.s32 $0x13400  }
0x135: {  	[tilespmem:s24], [sflag:$0x3] =	stream.indirect_vreg.gather [hbm4b:s5+s3], $0x80, v3, vm0, $0xb8;
	[tilespmem:$0x18400] =	vst v63  }
0x136: {  	s24 =	simm.s32 $0x13C00  }
0x137: {  	[tilespmem:s24], [sflag:$0x3] =	stream.indirect_vreg.gather [hbm4b:s6+s3], $0x80, v3, vm0, $0xb8;
	[tilespmem:$0x18400] =	vst v63  }
0x138: {  	v3 =	vld [tilespmem:$0xB0];
	_ =	sdelay $0x4  }
0x139: {  	v11 =	vshll.u32 v3, $0x3  }
0x13a: {  	v3 =	vand.u32 $0x7, v3;
	v4 =	vand.u32 $0xFFFFFFC0, v11  }
0x13b: {  	v3 =	vor.u32 v3, v4  }
0x13c: {  	v4 =	vperm.xlane v3, v0;
	_ =	sdelay $0x1  }
0x13d: {  	v4 =	vadd.s32 v1, v4;
	_ =	sdelay $0x3  }
0x13e: {  	s24 =	simm.s32 $0x14400  }
0x13f: {  	[tilespmem:s24], [sflag:$0x3] =	stream.indirect_vreg.gather [hbm4b:s1+s3], $0x80, v4, vm0, $0xb8;
	[tilespmem:$0x18400] =	vst v63  }
0x140: {  	v3 =	vperm.xlane v3, v2;
	s24 =	simm.s32 $0x14C00  }
0x141: {  	[tilespmem:s24], [sflag:$0x3] =	stream.indirect_vreg.gather [hbm4b:s4+s3], $0x80, v4, vm0, $0xb8;
	[tilespmem:$0x18400] =	vst v63  }
0x142: {  	v3 =	vadd.s32 v1, v3;
	s24 =	simm.s32 $0x15400  }
0x143: {  	[tilespmem:s24], [sflag:$0x3] =	stream.indirect_vreg.gather [hbm4b:s5+s3], $0x80, v4, vm0, $0xb8;
	[tilespmem:$0x18400] =	vst v63  }
0x144: {  	s24 =	simm.s32 $0x15C00  }
0x145: {  	[tilespmem:s24], [sflag:$0x3] =	stream.indirect_vreg.gather [hbm4b:s6+s3], $0x80, v4, vm0, $0xb8;
	[tilespmem:$0x18400] =	vst v63  }
0x146: {  	s24 =	simm.s32 $0x16400  }
0x147: {  	[tilespmem:s24], [sflag:$0x3] =	stream.indirect_vreg.gather [hbm4b:s1+s3], $0x80, v3, vm0, $0xb8;
	[tilespmem:$0x18400] =	vst v63  }
0x148: {  	s24 =	simm.s32 $0x16C00  }
0x149: {  	[tilespmem:s24], [sflag:$0x3] =	stream.indirect_vreg.gather [hbm4b:s4+s3], $0x80, v3, vm0, $0xb8;
	[tilespmem:$0x18400] =	vst v63  }
0x14a: {  	s24 =	simm.s32 $0x17400  }
0x14b: {  	[tilespmem:s24], [sflag:$0x3] =	stream.indirect_vreg.gather [hbm4b:s5+s3], $0x80, v3, vm0, $0xb8;
	[tilespmem:$0x18400] =	vst v63  }
0x14c: {  	s24 =	simm.s32 $0x17C00  }
0x14d: {  	[tilespmem:s24], [sflag:$0x3] =	stream.indirect_vreg.gather [hbm4b:s6+s3], $0x80, v3, vm0, $0xb8;
	[tilespmem:$0x18400] =	vst v63  }
0x14e: {  	_ =	swait.ge [sflag:s19], $0x8000  }
0x14f: {  	[sflag:s19] =	ssyncset.done $0x0  }
0x150: {  	s2 =	simm.s32 $0x8400;
	s8 =	rddreg [dreg:$0x9];
	[sflag:s19] =	ssyncadd.s32 $0xFFFF8000  }
0x151: {  	[hbm4b:s8+s3] =	stream.linear.scatter [tilespmem:s2], [sflag:$0x5], $0x8000, $0x38;
	[tilespmem:$0x18400] =	vst v63  }
0x152: {  	_ =	swait.ge [sflag:s20], $0x8000  }
0x153: {  	[sflag:s20] =	ssyncset.done $0x0  }
0x154: {  	[sflag:s20] =	ssyncadd.s32 $0xFFFF8000  }
0x155: {  	v3 =	vld [tilespmem:$0xC0];
	_ =	sdelay $0x4  }
0x156: {  	v12 =	vshll.u32 v3, $0x3  }
0x157: {  	v3 =	vand.u32 $0x7, v3;
	v4 =	vand.u32 $0xFFFFFFC0, v12  }
0x158: {  	v3 =	vor.u32 v3, v4  }
0x159: {  	v4 =	vperm.xlane v3, v0;
	_ =	sdelay $0x1  }
0x15a: {  	v4 =	vadd.s32 v1, v4;
	_ =	sdelay $0x3  }
0x15b: {  	s0 =	simm.s32 $0x400  }
0x15c: {  	[tilespmem:s0], [sflag:$0x1] =	stream.indirect_vreg.gather [hbm4b:s1+s3], $0x80, v4, vm0, $0xb8;
	[tilespmem:$0x18400] =	vst v63  }
0x15d: {  	v3 =	vperm.xlane v3, v2  }
0x15e: {  	[tilespmem:s18], [sflag:$0x1] =	stream.indirect_vreg.gather [hbm4b:s4+s3], $0x80, v4, vm0, $0xb8;
	[tilespmem:$0x18400] =	vst v63  }
0x15f: {  	v3 =	vadd.s32 v1, v3;
	s18 =	simm.s32 $0x1400  }
0x160: {  	[tilespmem:s18], [sflag:$0x1] =	stream.indirect_vreg.gather [hbm4b:s5+s3], $0x80, v4, vm0, $0xb8;
	[tilespmem:$0x18400] =	vst v63  }
0x161: {  	s24 =	simm.s32 $0x1C00  }
0x162: {  	[tilespmem:s24], [sflag:$0x1] =	stream.indirect_vreg.gather [hbm4b:s6+s3], $0x80, v4, vm0, $0xb8;
	[tilespmem:$0x18400] =	vst v63  }
0x163: {  	s24 =	simm.s32 $0x2400  }
0x164: {  	[tilespmem:s24], [sflag:$0x1] =	stream.indirect_vreg.gather [hbm4b:s1+s3], $0x80, v3, vm0, $0xb8;
	[tilespmem:$0x18400] =	vst v63  }
0x165: {  	s24 =	simm.s32 $0x2C00  }
0x166: {  	[tilespmem:s24], [sflag:$0x1] =	stream.indirect_vreg.gather [hbm4b:s4+s3], $0x80, v3, vm0, $0xb8;
	[tilespmem:$0x18400] =	vst v63  }
0x167: {  	s24 =	simm.s32 $0x3400  }
0x168: {  	[tilespmem:s24], [sflag:$0x1] =	stream.indirect_vreg.gather [hbm4b:s5+s3], $0x80, v3, vm0, $0xb8;
	[tilespmem:$0x18400] =	vst v63  }
0x169: {  	_ = 	snop  }
0x16a: {  	[tilespmem:s16], [sflag:$0x1] =	stream.indirect_vreg.gather [hbm4b:s6+s3], $0x80, v3, vm0, $0xb8;
	[tilespmem:$0x18400] =	vst v63  }
0x16b: {  	v3 =	vld [tilespmem:$0xD0];
	_ =	sdelay $0x4  }
0x16c: {  	v13 =	vshll.u32 v3, $0x3  }
0x16d: {  	v3 =	vand.u32 $0x7, v3;
	v4 =	vand.u32 $0xFFFFFFC0, v13  }
0x16e: {  	v3 =	vor.u32 v3, v4  }
0x16f: {  	v4 =	vperm.xlane v3, v0;
	_ =	sdelay $0x1  }
0x170: {  	v4 =	vadd.s32 v1, v4;
	_ =	sdelay $0x4  }
0x171: {  	[tilespmem:s26], [sflag:$0x1] =	stream.indirect_vreg.gather [hbm4b:s1+s3], $0x80, v4, vm0, $0xb8;
	[tilespmem:$0x18400] =	vst v63  }
0x172: {  	v3 =	vperm.xlane v3, v2  }
0x173: {  	[tilespmem:s28], [sflag:$0x1] =	stream.indirect_vreg.gather [hbm4b:s4+s3], $0x80, v4, vm0, $0xb8;
	[tilespmem:$0x18400] =	vst v63  }
0x174: {  	v3 =	vadd.s32 v1, v3;
	s26 =	simm.s32 $0x5400  }
0x175: {  	[tilespmem:s26], [sflag:$0x1] =	stream.indirect_vreg.gather [hbm4b:s5+s3], $0x80, v4, vm0, $0xb8;
	[tilespmem:$0x18400] =	vst v63  }
0x176: {  	s28 =	simm.s32 $0x5C00  }
0x177: {  	[tilespmem:s28], [sflag:$0x1] =	stream.indirect_vreg.gather [hbm4b:s6+s3], $0x80, v4, vm0, $0xb8;
	[tilespmem:$0x18400] =	vst v63  }
0x178: {  	s24 =	simm.s32 $0x6400  }
0x179: {  	[tilespmem:s24], [sflag:$0x1] =	stream.indirect_vreg.gather [hbm4b:s1+s3], $0x80, v3, vm0, $0xb8;
	[tilespmem:$0x18400] =	vst v63  }
0x17a: {  	s16 =	simm.s32 $0x6C00  }
0x17b: {  	[tilespmem:s16], [sflag:$0x1] =	stream.indirect_vreg.gather [hbm4b:s4+s3], $0x80, v3, vm0, $0xb8;
	[tilespmem:$0x18400] =	vst v63  }
0x17c: {  	s24 =	simm.s32 $0x7400  }
0x17d: {  	[tilespmem:s24], [sflag:$0x1] =	stream.indirect_vreg.gather [hbm4b:s5+s3], $0x80, v3, vm0, $0xb8;
	[tilespmem:$0x18400] =	vst v63  }
0x17e: {  	_ = 	snop  }
0x17f: {  	[tilespmem:s29], [sflag:$0x1] =	stream.indirect_vreg.gather [hbm4b:s6+s3], $0x80, v3, vm0, $0xb8;
	[tilespmem:$0x18400] =	vst v63  }
0x180: {  	_ =	swait.ge [sflag:s21], $0x8000  }
0x181: {  	[sflag:s21] =	ssyncset.done $0x0  }
0x182: {  	s7 =	simm.s32 $0x10400;
	s16 =	rddreg [dreg:$0xa];
	[sflag:s21] =	ssyncadd.s32 $0xFFFF8000  }
0x183: {  	[hbm4b:s16+s3] =	stream.linear.scatter [tilespmem:s7], [sflag:$0x6], $0x8000, $0x38;
	[tilespmem:$0x18400] =	vst v63  }
0x184: {  	_ =	swait.ge [sflag:s22], $0x8000  }
0x185: {  	[sflag:s22] =	ssyncset.done $0x0  }
0x186: {  	[sflag:s22] =	ssyncadd.s32 $0xFFFF8000  }
0x187: {  	v3 =	vld [tilespmem:$0xE0];
	_ =	sdelay $0x4  }
0x188: {  	v14 =	vshll.u32 v3, $0x3  }
0x189: {  	v3 =	vand.u32 $0x7, v3;
	v4 =	vand.u32 $0xFFFFFFC0, v14  }
0x18a: {  	v3 =	vor.u32 v3, v4  }
0x18b: {  	v4 =	vperm.xlane v3, v0;
	_ =	sdelay $0x1  }
0x18c: {  	v4 =	vadd.s32 v1, v4;
	_ =	sdelay $0x3  }
0x18d: {  	s2 =	simm.s32 $0x8400  }
0x18e: {  	[tilespmem:s2], [sflag:$0x2] =	stream.indirect_vreg.gather [hbm4b:s1+s3], $0x80, v4, vm0, $0xb8;
	[tilespmem:$0x18400] =	vst v63  }
0x18f: {  	s16 =	simm.s32 $0x8C00;
	v3 =	vperm.xlane v3, v2  }
0x190: {  	[tilespmem:s16], [sflag:$0x2] =	stream.indirect_vreg.gather [hbm4b:s4+s3], $0x80, v4, vm0, $0xb8;
	[tilespmem:$0x18400] =	vst v63  }
0x191: {  	s24 =	simm.s32 $0x9400;
	v3 =	vadd.s32 v1, v3  }
0x192: {  	[tilespmem:s24], [sflag:$0x2] =	stream.indirect_vreg.gather [hbm4b:s5+s3], $0x80, v4, vm0, $0xb8;
	[tilespmem:$0x18400] =	vst v63  }
0x193: {  	s7 =	simm.s32 $0x9C00  }
0x194: {  	[tilespmem:s7], [sflag:$0x2] =	stream.indirect_vreg.gather [hbm4b:s6+s3], $0x80, v4, vm0, $0xb8;
	[tilespmem:$0x18400] =	vst v63  }
0x195: {  	s24 =	simm.s32 $0xA400  }
0x196: {  	[tilespmem:s24], [sflag:$0x2] =	stream.indirect_vreg.gather [hbm4b:s1+s3], $0x80, v3, vm0, $0xb8;
	[tilespmem:$0x18400] =	vst v63  }
0x197: {  	s7 =	simm.s32 $0xAC00  }
0x198: {  	[tilespmem:s7], [sflag:$0x2] =	stream.indirect_vreg.gather [hbm4b:s4+s3], $0x80, v3, vm0, $0xb8;
	[tilespmem:$0x18400] =	vst v63  }
0x199: {  	_ = 	snop  }
0x19a: {  	[tilespmem:s10], [sflag:$0x2] =	stream.indirect_vreg.gather [hbm4b:s5+s3], $0x80, v3, vm0, $0xb8;
	[tilespmem:$0x18400] =	vst v63  }
0x19b: {  	s10 =	simm.s32 $0xBC00  }
0x19c: {  	[tilespmem:s10], [sflag:$0x2] =	stream.indirect_vreg.gather [hbm4b:s6+s3], $0x80, v3, vm0, $0xb8;
	[tilespmem:$0x18400] =	vst v63  }
0x19d: {  	v3 =	vld [tilespmem:$0xF0];
	_ =	sdelay $0x4  }
0x19e: {  	v15 =	vshll.u32 v3, $0x3  }
0x19f: {  	v3 =	vand.u32 $0x7, v3;
	v4 =	vand.u32 $0xFFFFFFC0, v15  }
0x1a0: {  	v3 =	vor.u32 v3, v4  }
0x1a1: {  	v4 =	vperm.xlane v3, v0;
	_ =	sdelay $0x1  }
0x1a2: {  	v4 =	vadd.s32 v1, v4;
	_ =	sdelay $0x3  }
0x1a3: {  	s2 =	simm.s32 $0xC400  }
0x1a4: {  	[tilespmem:s2], [sflag:$0x2] =	stream.indirect_vreg.gather [hbm4b:s1+s3], $0x80, v4, vm0, $0xb8;
	[tilespmem:$0x18400] =	vst v63  }
0x1a5: {  	s7 =	simm.s32 $0xCC00;
	v3 =	vperm.xlane v3, v2  }
0x1a6: {  	[tilespmem:s7], [sflag:$0x2] =	stream.indirect_vreg.gather [hbm4b:s4+s3], $0x80, v4, vm0, $0xb8;
	[tilespmem:$0x18400] =	vst v63  }
0x1a7: {  	v3 =	vadd.s32 v1, v3  }
0x1a8: {  	[tilespmem:s11], [sflag:$0x2] =	stream.indirect_vreg.gather [hbm4b:s5+s3], $0x80, v4, vm0, $0xb8;
	[tilespmem:$0x18400] =	vst v63  }
0x1a9: {  	_ = 	snop  }
0x1aa: {  	[tilespmem:s12], [sflag:$0x2] =	stream.indirect_vreg.gather [hbm4b:s6+s3], $0x80, v4, vm0, $0xb8;
	[tilespmem:$0x18400] =	vst v63  }
0x1ab: {  	_ = 	snop  }
0x1ac: {  	[tilespmem:s13], [sflag:$0x2] =	stream.indirect_vreg.gather [hbm4b:s1+s3], $0x80, v3, vm0, $0xb8;
	[tilespmem:$0x18400] =	vst v63  }
0x1ad: {  	_ = 	snop  }
0x1ae: {  	[tilespmem:s14], [sflag:$0x2] =	stream.indirect_vreg.gather [hbm4b:s4+s3], $0x80, v3, vm0, $0xb8;
	[tilespmem:$0x18400] =	vst v63  }
0x1af: {  	_ = 	snop  }
0x1b0: {  	[tilespmem:s15], [sflag:$0x2] =	stream.indirect_vreg.gather [hbm4b:s5+s3], $0x80, v3, vm0, $0xb8;
	[tilespmem:$0x18400] =	vst v63  }
0x1b1: {  	s11 =	simm.s32 $0xFC00  }
0x1b2: {  	[tilespmem:s11], [sflag:$0x2] =	stream.indirect_vreg.gather [hbm4b:s6+s3], $0x80, v3, vm0, $0xb8;
	[tilespmem:$0x18400] =	vst v63  }
0x1b3: {  	_ =	swait.ge [sflag:s17], $0x8000  }
0x1b4: {  	[sflag:s17] =	ssyncset.done $0x0  }
0x1b5: {  	s8 =	simm.s32 $0x400;
	s12 =	rddreg [dreg:$0xb];
	[sflag:s17] =	ssyncadd.s32 $0xFFFF8000  }
0x1b6: {  	[hbm4b:s12+s3] =	stream.linear.scatter [tilespmem:s8], [sflag:$0x4], $0x8000, $0x38;
	[tilespmem:$0x18400] =	vst v63  }
0x1b7: {  	_ =	swait.ge [sflag:s23], $0x8000  }
0x1b8: {  	[sflag:s23] =	ssyncset.done $0x0  }
0x1b9: {  	[sflag:s23] =	ssyncadd.s32 $0xFFFF8000  }
0x1ba: {  	v3 =	vld [tilespmem:$0x100];
	_ =	sdelay $0x4  }
0x1bb: {  	v16 =	vshll.u32 v3, $0x3  }
0x1bc: {  	v3 =	vand.u32 $0x7, v3;
	v4 =	vand.u32 $0xFFFFFFC0, v16  }
0x1bd: {  	v3 =	vor.u32 v3, v4  }
0x1be: {  	v4 =	vperm.xlane v3, v0;
	_ =	sdelay $0x1  }
0x1bf: {  	v4 =	vadd.s32 v1, v4;
	_ =	sdelay $0x3  }
0x1c0: {  	s0 =	simm.s32 $0x10400  }
0x1c1: {  	[tilespmem:s0], [sflag:$0x3] =	stream.indirect_vreg.gather [hbm4b:s1+s3], $0x80, v4, vm0, $0xb8;
	[tilespmem:$0x18400] =	vst v63  }
0x1c2: {  	s12 =	simm.s32 $0x10C00;
	v3 =	vperm.xlane v3, v2  }
0x1c3: {  	[tilespmem:s12], [sflag:$0x3] =	stream.indirect_vreg.gather [hbm4b:s4+s3], $0x80, v4, vm0, $0xb8;
	[tilespmem:$0x18400] =	vst v63  }
0x1c4: {  	v3 =	vadd.s32 v1, v3  }
0x1c5: {  	[tilespmem:s30], [sflag:$0x3] =	stream.indirect_vreg.gather [hbm4b:s5+s3], $0x80, v4, vm0, $0xb8;
	[tilespmem:$0x18400] =	vst v63  }
0x1c6: {  	_ = 	snop  }
0x1c7: {  	[tilespmem:s31], [sflag:$0x3] =	stream.indirect_vreg.gather [hbm4b:s6+s3], $0x80, v4, vm0, $0xb8;
	[tilespmem:$0x18400] =	vst v63  }
0x1c8: {  	_ = 	snop  }
0x1c9: {  	[tilespmem:s9], [sflag:$0x3] =	stream.indirect_vreg.gather [hbm4b:s1+s3], $0x80, v3, vm0, $0xb8;
	[tilespmem:$0x18400] =	vst v63  }
0x1ca: {  	_ = 	snop  }
0x1cb: {  	[tilespmem:s25], [sflag:$0x3] =	stream.indirect_vreg.gather [hbm4b:s4+s3], $0x80, v3, vm0, $0xb8;
	[tilespmem:$0x18400] =	vst v63  }
0x1cc: {  	s24 =	simm.s32 $0x13400  }
0x1cd: {  	[tilespmem:s24], [sflag:$0x3] =	stream.indirect_vreg.gather [hbm4b:s5+s3], $0x80, v3, vm0, $0xb8;
	[tilespmem:$0x18400] =	vst v63  }
0x1ce: {  	s24 =	simm.s32 $0x13C00  }
0x1cf: {  	[tilespmem:s24], [sflag:$0x3] =	stream.indirect_vreg.gather [hbm4b:s6+s3], $0x80, v3, vm0, $0xb8;
	[tilespmem:$0x18400] =	vst v63  }
0x1d0: {  	v3 =	vld [tilespmem:$0x110];
	_ =	sdelay $0x4  }
0x1d1: {  	v17 =	vshll.u32 v3, $0x3  }
0x1d2: {  	v3 =	vand.u32 $0x7, v3;
	v4 =	vand.u32 $0xFFFFFFC0, v17  }
0x1d3: {  	v3 =	vor.u32 v3, v4  }
0x1d4: {  	v4 =	vperm.xlane v3, v0;
	_ =	sdelay $0x1  }
0x1d5: {  	v4 =	vadd.s32 v1, v4;
	_ =	sdelay $0x3  }
0x1d6: {  	s24 =	simm.s32 $0x14400  }
0x1d7: {  	[tilespmem:s24], [sflag:$0x3] =	stream.indirect_vreg.gather [hbm4b:s1+s3], $0x80, v4, vm0, $0xb8;
	[tilespmem:$0x18400] =	vst v63  }
0x1d8: {  	v3 =	vperm.xlane v3, v2;
	s24 =	simm.s32 $0x14C00  }
0x1d9: {  	[tilespmem:s24], [sflag:$0x3] =	stream.indirect_vreg.gather [hbm4b:s4+s3], $0x80, v4, vm0, $0xb8;
	[tilespmem:$0x18400] =	vst v63  }
0x1da: {  	v3 =	vadd.s32 v1, v3;
	s24 =	simm.s32 $0x15400  }
0x1db: {  	[tilespmem:s24], [sflag:$0x3] =	stream.indirect_vreg.gather [hbm4b:s5+s3], $0x80, v4, vm0, $0xb8;
	[tilespmem:$0x18400] =	vst v63  }
0x1dc: {  	s24 =	simm.s32 $0x15C00  }
0x1dd: {  	[tilespmem:s24], [sflag:$0x3] =	stream.indirect_vreg.gather [hbm4b:s6+s3], $0x80, v4, vm0, $0xb8;
	[tilespmem:$0x18400] =	vst v63  }
0x1de: {  	s24 =	simm.s32 $0x16400  }
0x1df: {  	[tilespmem:s24], [sflag:$0x3] =	stream.indirect_vreg.gather [hbm4b:s1+s3], $0x80, v3, vm0, $0xb8;
	[tilespmem:$0x18400] =	vst v63  }
0x1e0: {  	s24 =	simm.s32 $0x16C00  }
0x1e1: {  	[tilespmem:s24], [sflag:$0x3] =	stream.indirect_vreg.gather [hbm4b:s4+s3], $0x80, v3, vm0, $0xb8;
	[tilespmem:$0x18400] =	vst v63  }
0x1e2: {  	s24 =	simm.s32 $0x17400  }
0x1e3: {  	[tilespmem:s24], [sflag:$0x3] =	stream.indirect_vreg.gather [hbm4b:s5+s3], $0x80, v3, vm0, $0xb8;
	[tilespmem:$0x18400] =	vst v63  }
0x1e4: {  	s24 =	simm.s32 $0x17C00  }
0x1e5: {  	[tilespmem:s24], [sflag:$0x3] =	stream.indirect_vreg.gather [hbm4b:s6+s3], $0x80, v3, vm0, $0xb8;
	[tilespmem:$0x18400] =	vst v63  }
0x1e6: {  	_ =	swait.ge [sflag:s19], $0x8000  }
0x1e7: {  	[sflag:s19] =	ssyncset.done $0x0  }
0x1e8: {  	s29 =	simm.s32 $0x8400;
	s24 =	rddreg [dreg:$0xc];
	[sflag:s19] =	ssyncadd.s32 $0xFFFF8000  }
0x1e9: {  	[hbm4b:s24+s3] =	stream.linear.scatter [tilespmem:s29], [sflag:$0x5], $0x8000, $0x38;
	[tilespmem:$0x18400] =	vst v63  }
0x1ea: {  	_ =	swait.ge [sflag:s20], $0x8000  }
0x1eb: {  	[sflag:s20] =	ssyncset.done $0x0  }
0x1ec: {  	[sflag:s20] =	ssyncadd.s32 $0xFFFF8000  }
0x1ed: {  	v3 =	vld [tilespmem:$0x120];
	_ =	sdelay $0x4  }
0x1ee: {  	v18 =	vshll.u32 v3, $0x3  }
0x1ef: {  	v3 =	vand.u32 $0x7, v3;
	v4 =	vand.u32 $0xFFFFFFC0, v18  }
0x1f0: {  	v3 =	vor.u32 v3, v4  }
0x1f1: {  	v4 =	vperm.xlane v3, v0;
	_ =	sdelay $0x1  }
0x1f2: {  	v4 =	vadd.s32 v1, v4;
	_ =	sdelay $0x3  }
0x1f3: {  	s8 =	simm.s32 $0x400  }
0x1f4: {  	[tilespmem:s8], [sflag:$0x1] =	stream.indirect_vreg.gather [hbm4b:s1+s3], $0x80, v4, vm0, $0xb8;
	[tilespmem:$0x18400] =	vst v63  }
0x1f5: {  	s24 =	simm.s32 $0xC00;
	v3 =	vperm.xlane v3, v2  }
0x1f6: {  	[tilespmem:s24], [sflag:$0x1] =	stream.indirect_vreg.gather [hbm4b:s4+s3], $0x80, v4, vm0, $0xb8;
	[tilespmem:$0x18400] =	vst v63  }
0x1f7: {  	v3 =	vadd.s32 v1, v3  }
0x1f8: {  	[tilespmem:s18], [sflag:$0x1] =	stream.indirect_vreg.gather [hbm4b:s5+s3], $0x80, v4, vm0, $0xb8;
	[tilespmem:$0x18400] =	vst v63  }
0x1f9: {  	s24 =	simm.s32 $0x1C00  }
0x1fa: {  	[tilespmem:s24], [sflag:$0x1] =	stream.indirect_vreg.gather [hbm4b:s6+s3], $0x80, v4, vm0, $0xb8;
	[tilespmem:$0x18400] =	vst v63  }
0x1fb: {  	s24 =	simm.s32 $0x2400  }
0x1fc: {  	[tilespmem:s24], [sflag:$0x1] =	stream.indirect_vreg.gather [hbm4b:s1+s3], $0x80, v3, vm0, $0xb8;
	[tilespmem:$0x18400] =	vst v63  }
0x1fd: {  	s24 =	simm.s32 $0x2C00  }
0x1fe: {  	[tilespmem:s24], [sflag:$0x1] =	stream.indirect_vreg.gather [hbm4b:s4+s3], $0x80, v3, vm0, $0xb8;
	[tilespmem:$0x18400] =	vst v63  }
0x1ff: {  	s24 =	simm.s32 $0x3400  }
0x200: {  	[tilespmem:s24], [sflag:$0x1] =	stream.indirect_vreg.gather [hbm4b:s5+s3], $0x80, v3, vm0, $0xb8;
	[tilespmem:$0x18400] =	vst v63  }
0x201: {  	s24 =	simm.s32 $0x3C00  }
0x202: {  	[tilespmem:s24], [sflag:$0x1] =	stream.indirect_vreg.gather [hbm4b:s6+s3], $0x80, v3, vm0, $0xb8;
	[tilespmem:$0x18400] =	vst v63  }
0x203: {  	v3 =	vld [tilespmem:$0x130];
	_ =	sdelay $0x4  }
0x204: {  	v19 =	vshll.u32 v3, $0x3  }
0x205: {  	v3 =	vand.u32 $0x7, v3;
	v4 =	vand.u32 $0xFFFFFFC0, v19  }
0x206: {  	v3 =	vor.u32 v3, v4  }
0x207: {  	v4 =	vperm.xlane v3, v0;
	_ =	sdelay $0x1  }
0x208: {  	v4 =	vadd.s32 v1, v4;
	_ =	sdelay $0x3  }
0x209: {  	s24 =	simm.s32 $0x4400  }
0x20a: {  	[tilespmem:s24], [sflag:$0x1] =	stream.indirect_vreg.gather [hbm4b:s1+s3], $0x80, v4, vm0, $0xb8;
	[tilespmem:$0x18400] =	vst v63  }
0x20b: {  	v3 =	vperm.xlane v3, v2;
	s24 =	simm.s32 $0x4C00  }
0x20c: {  	[tilespmem:s24], [sflag:$0x1] =	stream.indirect_vreg.gather [hbm4b:s4+s3], $0x80, v4, vm0, $0xb8;
	[tilespmem:$0x18400] =	vst v63  }
0x20d: {  	v3 =	vadd.s32 v1, v3  }
0x20e: {  	[tilespmem:s26], [sflag:$0x1] =	stream.indirect_vreg.gather [hbm4b:s5+s3], $0x80, v4, vm0, $0xb8;
	[tilespmem:$0x18400] =	vst v63  }
0x20f: {  	_ = 	snop  }
0x210: {  	[tilespmem:s28], [sflag:$0x1] =	stream.indirect_vreg.gather [hbm4b:s6+s3], $0x80, v4, vm0, $0xb8;
	[tilespmem:$0x18400] =	vst v63  }
0x211: {  	s28 =	simm.s32 $0x6400  }
0x212: {  	[tilespmem:s28], [sflag:$0x1] =	stream.indirect_vreg.gather [hbm4b:s1+s3], $0x80, v3, vm0, $0xb8;
	[tilespmem:$0x18400] =	vst v63  }
0x213: {  	s24 =	simm.s32 $0x6C00  }
0x214: {  	[tilespmem:s24], [sflag:$0x1] =	stream.indirect_vreg.gather [hbm4b:s4+s3], $0x80, v3, vm0, $0xb8;
	[tilespmem:$0x18400] =	vst v63  }
0x215: {  	s26 =	simm.s32 $0x7400  }
0x216: {  	[tilespmem:s26], [sflag:$0x1] =	stream.indirect_vreg.gather [hbm4b:s5+s3], $0x80, v3, vm0, $0xb8;
	[tilespmem:$0x18400] =	vst v63  }
0x217: {  	s28 =	simm.s32 $0x7C00  }
0x218: {  	[tilespmem:s28], [sflag:$0x1] =	stream.indirect_vreg.gather [hbm4b:s6+s3], $0x80, v3, vm0, $0xb8;
	[tilespmem:$0x18400] =	vst v63  }
0x219: {  	_ =	swait.ge [sflag:s21], $0x8000  }
0x21a: {  	[sflag:s21] =	ssyncset.done $0x0  }
0x21b: {  	s0 =	simm.s32 $0x10400;
	s18 =	rddreg [dreg:$0xd];
	[sflag:s21] =	ssyncadd.s32 $0xFFFF8000  }
0x21c: {  	[hbm4b:s18+s3] =	stream.linear.scatter [tilespmem:s0], [sflag:$0x6], $0x8000, $0x38;
	[tilespmem:$0x18400] =	vst v63  }
0x21d: {  	_ =	swait.ge [sflag:s22], $0x8000  }
0x21e: {  	[sflag:s22] =	ssyncset.done $0x0  }
0x21f: {  	[sflag:s22] =	ssyncadd.s32 $0xFFFF8000  }
0x220: {  	v3 =	vld [tilespmem:$0x140];
	_ =	sdelay $0x4  }
0x221: {  	v20 =	vshll.u32 v3, $0x3  }
0x222: {  	v3 =	vand.u32 $0x7, v3;
	v4 =	vand.u32 $0xFFFFFFC0, v20  }
0x223: {  	v3 =	vor.u32 v3, v4  }
0x224: {  	v4 =	vperm.xlane v3, v0;
	_ =	sdelay $0x1  }
0x225: {  	v4 =	vadd.s32 v1, v4;
	_ =	sdelay $0x4  }
0x226: {  	[tilespmem:s29], [sflag:$0x2] =	stream.indirect_vreg.gather [hbm4b:s1+s3], $0x80, v4, vm0, $0xb8;
	[tilespmem:$0x18400] =	vst v63  }
0x227: {  	v3 =	vperm.xlane v3, v2  }
0x228: {  	[tilespmem:s16], [sflag:$0x2] =	stream.indirect_vreg.gather [hbm4b:s4+s3], $0x80, v4, vm0, $0xb8;
	[tilespmem:$0x18400] =	vst v63  }
0x229: {  	s24 =	simm.s32 $0x9400;
	v3 =	vadd.s32 v1, v3  }
0x22a: {  	[tilespmem:s24], [sflag:$0x2] =	stream.indirect_vreg.gather [hbm4b:s5+s3], $0x80, v4, vm0, $0xb8;
	[tilespmem:$0x18400] =	vst v63  }
0x22b: {  	s26 =	simm.s32 $0x9C00  }
0x22c: {  	[tilespmem:s26], [sflag:$0x2] =	stream.indirect_vreg.gather [hbm4b:s6+s3], $0x80, v4, vm0, $0xb8;
	[tilespmem:$0x18400] =	vst v63  }
0x22d: {  	s28 =	simm.s32 $0xA400  }
0x22e: {  	[tilespmem:s28], [sflag:$0x2] =	stream.indirect_vreg.gather [hbm4b:s1+s3], $0x80, v3, vm0, $0xb8;
	[tilespmem:$0x18400] =	vst v63  }
0x22f: {  	s26 =	simm.s32 $0xAC00  }
0x230: {  	[tilespmem:s26], [sflag:$0x2] =	stream.indirect_vreg.gather [hbm4b:s4+s3], $0x80, v3, vm0, $0xb8;
	[tilespmem:$0x18400] =	vst v63  }
0x231: {  	s28 =	simm.s32 $0xB400  }
0x232: {  	[tilespmem:s28], [sflag:$0x2] =	stream.indirect_vreg.gather [hbm4b:s5+s3], $0x80, v3, vm0, $0xb8;
	[tilespmem:$0x18400] =	vst v63  }
0x233: {  	_ = 	snop  }
0x234: {  	[tilespmem:s10], [sflag:$0x2] =	stream.indirect_vreg.gather [hbm4b:s6+s3], $0x80, v3, vm0, $0xb8;
	[tilespmem:$0x18400] =	vst v63  }
0x235: {  	v3 =	vld [tilespmem:$0x150];
	_ =	sdelay $0x4  }
0x236: {  	v21 =	vshll.u32 v3, $0x3  }
0x237: {  	v3 =	vand.u32 $0x7, v3;
	v4 =	vand.u32 $0xFFFFFFC0, v21  }
0x238: {  	v3 =	vor.u32 v3, v4  }
0x239: {  	v4 =	vperm.xlane v3, v0;
	_ =	sdelay $0x1  }
0x23a: {  	v4 =	vadd.s32 v1, v4;
	_ =	sdelay $0x4  }
0x23b: {  	[tilespmem:s2], [sflag:$0x2] =	stream.indirect_vreg.gather [hbm4b:s1+s3], $0x80, v4, vm0, $0xb8;
	[tilespmem:$0x18400] =	vst v63  }
0x23c: {  	v3 =	vperm.xlane v3, v2  }
0x23d: {  	[tilespmem:s7], [sflag:$0x2] =	stream.indirect_vreg.gather [hbm4b:s4+s3], $0x80, v4, vm0, $0xb8;
	[tilespmem:$0x18400] =	vst v63  }
0x23e: {  	s10 =	simm.s32 $0xD400;
	v3 =	vadd.s32 v1, v3  }
0x23f: {  	[tilespmem:s10], [sflag:$0x2] =	stream.indirect_vreg.gather [hbm4b:s5+s3], $0x80, v4, vm0, $0xb8;
	[tilespmem:$0x18400] =	vst v63  }
0x240: {  	s24 =	simm.s32 $0xDC00  }
0x241: {  	[tilespmem:s24], [sflag:$0x2] =	stream.indirect_vreg.gather [hbm4b:s6+s3], $0x80, v4, vm0, $0xb8;
	[tilespmem:$0x18400] =	vst v63  }
0x242: {  	s13 =	simm.s32 $0xE400  }
0x243: {  	[tilespmem:s13], [sflag:$0x2] =	stream.indirect_vreg.gather [hbm4b:s1+s3], $0x80, v3, vm0, $0xb8;
	[tilespmem:$0x18400] =	vst v63  }
0x244: {  	s14 =	simm.s32 $0xEC00  }
0x245: {  	[tilespmem:s14], [sflag:$0x2] =	stream.indirect_vreg.gather [hbm4b:s4+s3], $0x80, v3, vm0, $0xb8;
	[tilespmem:$0x18400] =	vst v63  }
0x246: {  	s15 =	simm.s32 $0xF400  }
0x247: {  	[tilespmem:s15], [sflag:$0x2] =	stream.indirect_vreg.gather [hbm4b:s5+s3], $0x80, v3, vm0, $0xb8;
	[tilespmem:$0x18400] =	vst v63  }
0x248: {  	_ = 	snop  }
0x249: {  	[tilespmem:s11], [sflag:$0x2] =	stream.indirect_vreg.gather [hbm4b:s6+s3], $0x80, v3, vm0, $0xb8;
	[tilespmem:$0x18400] =	vst v63  }
0x24a: {  	_ =	swait.ge [sflag:s17], $0x8000  }
0x24b: {  	[sflag:s17] =	ssyncset.done $0x0  }
0x24c: {  	s11 =	rddreg [dreg:$0xe];
	[sflag:s17] =	ssyncadd.s32 $0xFFFF8000  }
0x24d: {  	[hbm4b:s11+s3] =	stream.linear.scatter [tilespmem:s8], [sflag:$0x4], $0x8000, $0x38;
	[tilespmem:$0x18400] =	vst v63  }
0x24e: {  	_ =	swait.ge [sflag:s23], $0x8000  }
0x24f: {  	[sflag:s23] =	ssyncset.done $0x0  }
0x250: {  	[sflag:s23] =	ssyncadd.s32 $0xFFFF8000  }
0x251: {  	v3 =	vld [tilespmem:$0x160];
	_ =	sdelay $0x4  }
0x252: {  	v22 =	vshll.u32 v3, $0x3  }
0x253: {  	v3 =	vand.u32 $0x7, v3;
	v4 =	vand.u32 $0xFFFFFFC0, v22  }
0x254: {  	v3 =	vor.u32 v3, v4  }
0x255: {  	v4 =	vperm.xlane v3, v0;
	_ =	sdelay $0x1  }
0x256: {  	v4 =	vadd.s32 v1, v4;
	_ =	sdelay $0x4  }
0x257: {  	[tilespmem:s0], [sflag:$0x3] =	stream.indirect_vreg.gather [hbm4b:s1+s3], $0x80, v4, vm0, $0xb8;
	[tilespmem:$0x18400] =	vst v63  }
0x258: {  	v3 =	vperm.xlane v3, v2  }
0x259: {  	[tilespmem:s12], [sflag:$0x3] =	stream.indirect_vreg.gather [hbm4b:s4+s3], $0x80, v4, vm0, $0xb8;
	[tilespmem:$0x18400] =	vst v63  }
0x25a: {  	s30 =	simm.s32 $0x11400;
	v3 =	vadd.s32 v1, v3  }
0x25b: {  	[tilespmem:s30], [sflag:$0x3] =	stream.indirect_vreg.gather [hbm4b:s5+s3], $0x80, v4, vm0, $0xb8;
	[tilespmem:$0x18400] =	vst v63  }
0x25c: {  	s31 =	simm.s32 $0x11C00  }
0x25d: {  	[tilespmem:s31], [sflag:$0x3] =	stream.indirect_vreg.gather [hbm4b:s6+s3], $0x80, v4, vm0, $0xb8;
	[tilespmem:$0x18400] =	vst v63  }
0x25e: {  	s9 =	simm.s32 $0x12400  }
0x25f: {  	[tilespmem:s9], [sflag:$0x3] =	stream.indirect_vreg.gather [hbm4b:s1+s3], $0x80, v3, vm0, $0xb8;
	[tilespmem:$0x18400] =	vst v63  }
0x260: {  	s25 =	simm.s32 $0x12C00  }
0x261: {  	[tilespmem:s25], [sflag:$0x3] =	stream.indirect_vreg.gather [hbm4b:s4+s3], $0x80, v3, vm0, $0xb8;
	[tilespmem:$0x18400] =	vst v63  }
0x262: {  	s25 =	simm.s32 $0x13400  }
0x263: {  	[tilespmem:s25], [sflag:$0x3] =	stream.indirect_vreg.gather [hbm4b:s5+s3], $0x80, v3, vm0, $0xb8;
	[tilespmem:$0x18400] =	vst v63  }
0x264: {  	s24 =	simm.s32 $0x13C00  }
0x265: {  	[tilespmem:s24], [sflag:$0x3] =	stream.indirect_vreg.gather [hbm4b:s6+s3], $0x80, v3, vm0, $0xb8;
	[tilespmem:$0x18400] =	vst v63  }
0x266: {  	v3 =	vld [tilespmem:$0x170];
	_ =	sdelay $0x4  }
0x267: {  	v23 =	vshll.u32 v3, $0x3  }
0x268: {  	v3 =	vand.u32 $0x7, v3;
	v4 =	vand.u32 $0xFFFFFFC0, v23  }
0x269: {  	v3 =	vor.u32 v3, v4  }
0x26a: {  	v4 =	vperm.xlane v3, v0;
	_ =	sdelay $0x1  }
0x26b: {  	v4 =	vadd.s32 v1, v4;
	_ =	sdelay $0x3  }
0x26c: {  	s24 =	simm.s32 $0x14400  }
0x26d: {  	[tilespmem:s24], [sflag:$0x3] =	stream.indirect_vreg.gather [hbm4b:s1+s3], $0x80, v4, vm0, $0xb8;
	[tilespmem:$0x18400] =	vst v63  }
0x26e: {  	v3 =	vperm.xlane v3, v2;
	s24 =	simm.s32 $0x14C00  }
0x26f: {  	[tilespmem:s24], [sflag:$0x3] =	stream.indirect_vreg.gather [hbm4b:s4+s3], $0x80, v4, vm0, $0xb8;
	[tilespmem:$0x18400] =	vst v63  }
0x270: {  	v3 =	vadd.s32 v1, v3;
	s24 =	simm.s32 $0x15400  }
0x271: {  	[tilespmem:s24], [sflag:$0x3] =	stream.indirect_vreg.gather [hbm4b:s5+s3], $0x80, v4, vm0, $0xb8;
	[tilespmem:$0x18400] =	vst v63  }
0x272: {  	s24 =	simm.s32 $0x15C00  }
0x273: {  	[tilespmem:s24], [sflag:$0x3] =	stream.indirect_vreg.gather [hbm4b:s6+s3], $0x80, v4, vm0, $0xb8;
	[tilespmem:$0x18400] =	vst v63  }
0x274: {  	s24 =	simm.s32 $0x16400  }
0x275: {  	[tilespmem:s24], [sflag:$0x3] =	stream.indirect_vreg.gather [hbm4b:s1+s3], $0x80, v3, vm0, $0xb8;
	[tilespmem:$0x18400] =	vst v63  }
0x276: {  	s24 =	simm.s32 $0x16C00  }
0x277: {  	[tilespmem:s24], [sflag:$0x3] =	stream.indirect_vreg.gather [hbm4b:s4+s3], $0x80, v3, vm0, $0xb8;
	[tilespmem:$0x18400] =	vst v63  }
0x278: {  	s24 =	simm.s32 $0x17400  }
0x279: {  	[tilespmem:s24], [sflag:$0x3] =	stream.indirect_vreg.gather [hbm4b:s5+s3], $0x80, v3, vm0, $0xb8;
	[tilespmem:$0x18400] =	vst v63  }
0x27a: {  	s24 =	simm.s32 $0x17C00  }
0x27b: {  	[tilespmem:s24], [sflag:$0x3] =	stream.indirect_vreg.gather [hbm4b:s6+s3], $0x80, v3, vm0, $0xb8;
	[tilespmem:$0x18400] =	vst v63  }
0x27c: {  	_ =	swait.ge [sflag:s19], $0x8000  }
0x27d: {  	[sflag:s19] =	ssyncset.done $0x0  }
0x27e: {  	s24 =	rddreg [dreg:$0xf];
	[sflag:s19] =	ssyncadd.s32 $0xFFFF8000  }
0x27f: {  	[hbm4b:s24+s3] =	stream.linear.scatter [tilespmem:s29], [sflag:$0x5], $0x8000, $0x38;
	[tilespmem:$0x18400] =	vst v63  }
0x280: {  	_ =	swait.ge [sflag:s20], $0x8000  }
0x281: {  	[sflag:s20] =	ssyncset.done $0x0  }
0x282: {  	[sflag:s20] =	ssyncadd.s32 $0xFFFF8000  }
0x283: {  	v3 =	vld [tilespmem:$0x180];
	_ =	sdelay $0x4  }
0x284: {  	v24 =	vshll.u32 v3, $0x3  }
0x285: {  	v3 =	vand.u32 $0x7, v3;
	v4 =	vand.u32 $0xFFFFFFC0, v24  }
0x286: {  	v3 =	vor.u32 v3, v4  }
0x287: {  	v4 =	vperm.xlane v3, v0;
	_ =	sdelay $0x1  }
0x288: {  	v4 =	vadd.s32 v1, v4;
	_ =	sdelay $0x4  }
0x289: {  	[tilespmem:s8], [sflag:$0x1] =	stream.indirect_vreg.gather [hbm4b:s1+s3], $0x80, v4, vm0, $0xb8;
	[tilespmem:$0x18400] =	vst v63  }
0x28a: {  	s24 =	simm.s32 $0xC00;
	v3 =	vperm.xlane v3, v2  }
0x28b: {  	[tilespmem:s24], [sflag:$0x1] =	stream.indirect_vreg.gather [hbm4b:s4+s3], $0x80, v4, vm0, $0xb8;
	[tilespmem:$0x18400] =	vst v63  }
0x28c: {  	v3 =	vadd.s32 v1, v3;
	s24 =	simm.s32 $0x1400  }
0x28d: {  	[tilespmem:s24], [sflag:$0x1] =	stream.indirect_vreg.gather [hbm4b:s5+s3], $0x80, v4, vm0, $0xb8;
	[tilespmem:$0x18400] =	vst v63  }
0x28e: {  	s24 =	simm.s32 $0x1C00  }
0x28f: {  	[tilespmem:s24], [sflag:$0x1] =	stream.indirect_vreg.gather [hbm4b:s6+s3], $0x80, v4, vm0, $0xb8;
	[tilespmem:$0x18400] =	vst v63  }
0x290: {  	s24 =	simm.s32 $0x2400  }
0x291: {  	[tilespmem:s24], [sflag:$0x1] =	stream.indirect_vreg.gather [hbm4b:s1+s3], $0x80, v3, vm0, $0xb8;
	[tilespmem:$0x18400] =	vst v63  }
0x292: {  	s24 =	simm.s32 $0x2C00  }
0x293: {  	[tilespmem:s24], [sflag:$0x1] =	stream.indirect_vreg.gather [hbm4b:s4+s3], $0x80, v3, vm0, $0xb8;
	[tilespmem:$0x18400] =	vst v63  }
0x294: {  	s24 =	simm.s32 $0x3400  }
0x295: {  	[tilespmem:s24], [sflag:$0x1] =	stream.indirect_vreg.gather [hbm4b:s5+s3], $0x80, v3, vm0, $0xb8;
	[tilespmem:$0x18400] =	vst v63  }
0x296: {  	s24 =	simm.s32 $0x3C00  }
0x297: {  	[tilespmem:s24], [sflag:$0x1] =	stream.indirect_vreg.gather [hbm4b:s6+s3], $0x80, v3, vm0, $0xb8;
	[tilespmem:$0x18400] =	vst v63  }
0x298: {  	v3 =	vld [tilespmem:$0x190];
	_ =	sdelay $0x4  }
0x299: {  	v25 =	vshll.u32 v3, $0x3  }
0x29a: {  	v3 =	vand.u32 $0x7, v3;
	v4 =	vand.u32 $0xFFFFFFC0, v25  }
0x29b: {  	v3 =	vor.u32 v3, v4  }
0x29c: {  	v4 =	vperm.xlane v3, v0;
	_ =	sdelay $0x1  }
0x29d: {  	v4 =	vadd.s32 v1, v4;
	_ =	sdelay $0x3  }
0x29e: {  	s24 =	simm.s32 $0x4400  }
0x29f: {  	[tilespmem:s24], [sflag:$0x1] =	stream.indirect_vreg.gather [hbm4b:s1+s3], $0x80, v4, vm0, $0xb8;
	[tilespmem:$0x18400] =	vst v63  }
0x2a0: {  	v3 =	vperm.xlane v3, v2;
	s24 =	simm.s32 $0x4C00  }
0x2a1: {  	[tilespmem:s24], [sflag:$0x1] =	stream.indirect_vreg.gather [hbm4b:s4+s3], $0x80, v4, vm0, $0xb8;
	[tilespmem:$0x18400] =	vst v63  }
0x2a2: {  	v3 =	vadd.s32 v1, v3;
	s24 =	simm.s32 $0x5400  }
0x2a3: {  	[tilespmem:s24], [sflag:$0x1] =	stream.indirect_vreg.gather [hbm4b:s5+s3], $0x80, v4, vm0, $0xb8;
	[tilespmem:$0x18400] =	vst v63  }
0x2a4: {  	s24 =	simm.s32 $0x5C00  }
0x2a5: {  	[tilespmem:s24], [sflag:$0x1] =	stream.indirect_vreg.gather [hbm4b:s6+s3], $0x80, v4, vm0, $0xb8;
	[tilespmem:$0x18400] =	vst v63  }
0x2a6: {  	s24 =	simm.s32 $0x6400  }
0x2a7: {  	[tilespmem:s24], [sflag:$0x1] =	stream.indirect_vreg.gather [hbm4b:s1+s3], $0x80, v3, vm0, $0xb8;
	[tilespmem:$0x18400] =	vst v63  }
0x2a8: {  	s24 =	simm.s32 $0x6C00  }
0x2a9: {  	[tilespmem:s24], [sflag:$0x1] =	stream.indirect_vreg.gather [hbm4b:s4+s3], $0x80, v3, vm0, $0xb8;
	[tilespmem:$0x18400] =	vst v63  }
0x2aa: {  	s24 =	simm.s32 $0x7400  }
0x2ab: {  	[tilespmem:s24], [sflag:$0x1] =	stream.indirect_vreg.gather [hbm4b:s5+s3], $0x80, v3, vm0, $0xb8;
	[tilespmem:$0x18400] =	vst v63  }
0x2ac: {  	s24 =	simm.s32 $0x7C00  }
0x2ad: {  	[tilespmem:s24], [sflag:$0x1] =	stream.indirect_vreg.gather [hbm4b:s6+s3], $0x80, v3, vm0, $0xb8;
	[tilespmem:$0x18400] =	vst v63  }
0x2ae: {  	_ =	swait.ge [sflag:s21], $0x8000  }
0x2af: {  	[sflag:s21] =	ssyncset.done $0x0  }
0x2b0: {  	s24 =	rddreg [dreg:$0x10];
	[sflag:s21] =	ssyncadd.s32 $0xFFFF8000  }
0x2b1: {  	[hbm4b:s24+s3] =	stream.linear.scatter [tilespmem:s0], [sflag:$0x6], $0x8000, $0x38;
	[tilespmem:$0x18400] =	vst v63  }
0x2b2: {  	_ =	swait.ge [sflag:s22], $0x8000  }
0x2b3: {  	[sflag:s22] =	ssyncset.done $0x0  }
0x2b4: {  	[sflag:s22] =	ssyncadd.s32 $0xFFFF8000  }
0x2b5: {  	v3 =	vld [tilespmem:$0x1A0];
	_ =	sdelay $0x4  }
0x2b6: {  	v26 =	vshll.u32 v3, $0x3  }
0x2b7: {  	v3 =	vand.u32 $0x7, v3;
	v4 =	vand.u32 $0xFFFFFFC0, v26  }
0x2b8: {  	v3 =	vor.u32 v3, v4  }
0x2b9: {  	v4 =	vperm.xlane v3, v0;
	_ =	sdelay $0x1  }
0x2ba: {  	v4 =	vadd.s32 v1, v4;
	_ =	sdelay $0x4  }
0x2bb: {  	[tilespmem:s29], [sflag:$0x2] =	stream.indirect_vreg.gather [hbm4b:s1+s3], $0x80, v4, vm0, $0xb8;
	[tilespmem:$0x18400] =	vst v63  }
0x2bc: {  	s18 =	simm.s32 $0x8C00;
	v3 =	vperm.xlane v3, v2  }
0x2bd: {  	[tilespmem:s18], [sflag:$0x2] =	stream.indirect_vreg.gather [hbm4b:s4+s3], $0x80, v4, vm0, $0xb8;
	[tilespmem:$0x18400] =	vst v63  }
0x2be: {  	s16 =	simm.s32 $0x9400;
	v3 =	vadd.s32 v1, v3  }
0x2bf: {  	[tilespmem:s16], [sflag:$0x2] =	stream.indirect_vreg.gather [hbm4b:s5+s3], $0x80, v4, vm0, $0xb8;
	[tilespmem:$0x18400] =	vst v63  }
0x2c0: {  	s24 =	simm.s32 $0x9C00  }
0x2c1: {  	[tilespmem:s24], [sflag:$0x2] =	stream.indirect_vreg.gather [hbm4b:s6+s3], $0x80, v4, vm0, $0xb8;
	[tilespmem:$0x18400] =	vst v63  }
0x2c2: {  	s24 =	simm.s32 $0xA400  }
0x2c3: {  	[tilespmem:s24], [sflag:$0x2] =	stream.indirect_vreg.gather [hbm4b:s1+s3], $0x80, v3, vm0, $0xb8;
	[tilespmem:$0x18400] =	vst v63  }
0x2c4: {  	s24 =	simm.s32 $0xAC00  }
0x2c5: {  	[tilespmem:s24], [sflag:$0x2] =	stream.indirect_vreg.gather [hbm4b:s4+s3], $0x80, v3, vm0, $0xb8;
	[tilespmem:$0x18400] =	vst v63  }
0x2c6: {  	s24 =	simm.s32 $0xB400  }
0x2c7: {  	[tilespmem:s24], [sflag:$0x2] =	stream.indirect_vreg.gather [hbm4b:s5+s3], $0x80, v3, vm0, $0xb8;
	[tilespmem:$0x18400] =	vst v63  }
0x2c8: {  	s26 =	simm.s32 $0xBC00  }
0x2c9: {  	[tilespmem:s26], [sflag:$0x2] =	stream.indirect_vreg.gather [hbm4b:s6+s3], $0x80, v3, vm0, $0xb8;
	[tilespmem:$0x18400] =	vst v63  }
0x2ca: {  	v3 =	vld [tilespmem:$0x1B0];
	_ =	sdelay $0x4  }
0x2cb: {  	v27 =	vshll.u32 v3, $0x3  }
0x2cc: {  	v3 =	vand.u32 $0x7, v3;
	v4 =	vand.u32 $0xFFFFFFC0, v27  }
0x2cd: {  	v3 =	vor.u32 v3, v4  }
0x2ce: {  	v4 =	vperm.xlane v3, v0;
	_ =	sdelay $0x1  }
0x2cf: {  	v4 =	vadd.s32 v1, v4;
	_ =	sdelay $0x3  }
0x2d0: {  	s28 =	simm.s32 $0xC400  }
0x2d1: {  	[tilespmem:s28], [sflag:$0x2] =	stream.indirect_vreg.gather [hbm4b:s1+s3], $0x80, v4, vm0, $0xb8;
	[tilespmem:$0x18400] =	vst v63  }
0x2d2: {  	s2 =	simm.s32 $0xCC00;
	v3 =	vperm.xlane v3, v2  }
0x2d3: {  	[tilespmem:s2], [sflag:$0x2] =	stream.indirect_vreg.gather [hbm4b:s4+s3], $0x80, v4, vm0, $0xb8;
	[tilespmem:$0x18400] =	vst v63  }
0x2d4: {  	s7 =	simm.s32 $0xD400;
	v3 =	vadd.s32 v1, v3  }
0x2d5: {  	[tilespmem:s7], [sflag:$0x2] =	stream.indirect_vreg.gather [hbm4b:s5+s3], $0x80, v4, vm0, $0xb8;
	[tilespmem:$0x18400] =	vst v63  }
0x2d6: {  	s10 =	simm.s32 $0xDC00  }
0x2d7: {  	[tilespmem:s10], [sflag:$0x2] =	stream.indirect_vreg.gather [hbm4b:s6+s3], $0x80, v4, vm0, $0xb8;
	[tilespmem:$0x18400] =	vst v63  }
0x2d8: {  	s13 =	simm.s32 $0xE400  }
0x2d9: {  	[tilespmem:s13], [sflag:$0x2] =	stream.indirect_vreg.gather [hbm4b:s1+s3], $0x80, v3, vm0, $0xb8;
	[tilespmem:$0x18400] =	vst v63  }
0x2da: {  	s14 =	simm.s32 $0xEC00  }
0x2db: {  	[tilespmem:s14], [sflag:$0x2] =	stream.indirect_vreg.gather [hbm4b:s4+s3], $0x80, v3, vm0, $0xb8;
	[tilespmem:$0x18400] =	vst v63  }
0x2dc: {  	s24 =	simm.s32 $0xF400  }
0x2dd: {  	[tilespmem:s24], [sflag:$0x2] =	stream.indirect_vreg.gather [hbm4b:s5+s3], $0x80, v3, vm0, $0xb8;
	[tilespmem:$0x18400] =	vst v63  }
0x2de: {  	s15 =	simm.s32 $0xFC00  }
0x2df: {  	[tilespmem:s15], [sflag:$0x2] =	stream.indirect_vreg.gather [hbm4b:s6+s3], $0x80, v3, vm0, $0xb8;
	[tilespmem:$0x18400] =	vst v63  }
0x2e0: {  	_ =	swait.ge [sflag:s17], $0x8000  }
0x2e1: {  	[sflag:s17] =	ssyncset.done $0x0  }
0x2e2: {  	s15 =	rddreg [dreg:$0x11];
	[sflag:s17] =	ssyncadd.s32 $0xFFFF8000  }
0x2e3: {  	[hbm4b:s15+s3] =	stream.linear.scatter [tilespmem:s8], [sflag:$0x4], $0x8000, $0x38;
	[tilespmem:$0x18400] =	vst v63  }
0x2e4: {  	_ =	swait.ge [sflag:s23], $0x8000  }
0x2e5: {  	[sflag:s23] =	ssyncset.done $0x0  }
0x2e6: {  	[sflag:s23] =	ssyncadd.s32 $0xFFFF8000  }
0x2e7: {  	v3 =	vld [tilespmem:$0x1C0];
	_ =	sdelay $0x4  }
0x2e8: {  	v28 =	vshll.u32 v3, $0x3  }
0x2e9: {  	v3 =	vand.u32 $0x7, v3;
	v4 =	vand.u32 $0xFFFFFFC0, v28  }
0x2ea: {  	v3 =	vor.u32 v3, v4  }
0x2eb: {  	v4 =	vperm.xlane v3, v0;
	_ =	sdelay $0x1  }
0x2ec: {  	v4 =	vadd.s32 v1, v4;
	_ =	sdelay $0x4  }
0x2ed: {  	[tilespmem:s0], [sflag:$0x3] =	stream.indirect_vreg.gather [hbm4b:s1+s3], $0x80, v4, vm0, $0xb8;
	[tilespmem:$0x18400] =	vst v63  }
0x2ee: {  	v3 =	vperm.xlane v3, v2  }
0x2ef: {  	[tilespmem:s12], [sflag:$0x3] =	stream.indirect_vreg.gather [hbm4b:s4+s3], $0x80, v4, vm0, $0xb8;
	[tilespmem:$0x18400] =	vst v63  }
0x2f0: {  	s11 =	simm.s32 $0x11400;
	v3 =	vadd.s32 v1, v3  }
0x2f1: {  	[tilespmem:s11], [sflag:$0x3] =	stream.indirect_vreg.gather [hbm4b:s5+s3], $0x80, v4, vm0, $0xb8;
	[tilespmem:$0x18400] =	vst v63  }
0x2f2: {  	s30 =	simm.s32 $0x11C00  }
0x2f3: {  	[tilespmem:s30], [sflag:$0x3] =	stream.indirect_vreg.gather [hbm4b:s6+s3], $0x80, v4, vm0, $0xb8;
	[tilespmem:$0x18400] =	vst v63  }
0x2f4: {  	s31 =	simm.s32 $0x12400  }
0x2f5: {  	[tilespmem:s31], [sflag:$0x3] =	stream.indirect_vreg.gather [hbm4b:s1+s3], $0x80, v3, vm0, $0xb8;
	[tilespmem:$0x18400] =	vst v63  }
0x2f6: {  	s9 =	simm.s32 $0x12C00  }
0x2f7: {  	[tilespmem:s9], [sflag:$0x3] =	stream.indirect_vreg.gather [hbm4b:s4+s3], $0x80, v3, vm0, $0xb8;
	[tilespmem:$0x18400] =	vst v63  }
0x2f8: {  	s25 =	simm.s32 $0x13400  }
0x2f9: {  	[tilespmem:s25], [sflag:$0x3] =	stream.indirect_vreg.gather [hbm4b:s5+s3], $0x80, v3, vm0, $0xb8;
	[tilespmem:$0x18400] =	vst v63  }
0x2fa: {  	s25 =	simm.s32 $0x13C00  }
0x2fb: {  	[tilespmem:s25], [sflag:$0x3] =	stream.indirect_vreg.gather [hbm4b:s6+s3], $0x80, v3, vm0, $0xb8;
	[tilespmem:$0x18400] =	vst v63  }
0x2fc: {  	v3 =	vld [tilespmem:$0x1D0];
	_ =	sdelay $0x4  }
0x2fd: {  	v29 =	vshll.u32 v3, $0x3  }
0x2fe: {  	v3 =	vand.u32 $0x7, v3;
	v4 =	vand.u32 $0xFFFFFFC0, v29  }
0x2ff: {  	v3 =	vor.u32 v3, v4  }
0x300: {  	v4 =	vperm.xlane v3, v0;
	_ =	sdelay $0x1  }
0x301: {  	v4 =	vadd.s32 v1, v4;
	_ =	sdelay $0x3  }
0x302: {  	s30 =	simm.s32 $0x14400  }
0x303: {  	[tilespmem:s30], [sflag:$0x3] =	stream.indirect_vreg.gather [hbm4b:s1+s3], $0x80, v4, vm0, $0xb8;
	[tilespmem:$0x18400] =	vst v63  }
0x304: {  	s25 =	simm.s32 $0x14C00;
	v3 =	vperm.xlane v3, v2  }
0x305: {  	[tilespmem:s25], [sflag:$0x3] =	stream.indirect_vreg.gather [hbm4b:s4+s3], $0x80, v4, vm0, $0xb8;
	[tilespmem:$0x18400] =	vst v63  }
0x306: {  	v3 =	vadd.s32 v1, v3;
	s30 =	simm.s32 $0x15400  }
0x307: {  	[tilespmem:s30], [sflag:$0x3] =	stream.indirect_vreg.gather [hbm4b:s5+s3], $0x80, v4, vm0, $0xb8;
	[tilespmem:$0x18400] =	vst v63  }
0x308: {  	s25 =	simm.s32 $0x15C00  }
0x309: {  	[tilespmem:s25], [sflag:$0x3] =	stream.indirect_vreg.gather [hbm4b:s6+s3], $0x80, v4, vm0, $0xb8;
	[tilespmem:$0x18400] =	vst v63  }
0x30a: {  	s25 =	simm.s32 $0x16400  }
0x30b: {  	[tilespmem:s25], [sflag:$0x3] =	stream.indirect_vreg.gather [hbm4b:s1+s3], $0x80, v3, vm0, $0xb8;
	[tilespmem:$0x18400] =	vst v63  }
0x30c: {  	s24 =	simm.s32 $0x16C00  }
0x30d: {  	[tilespmem:s24], [sflag:$0x3] =	stream.indirect_vreg.gather [hbm4b:s4+s3], $0x80, v3, vm0, $0xb8;
	[tilespmem:$0x18400] =	vst v63  }
0x30e: {  	s24 =	simm.s32 $0x17400  }
0x30f: {  	[tilespmem:s24], [sflag:$0x3] =	stream.indirect_vreg.gather [hbm4b:s5+s3], $0x80, v3, vm0, $0xb8;
	[tilespmem:$0x18400] =	vst v63  }
0x310: {  	s24 =	simm.s32 $0x17C00  }
0x311: {  	[tilespmem:s24], [sflag:$0x3] =	stream.indirect_vreg.gather [hbm4b:s6+s3], $0x80, v3, vm0, $0xb8;
	[tilespmem:$0x18400] =	vst v63  }
0x312: {  	_ =	swait.ge [sflag:s19], $0x8000  }
0x313: {  	[sflag:s19] =	ssyncset.done $0x0  }
0x314: {  	s24 =	rddreg [dreg:$0x12];
	[sflag:s19] =	ssyncadd.s32 $0xFFFF8000  }
0x315: {  	[hbm4b:s24+s3] =	stream.linear.scatter [tilespmem:s29], [sflag:$0x5], $0x8000, $0x38;
	[tilespmem:$0x18400] =	vst v63  }
0x316: {  	_ =	swait.ge [sflag:s20], $0x8000  }
0x317: {  	[sflag:s20] =	ssyncset.done $0x0  }
0x318: {  	[sflag:s20] =	ssyncadd.s32 $0xFFFF8000  }
0x319: {  	v3 =	vld [tilespmem:$0x1E0];
	_ =	sdelay $0x4  }
0x31a: {  	v30 =	vshll.u32 v3, $0x3  }
0x31b: {  	v3 =	vand.u32 $0x7, v3;
	v4 =	vand.u32 $0xFFFFFFC0, v30  }
0x31c: {  	v3 =	vor.u32 v3, v4  }
0x31d: {  	v4 =	vperm.xlane v3, v0;
	_ =	sdelay $0x1  }
0x31e: {  	v4 =	vadd.s32 v1, v4;
	_ =	sdelay $0x4  }
0x31f: {  	[tilespmem:s8], [sflag:$0x1] =	stream.indirect_vreg.gather [hbm4b:s1+s3], $0x80, v4, vm0, $0xb8;
	[tilespmem:$0x18400] =	vst v63  }
0x320: {  	s24 =	simm.s32 $0xC00;
	v3 =	vperm.xlane v3, v2  }
0x321: {  	[tilespmem:s24], [sflag:$0x1] =	stream.indirect_vreg.gather [hbm4b:s4+s3], $0x80, v4, vm0, $0xb8;
	[tilespmem:$0x18400] =	vst v63  }
0x322: {  	v3 =	vadd.s32 v1, v3;
	s24 =	simm.s32 $0x1400  }
0x323: {  	[tilespmem:s24], [sflag:$0x1] =	stream.indirect_vreg.gather [hbm4b:s5+s3], $0x80, v4, vm0, $0xb8;
	[tilespmem:$0x18400] =	vst v63  }
0x324: {  	s24 =	simm.s32 $0x1C00  }
0x325: {  	[tilespmem:s24], [sflag:$0x1] =	stream.indirect_vreg.gather [hbm4b:s6+s3], $0x80, v4, vm0, $0xb8;
	[tilespmem:$0x18400] =	vst v63  }
0x326: {  	s24 =	simm.s32 $0x2400  }
0x327: {  	[tilespmem:s24], [sflag:$0x1] =	stream.indirect_vreg.gather [hbm4b:s1+s3], $0x80, v3, vm0, $0xb8;
	[tilespmem:$0x18400] =	vst v63  }
0x328: {  	s24 =	simm.s32 $0x2C00  }
0x329: {  	[tilespmem:s24], [sflag:$0x1] =	stream.indirect_vreg.gather [hbm4b:s4+s3], $0x80, v3, vm0, $0xb8;
	[tilespmem:$0x18400] =	vst v63  }
0x32a: {  	s24 =	simm.s32 $0x3400  }
0x32b: {  	[tilespmem:s24], [sflag:$0x1] =	stream.indirect_vreg.gather [hbm4b:s5+s3], $0x80, v3, vm0, $0xb8;
	[tilespmem:$0x18400] =	vst v63  }
0x32c: {  	s24 =	simm.s32 $0x3C00  }
0x32d: {  	[tilespmem:s24], [sflag:$0x1] =	stream.indirect_vreg.gather [hbm4b:s6+s3], $0x80, v3, vm0, $0xb8;
	[tilespmem:$0x18400] =	vst v63  }
0x32e: {  	v3 =	vld [tilespmem:$0x1F0];
	_ =	sdelay $0x4  }
0x32f: {  	v31 =	vshll.u32 v3, $0x3  }
0x330: {  	v3 =	vand.u32 $0x7, v3;
	v4 =	vand.u32 $0xFFFFFFC0, v31  }
0x331: {  	v3 =	vor.u32 v3, v4  }
0x332: {  	v4 =	vperm.xlane v3, v0;
	_ =	sdelay $0x1  }
0x333: {  	v4 =	vadd.s32 v1, v4;
	_ =	sdelay $0x3  }
0x334: {  	s24 =	simm.s32 $0x4400  }
0x335: {  	[tilespmem:s24], [sflag:$0x1] =	stream.indirect_vreg.gather [hbm4b:s1+s3], $0x80, v4, vm0, $0xb8;
	[tilespmem:$0x18400] =	vst v63  }
0x336: {  	v3 =	vperm.xlane v3, v2;
	s24 =	simm.s32 $0x4C00  }
0x337: {  	[tilespmem:s24], [sflag:$0x1] =	stream.indirect_vreg.gather [hbm4b:s4+s3], $0x80, v4, vm0, $0xb8;
	[tilespmem:$0x18400] =	vst v63  }
0x338: {  	v3 =	vadd.s32 v1, v3;
	s24 =	simm.s32 $0x5400  }
0x339: {  	[tilespmem:s24], [sflag:$0x1] =	stream.indirect_vreg.gather [hbm4b:s5+s3], $0x80, v4, vm0, $0xb8;
	[tilespmem:$0x18400] =	vst v63  }
0x33a: {  	s24 =	simm.s32 $0x5C00  }
0x33b: {  	[tilespmem:s24], [sflag:$0x1] =	stream.indirect_vreg.gather [hbm4b:s6+s3], $0x80, v4, vm0, $0xb8;
	[tilespmem:$0x18400] =	vst v63  }
0x33c: {  	s24 =	simm.s32 $0x6400  }
0x33d: {  	[tilespmem:s24], [sflag:$0x1] =	stream.indirect_vreg.gather [hbm4b:s1+s3], $0x80, v3, vm0, $0xb8;
	[tilespmem:$0x18400] =	vst v63  }
0x33e: {  	s24 =	simm.s32 $0x6C00  }
0x33f: {  	[tilespmem:s24], [sflag:$0x1] =	stream.indirect_vreg.gather [hbm4b:s4+s3], $0x80, v3, vm0, $0xb8;
	[tilespmem:$0x18400] =	vst v63  }
0x340: {  	s24 =	simm.s32 $0x7400  }
0x341: {  	[tilespmem:s24], [sflag:$0x1] =	stream.indirect_vreg.gather [hbm4b:s5+s3], $0x80, v3, vm0, $0xb8;
	[tilespmem:$0x18400] =	vst v63  }
0x342: {  	s24 =	simm.s32 $0x7C00  }
0x343: {  	[tilespmem:s24], [sflag:$0x1] =	stream.indirect_vreg.gather [hbm4b:s6+s3], $0x80, v3, vm0, $0xb8;
	[tilespmem:$0x18400] =	vst v63  }
0x344: {  	_ =	swait.ge [sflag:s21], $0x8000  }
0x345: {  	[sflag:s21] =	ssyncset.done $0x0  }
0x346: {  	s24 =	rddreg [dreg:$0x13];
	[sflag:s21] =	ssyncadd.s32 $0xFFFF8000  }
0x347: {  	[hbm4b:s24+s3] =	stream.linear.scatter [tilespmem:s0], [sflag:$0x6], $0x8000, $0x38;
	[tilespmem:$0x18400] =	vst v63  }
0x348: {  	_ =	swait.ge [sflag:s22], $0x8000  }
0x349: {  	[sflag:s22] =	ssyncset.done $0x0  }
0x34a: {  	[sflag:s22] =	ssyncadd.s32 $0xFFFF8000  }
0x34b: {  	v3 =	vld [tilespmem:$0x200];
	_ =	sdelay $0x4  }
0x34c: {  	v32 =	vshll.u32 v3, $0x3  }
0x34d: {  	v3 =	vand.u32 $0x7, v3;
	v4 =	vand.u32 $0xFFFFFFC0, v32  }
0x34e: {  	v3 =	vor.u32 v3, v4  }
0x34f: {  	v4 =	vperm.xlane v3, v0;
	_ =	sdelay $0x1  }
0x350: {  	v4 =	vadd.s32 v1, v4;
	_ =	sdelay $0x4  }
0x351: {  	[tilespmem:s29], [sflag:$0x2] =	stream.indirect_vreg.gather [hbm4b:s1+s3], $0x80, v4, vm0, $0xb8;
	[tilespmem:$0x18400] =	vst v63  }
0x352: {  	s18 =	simm.s32 $0x8C00;
	v3 =	vperm.xlane v3, v2  }
0x353: {  	[tilespmem:s18], [sflag:$0x2] =	stream.indirect_vreg.gather [hbm4b:s4+s3], $0x80, v4, vm0, $0xb8;
	[tilespmem:$0x18400] =	vst v63  }
0x354: {  	s24 =	simm.s32 $0x9400;
	v3 =	vadd.s32 v1, v3  }
0x355: {  	[tilespmem:s24], [sflag:$0x2] =	stream.indirect_vreg.gather [hbm4b:s5+s3], $0x80, v4, vm0, $0xb8;
	[tilespmem:$0x18400] =	vst v63  }
0x356: {  	s24 =	simm.s32 $0x9C00  }
0x357: {  	[tilespmem:s24], [sflag:$0x2] =	stream.indirect_vreg.gather [hbm4b:s6+s3], $0x80, v4, vm0, $0xb8;
	[tilespmem:$0x18400] =	vst v63  }
0x358: {  	s24 =	simm.s32 $0xA400  }
0x359: {  	[tilespmem:s24], [sflag:$0x2] =	stream.indirect_vreg.gather [hbm4b:s1+s3], $0x80, v3, vm0, $0xb8;
	[tilespmem:$0x18400] =	vst v63  }
0x35a: {  	s24 =	simm.s32 $0xAC00  }
0x35b: {  	[tilespmem:s24], [sflag:$0x2] =	stream.indirect_vreg.gather [hbm4b:s4+s3], $0x80, v3, vm0, $0xb8;
	[tilespmem:$0x18400] =	vst v63  }
0x35c: {  	s24 =	simm.s32 $0xB400  }
0x35d: {  	[tilespmem:s24], [sflag:$0x2] =	stream.indirect_vreg.gather [hbm4b:s5+s3], $0x80, v3, vm0, $0xb8;
	[tilespmem:$0x18400] =	vst v63  }
0x35e: {  	s16 =	simm.s32 $0xBC00  }
0x35f: {  	[tilespmem:s16], [sflag:$0x2] =	stream.indirect_vreg.gather [hbm4b:s6+s3], $0x80, v3, vm0, $0xb8;
	[tilespmem:$0x18400] =	vst v63  }
0x360: {  	v3 =	vld [tilespmem:$0x210];
	_ =	sdelay $0x4  }
0x361: {  	v33 =	vshll.u32 v3, $0x3  }
0x362: {  	v3 =	vand.u32 $0x7, v3;
	v4 =	vand.u32 $0xFFFFFFC0, v33  }
0x363: {  	v3 =	vor.u32 v3, v4  }
0x364: {  	v4 =	vperm.xlane v3, v0;
	_ =	sdelay $0x1  }
0x365: {  	v4 =	vadd.s32 v1, v4;
	_ =	sdelay $0x3  }
0x366: {  	s26 =	simm.s32 $0xC400  }
0x367: {  	[tilespmem:s26], [sflag:$0x2] =	stream.indirect_vreg.gather [hbm4b:s1+s3], $0x80, v4, vm0, $0xb8;
	[tilespmem:$0x18400] =	vst v63  }
0x368: {  	s2 =	simm.s32 $0xCC00;
	v3 =	vperm.xlane v3, v2  }
0x369: {  	[tilespmem:s2], [sflag:$0x2] =	stream.indirect_vreg.gather [hbm4b:s4+s3], $0x80, v4, vm0, $0xb8;
	[tilespmem:$0x18400] =	vst v63  }
0x36a: {  	s28 =	simm.s32 $0xD400;
	v3 =	vadd.s32 v1, v3  }
0x36b: {  	[tilespmem:s28], [sflag:$0x2] =	stream.indirect_vreg.gather [hbm4b:s5+s3], $0x80, v4, vm0, $0xb8;
	[tilespmem:$0x18400] =	vst v63  }
0x36c: {  	s10 =	simm.s32 $0xDC00  }
0x36d: {  	[tilespmem:s10], [sflag:$0x2] =	stream.indirect_vreg.gather [hbm4b:s6+s3], $0x80, v4, vm0, $0xb8;
	[tilespmem:$0x18400] =	vst v63  }
0x36e: {  	s13 =	simm.s32 $0xE400  }
0x36f: {  	[tilespmem:s13], [sflag:$0x2] =	stream.indirect_vreg.gather [hbm4b:s1+s3], $0x80, v3, vm0, $0xb8;
	[tilespmem:$0x18400] =	vst v63  }
0x370: {  	s14 =	simm.s32 $0xEC00  }
0x371: {  	[tilespmem:s14], [sflag:$0x2] =	stream.indirect_vreg.gather [hbm4b:s4+s3], $0x80, v3, vm0, $0xb8;
	[tilespmem:$0x18400] =	vst v63  }
0x372: {  	s24 =	simm.s32 $0xF400  }
0x373: {  	[tilespmem:s24], [sflag:$0x2] =	stream.indirect_vreg.gather [hbm4b:s5+s3], $0x80, v3, vm0, $0xb8;
	[tilespmem:$0x18400] =	vst v63  }
0x374: {  	s7 =	simm.s32 $0xFC00  }
0x375: {  	[tilespmem:s7], [sflag:$0x2] =	stream.indirect_vreg.gather [hbm4b:s6+s3], $0x80, v3, vm0, $0xb8;
	[tilespmem:$0x18400] =	vst v63  }
0x376: {  	_ =	swait.ge [sflag:s17], $0x8000  }
0x377: {  	[sflag:s17] =	ssyncset.done $0x0  }
0x378: {  	s24 =	rddreg [dreg:$0x14];
	[sflag:s17] =	ssyncadd.s32 $0xFFFF8000  }
0x379: {  	[hbm4b:s24+s3] =	stream.linear.scatter [tilespmem:s8], [sflag:$0x4], $0x8000, $0x38;
	[tilespmem:$0x18400] =	vst v63  }
0x37a: {  	_ =	swait.ge [sflag:s23], $0x8000  }
0x37b: {  	[sflag:s23] =	ssyncset.done $0x0  }
0x37c: {  	[sflag:s23] =	ssyncadd.s32 $0xFFFF8000  }
0x37d: {  	v3 =	vld [tilespmem:$0x220];
	_ =	sdelay $0x4  }
0x37e: {  	v34 =	vshll.u32 v3, $0x3  }
0x37f: {  	v3 =	vand.u32 $0x7, v3;
	v4 =	vand.u32 $0xFFFFFFC0, v34  }
0x380: {  	v3 =	vor.u32 v3, v4  }
0x381: {  	v4 =	vperm.xlane v3, v0;
	_ =	sdelay $0x1  }
0x382: {  	v4 =	vadd.s32 v1, v4;
	_ =	sdelay $0x4  }
0x383: {  	[tilespmem:s0], [sflag:$0x3] =	stream.indirect_vreg.gather [hbm4b:s1+s3], $0x80, v4, vm0, $0xb8;
	[tilespmem:$0x18400] =	vst v63  }
0x384: {  	s24 =	simm.s32 $0x10C00;
	v3 =	vperm.xlane v3, v2  }
0x385: {  	[tilespmem:s24], [sflag:$0x3] =	stream.indirect_vreg.gather [hbm4b:s4+s3], $0x80, v4, vm0, $0xb8;
	[tilespmem:$0x18400] =	vst v63  }
0x386: {  	s15 =	simm.s32 $0x11400;
	v3 =	vadd.s32 v1, v3  }
0x387: {  	[tilespmem:s15], [sflag:$0x3] =	stream.indirect_vreg.gather [hbm4b:s5+s3], $0x80, v4, vm0, $0xb8;
	[tilespmem:$0x18400] =	vst v63  }
0x388: {  	s11 =	simm.s32 $0x11C00  }
0x389: {  	[tilespmem:s11], [sflag:$0x3] =	stream.indirect_vreg.gather [hbm4b:s6+s3], $0x80, v4, vm0, $0xb8;
	[tilespmem:$0x18400] =	vst v63  }
0x38a: {  	s31 =	simm.s32 $0x12400  }
0x38b: {  	[tilespmem:s31], [sflag:$0x3] =	stream.indirect_vreg.gather [hbm4b:s1+s3], $0x80, v3, vm0, $0xb8;
	[tilespmem:$0x18400] =	vst v63  }
0x38c: {  	s9 =	simm.s32 $0x12C00  }
0x38d: {  	[tilespmem:s9], [sflag:$0x3] =	stream.indirect_vreg.gather [hbm4b:s4+s3], $0x80, v3, vm0, $0xb8;
	[tilespmem:$0x18400] =	vst v63  }
0x38e: {  	s12 =	simm.s32 $0x13400  }
0x38f: {  	[tilespmem:s12], [sflag:$0x3] =	stream.indirect_vreg.gather [hbm4b:s5+s3], $0x80, v3, vm0, $0xb8;
	[tilespmem:$0x18400] =	vst v63  }
0x390: {  	s24 =	simm.s32 $0x13C00  }
0x391: {  	[tilespmem:s24], [sflag:$0x3] =	stream.indirect_vreg.gather [hbm4b:s6+s3], $0x80, v3, vm0, $0xb8;
	[tilespmem:$0x18400] =	vst v63  }
0x392: {  	v3 =	vld [tilespmem:$0x230];
	_ =	sdelay $0x4  }
0x393: {  	v35 =	vshll.u32 v3, $0x3  }
0x394: {  	v3 =	vand.u32 $0x7, v3;
	v4 =	vand.u32 $0xFFFFFFC0, v35  }
0x395: {  	v3 =	vor.u32 v3, v4  }
0x396: {  	v4 =	vperm.xlane v3, v0;
	_ =	sdelay $0x1  }
0x397: {  	v4 =	vadd.s32 v1, v4;
	_ =	sdelay $0x3  }
0x398: {  	s24 =	simm.s32 $0x14400  }
0x399: {  	[tilespmem:s24], [sflag:$0x3] =	stream.indirect_vreg.gather [hbm4b:s1+s3], $0x80, v4, vm0, $0xb8;
	[tilespmem:$0x18400] =	vst v63  }
0x39a: {  	v3 =	vperm.xlane v3, v2;
	s24 =	simm.s32 $0x14C00  }
0x39b: {  	[tilespmem:s24], [sflag:$0x3] =	stream.indirect_vreg.gather [hbm4b:s4+s3], $0x80, v4, vm0, $0xb8;
	[tilespmem:$0x18400] =	vst v63  }
0x39c: {  	s30 =	simm.s32 $0x15400;
	v3 =	vadd.s32 v1, v3  }
0x39d: {  	[tilespmem:s30], [sflag:$0x3] =	stream.indirect_vreg.gather [hbm4b:s5+s3], $0x80, v4, vm0, $0xb8;
	[tilespmem:$0x18400] =	vst v63  }
0x39e: {  	s24 =	simm.s32 $0x15C00  }
0x39f: {  	[tilespmem:s24], [sflag:$0x3] =	stream.indirect_vreg.gather [hbm4b:s6+s3], $0x80, v4, vm0, $0xb8;
	[tilespmem:$0x18400] =	vst v63  }
0x3a0: {  	s25 =	simm.s32 $0x16400  }
0x3a1: {  	[tilespmem:s25], [sflag:$0x3] =	stream.indirect_vreg.gather [hbm4b:s1+s3], $0x80, v3, vm0, $0xb8;
	[tilespmem:$0x18400] =	vst v63  }
0x3a2: {  	s24 =	simm.s32 $0x16C00  }
0x3a3: {  	[tilespmem:s24], [sflag:$0x3] =	stream.indirect_vreg.gather [hbm4b:s4+s3], $0x80, v3, vm0, $0xb8;
	[tilespmem:$0x18400] =	vst v63  }
0x3a4: {  	s24 =	simm.s32 $0x17400  }
0x3a5: {  	[tilespmem:s24], [sflag:$0x3] =	stream.indirect_vreg.gather [hbm4b:s5+s3], $0x80, v3, vm0, $0xb8;
	[tilespmem:$0x18400] =	vst v63  }
0x3a6: {  	s24 =	simm.s32 $0x17C00  }
0x3a7: {  	[tilespmem:s24], [sflag:$0x3] =	stream.indirect_vreg.gather [hbm4b:s6+s3], $0x80, v3, vm0, $0xb8;
	[tilespmem:$0x18400] =	vst v63  }
0x3a8: {  	_ =	swait.ge [sflag:s19], $0x8000  }
0x3a9: {  	[sflag:s19] =	ssyncset.done $0x0  }
0x3aa: {  	s24 =	rddreg [dreg:$0x15];
	[sflag:s19] =	ssyncadd.s32 $0xFFFF8000  }
0x3ab: {  	[hbm4b:s24+s3] =	stream.linear.scatter [tilespmem:s29], [sflag:$0x5], $0x8000, $0x38;
	[tilespmem:$0x18400] =	vst v63  }
0x3ac: {  	_ =	swait.ge [sflag:s20], $0x8000  }
0x3ad: {  	[sflag:s20] =	ssyncset.done $0x0  }
0x3ae: {  	[sflag:s20] =	ssyncadd.s32 $0xFFFF8000  }
0x3af: {  	v3 =	vld [tilespmem:$0x240];
	_ =	sdelay $0x4  }
0x3b0: {  	v36 =	vshll.u32 v3, $0x3  }
0x3b1: {  	v3 =	vand.u32 $0x7, v3;
	v4 =	vand.u32 $0xFFFFFFC0, v36  }
0x3b2: {  	v3 =	vor.u32 v3, v4  }
0x3b3: {  	v4 =	vperm.xlane v3, v0;
	_ =	sdelay $0x1  }
0x3b4: {  	v4 =	vadd.s32 v1, v4;
	_ =	sdelay $0x4  }
0x3b5: {  	[tilespmem:s8], [sflag:$0x1] =	stream.indirect_vreg.gather [hbm4b:s1+s3], $0x80, v4, vm0, $0xb8;
	[tilespmem:$0x18400] =	vst v63  }
0x3b6: {  	s24 =	simm.s32 $0xC00;
	v3 =	vperm.xlane v3, v2  }
0x3b7: {  	[tilespmem:s24], [sflag:$0x1] =	stream.indirect_vreg.gather [hbm4b:s4+s3], $0x80, v4, vm0, $0xb8;
	[tilespmem:$0x18400] =	vst v63  }
0x3b8: {  	v3 =	vadd.s32 v1, v3;
	s24 =	simm.s32 $0x1400  }
0x3b9: {  	[tilespmem:s24], [sflag:$0x1] =	stream.indirect_vreg.gather [hbm4b:s5+s3], $0x80, v4, vm0, $0xb8;
	[tilespmem:$0x18400] =	vst v63  }
0x3ba: {  	s24 =	simm.s32 $0x1C00  }
0x3bb: {  	[tilespmem:s24], [sflag:$0x1] =	stream.indirect_vreg.gather [hbm4b:s6+s3], $0x80, v4, vm0, $0xb8;
	[tilespmem:$0x18400] =	vst v63  }
0x3bc: {  	s24 =	simm.s32 $0x2400  }
0x3bd: {  	[tilespmem:s24], [sflag:$0x1] =	stream.indirect_vreg.gather [hbm4b:s1+s3], $0x80, v3, vm0, $0xb8;
	[tilespmem:$0x18400] =	vst v63  }
0x3be: {  	s24 =	simm.s32 $0x2C00  }
0x3bf: {  	[tilespmem:s24], [sflag:$0x1] =	stream.indirect_vreg.gather [hbm4b:s4+s3], $0x80, v3, vm0, $0xb8;
	[tilespmem:$0x18400] =	vst v63  }
0x3c0: {  	s24 =	simm.s32 $0x3400  }
0x3c1: {  	[tilespmem:s24], [sflag:$0x1] =	stream.indirect_vreg.gather [hbm4b:s5+s3], $0x80, v3, vm0, $0xb8;
	[tilespmem:$0x18400] =	vst v63  }
0x3c2: {  	s24 =	simm.s32 $0x3C00  }
0x3c3: {  	[tilespmem:s24], [sflag:$0x1] =	stream.indirect_vreg.gather [hbm4b:s6+s3], $0x80, v3, vm0, $0xb8;
	[tilespmem:$0x18400] =	vst v63  }
0x3c4: {  	v3 =	vld [tilespmem:$0x250];
	_ =	sdelay $0x4  }
0x3c5: {  	v37 =	vshll.u32 v3, $0x3  }
0x3c6: {  	v3 =	vand.u32 $0x7, v3;
	v4 =	vand.u32 $0xFFFFFFC0, v37  }
0x3c7: {  	v3 =	vor.u32 v3, v4  }
0x3c8: {  	v4 =	vperm.xlane v3, v0;
	_ =	sdelay $0x1  }
0x3c9: {  	v4 =	vadd.s32 v1, v4;
	_ =	sdelay $0x3  }
0x3ca: {  	s24 =	simm.s32 $0x4400  }
0x3cb: {  	[tilespmem:s24], [sflag:$0x1] =	stream.indirect_vreg.gather [hbm4b:s1+s3], $0x80, v4, vm0, $0xb8;
	[tilespmem:$0x18400] =	vst v63  }
0x3cc: {  	v3 =	vperm.xlane v3, v2;
	s24 =	simm.s32 $0x4C00  }
0x3cd: {  	[tilespmem:s24], [sflag:$0x1] =	stream.indirect_vreg.gather [hbm4b:s4+s3], $0x80, v4, vm0, $0xb8;
	[tilespmem:$0x18400] =	vst v63  }
0x3ce: {  	v3 =	vadd.s32 v1, v3;
	s24 =	simm.s32 $0x5400  }
0x3cf: {  	[tilespmem:s24], [sflag:$0x1] =	stream.indirect_vreg.gather [hbm4b:s5+s3], $0x80, v4, vm0, $0xb8;
	[tilespmem:$0x18400] =	vst v63  }
0x3d0: {  	s24 =	simm.s32 $0x5C00  }
0x3d1: {  	[tilespmem:s24], [sflag:$0x1] =	stream.indirect_vreg.gather [hbm4b:s6+s3], $0x80, v4, vm0, $0xb8;
	[tilespmem:$0x18400] =	vst v63  }
0x3d2: {  	s24 =	simm.s32 $0x6400  }
0x3d3: {  	[tilespmem:s24], [sflag:$0x1] =	stream.indirect_vreg.gather [hbm4b:s1+s3], $0x80, v3, vm0, $0xb8;
	[tilespmem:$0x18400] =	vst v63  }
0x3d4: {  	s24 =	simm.s32 $0x6C00  }
0x3d5: {  	[tilespmem:s24], [sflag:$0x1] =	stream.indirect_vreg.gather [hbm4b:s4+s3], $0x80, v3, vm0, $0xb8;
	[tilespmem:$0x18400] =	vst v63  }
0x3d6: {  	s24 =	simm.s32 $0x7400  }
0x3d7: {  	[tilespmem:s24], [sflag:$0x1] =	stream.indirect_vreg.gather [hbm4b:s5+s3], $0x80, v3, vm0, $0xb8;
	[tilespmem:$0x18400] =	vst v63  }
0x3d8: {  	s24 =	simm.s32 $0x7C00  }
0x3d9: {  	[tilespmem:s24], [sflag:$0x1] =	stream.indirect_vreg.gather [hbm4b:s6+s3], $0x80, v3, vm0, $0xb8;
	[tilespmem:$0x18400] =	vst v63  }
0x3da: {  	_ =	swait.ge [sflag:s21], $0x8000  }
0x3db: {  	[sflag:s21] =	ssyncset.done $0x0  }
0x3dc: {  	s24 =	rddreg [dreg:$0x16];
	[sflag:s21] =	ssyncadd.s32 $0xFFFF8000  }
0x3dd: {  	[hbm4b:s24+s3] =	stream.linear.scatter [tilespmem:s0], [sflag:$0x6], $0x8000, $0x38;
	[tilespmem:$0x18400] =	vst v63  }
0x3de: {  	_ =	swait.ge [sflag:s22], $0x8000  }
0x3df: {  	[sflag:s22] =	ssyncset.done $0x0  }
0x3e0: {  	[sflag:s22] =	ssyncadd.s32 $0xFFFF8000  }
0x3e1: {  	v3 =	vld [tilespmem:$0x260];
	_ =	sdelay $0x4  }
0x3e2: {  	v38 =	vshll.u32 v3, $0x3  }
0x3e3: {  	v3 =	vand.u32 $0x7, v3;
	v4 =	vand.u32 $0xFFFFFFC0, v38  }
0x3e4: {  	v3 =	vor.u32 v3, v4  }
0x3e5: {  	v4 =	vperm.xlane v3, v0;
	_ =	sdelay $0x1  }
0x3e6: {  	v4 =	vadd.s32 v1, v4;
	_ =	sdelay $0x4  }
0x3e7: {  	[tilespmem:s29], [sflag:$0x2] =	stream.indirect_vreg.gather [hbm4b:s1+s3], $0x80, v4, vm0, $0xb8;
	[tilespmem:$0x18400] =	vst v63  }
0x3e8: {  	s18 =	simm.s32 $0x8C00;
	v3 =	vperm.xlane v3, v2  }
0x3e9: {  	[tilespmem:s18], [sflag:$0x2] =	stream.indirect_vreg.gather [hbm4b:s4+s3], $0x80, v4, vm0, $0xb8;
	[tilespmem:$0x18400] =	vst v63  }
0x3ea: {  	s24 =	simm.s32 $0x9400;
	v3 =	vadd.s32 v1, v3  }
0x3eb: {  	[tilespmem:s24], [sflag:$0x2] =	stream.indirect_vreg.gather [hbm4b:s5+s3], $0x80, v4, vm0, $0xb8;
	[tilespmem:$0x18400] =	vst v63  }
0x3ec: {  	s24 =	simm.s32 $0x9C00  }
0x3ed: {  	[tilespmem:s24], [sflag:$0x2] =	stream.indirect_vreg.gather [hbm4b:s6+s3], $0x80, v4, vm0, $0xb8;
	[tilespmem:$0x18400] =	vst v63  }
0x3ee: {  	s24 =	simm.s32 $0xA400  }
0x3ef: {  	[tilespmem:s24], [sflag:$0x2] =	stream.indirect_vreg.gather [hbm4b:s1+s3], $0x80, v3, vm0, $0xb8;
	[tilespmem:$0x18400] =	vst v63  }
0x3f0: {  	s24 =	simm.s32 $0xAC00  }
0x3f1: {  	[tilespmem:s24], [sflag:$0x2] =	stream.indirect_vreg.gather [hbm4b:s4+s3], $0x80, v3, vm0, $0xb8;
	[tilespmem:$0x18400] =	vst v63  }
0x3f2: {  	s24 =	simm.s32 $0xB400  }
0x3f3: {  	[tilespmem:s24], [sflag:$0x2] =	stream.indirect_vreg.gather [hbm4b:s5+s3], $0x80, v3, vm0, $0xb8;
	[tilespmem:$0x18400] =	vst v63  }
0x3f4: {  	s16 =	simm.s32 $0xBC00  }
0x3f5: {  	[tilespmem:s16], [sflag:$0x2] =	stream.indirect_vreg.gather [hbm4b:s6+s3], $0x80, v3, vm0, $0xb8;
	[tilespmem:$0x18400] =	vst v63  }
0x3f6: {  	v3 =	vld [tilespmem:$0x270];
	_ =	sdelay $0x4  }
0x3f7: {  	v39 =	vshll.u32 v3, $0x3  }
0x3f8: {  	v3 =	vand.u32 $0x7, v3;
	v4 =	vand.u32 $0xFFFFFFC0, v39  }
0x3f9: {  	v3 =	vor.u32 v3, v4  }
0x3fa: {  	v4 =	vperm.xlane v3, v0;
	_ =	sdelay $0x1  }
0x3fb: {  	v4 =	vadd.s32 v1, v4;
	_ =	sdelay $0x3  }
0x3fc: {  	s26 =	simm.s32 $0xC400  }
0x3fd: {  	[tilespmem:s26], [sflag:$0x2] =	stream.indirect_vreg.gather [hbm4b:s1+s3], $0x80, v4, vm0, $0xb8;
	[tilespmem:$0x18400] =	vst v63  }
0x3fe: {  	s2 =	simm.s32 $0xCC00;
	v3 =	vperm.xlane v3, v2  }
0x3ff: {  	[tilespmem:s2], [sflag:$0x2] =	stream.indirect_vreg.gather [hbm4b:s4+s3], $0x80, v4, vm0, $0xb8;
	[tilespmem:$0x18400] =	vst v63  }
0x400: {  	s28 =	simm.s32 $0xD400;
	v3 =	vadd.s32 v1, v3  }
0x401: {  	[tilespmem:s28], [sflag:$0x2] =	stream.indirect_vreg.gather [hbm4b:s5+s3], $0x80, v4, vm0, $0xb8;
	[tilespmem:$0x18400] =	vst v63  }
0x402: {  	s10 =	simm.s32 $0xDC00  }
0x403: {  	[tilespmem:s10], [sflag:$0x2] =	stream.indirect_vreg.gather [hbm4b:s6+s3], $0x80, v4, vm0, $0xb8;
	[tilespmem:$0x18400] =	vst v63  }
0x404: {  	s13 =	simm.s32 $0xE400  }
0x405: {  	[tilespmem:s13], [sflag:$0x2] =	stream.indirect_vreg.gather [hbm4b:s1+s3], $0x80, v3, vm0, $0xb8;
	[tilespmem:$0x18400] =	vst v63  }
0x406: {  	s14 =	simm.s32 $0xEC00  }
0x407: {  	[tilespmem:s14], [sflag:$0x2] =	stream.indirect_vreg.gather [hbm4b:s4+s3], $0x80, v3, vm0, $0xb8;
	[tilespmem:$0x18400] =	vst v63  }
0x408: {  	s24 =	simm.s32 $0xF400  }
0x409: {  	[tilespmem:s24], [sflag:$0x2] =	stream.indirect_vreg.gather [hbm4b:s5+s3], $0x80, v3, vm0, $0xb8;
	[tilespmem:$0x18400] =	vst v63  }
0x40a: {  	s7 =	simm.s32 $0xFC00  }
0x40b: {  	[tilespmem:s7], [sflag:$0x2] =	stream.indirect_vreg.gather [hbm4b:s6+s3], $0x80, v3, vm0, $0xb8;
	[tilespmem:$0x18400] =	vst v63  }
0x40c: {  	_ =	swait.ge [sflag:s17], $0x8000  }
0x40d: {  	[sflag:s17] =	ssyncset.done $0x0  }
0x40e: {  	s24 =	rddreg [dreg:$0x17];
	[sflag:s17] =	ssyncadd.s32 $0xFFFF8000  }
0x40f: {  	[hbm4b:s24+s3] =	stream.linear.scatter [tilespmem:s8], [sflag:$0x4], $0x8000, $0x38;
	[tilespmem:$0x18400] =	vst v63  }
0x410: {  	_ =	swait.ge [sflag:s23], $0x8000  }
0x411: {  	[sflag:s23] =	ssyncset.done $0x0  }
0x412: {  	[sflag:s23] =	ssyncadd.s32 $0xFFFF8000  }
0x413: {  	v3 =	vld [tilespmem:$0x280];
	_ =	sdelay $0x4  }
0x414: {  	v40 =	vshll.u32 v3, $0x3  }
0x415: {  	v3 =	vand.u32 $0x7, v3;
	v4 =	vand.u32 $0xFFFFFFC0, v40  }
0x416: {  	v3 =	vor.u32 v3, v4  }
0x417: {  	v4 =	vperm.xlane v3, v0;
	_ =	sdelay $0x1  }
0x418: {  	v4 =	vadd.s32 v1, v4;
	_ =	sdelay $0x4  }
0x419: {  	[tilespmem:s0], [sflag:$0x3] =	stream.indirect_vreg.gather [hbm4b:s1+s3], $0x80, v4, vm0, $0xb8;
	[tilespmem:$0x18400] =	vst v63  }
0x41a: {  	s24 =	simm.s32 $0x10C00;
	v3 =	vperm.xlane v3, v2  }
0x41b: {  	[tilespmem:s24], [sflag:$0x3] =	stream.indirect_vreg.gather [hbm4b:s4+s3], $0x80, v4, vm0, $0xb8;
	[tilespmem:$0x18400] =	vst v63  }
0x41c: {  	s15 =	simm.s32 $0x11400;
	v3 =	vadd.s32 v1, v3  }
0x41d: {  	[tilespmem:s15], [sflag:$0x3] =	stream.indirect_vreg.gather [hbm4b:s5+s3], $0x80, v4, vm0, $0xb8;
	[tilespmem:$0x18400] =	vst v63  }
0x41e: {  	s11 =	simm.s32 $0x11C00  }
0x41f: {  	[tilespmem:s11], [sflag:$0x3] =	stream.indirect_vreg.gather [hbm4b:s6+s3], $0x80, v4, vm0, $0xb8;
	[tilespmem:$0x18400] =	vst v63  }
0x420: {  	s31 =	simm.s32 $0x12400  }
0x421: {  	[tilespmem:s31], [sflag:$0x3] =	stream.indirect_vreg.gather [hbm4b:s1+s3], $0x80, v3, vm0, $0xb8;
	[tilespmem:$0x18400] =	vst v63  }
0x422: {  	s9 =	simm.s32 $0x12C00  }
0x423: {  	[tilespmem:s9], [sflag:$0x3] =	stream.indirect_vreg.gather [hbm4b:s4+s3], $0x80, v3, vm0, $0xb8;
	[tilespmem:$0x18400] =	vst v63  }
0x424: {  	s12 =	simm.s32 $0x13400  }
0x425: {  	[tilespmem:s12], [sflag:$0x3] =	stream.indirect_vreg.gather [hbm4b:s5+s3], $0x80, v3, vm0, $0xb8;
	[tilespmem:$0x18400] =	vst v63  }
0x426: {  	s24 =	simm.s32 $0x13C00  }
0x427: {  	[tilespmem:s24], [sflag:$0x3] =	stream.indirect_vreg.gather [hbm4b:s6+s3], $0x80, v3, vm0, $0xb8;
	[tilespmem:$0x18400] =	vst v63  }
0x428: {  	v3 =	vld [tilespmem:$0x290];
	_ =	sdelay $0x4  }
0x429: {  	v41 =	vshll.u32 v3, $0x3  }
0x42a: {  	v3 =	vand.u32 $0x7, v3;
	v4 =	vand.u32 $0xFFFFFFC0, v41  }
0x42b: {  	v3 =	vor.u32 v3, v4  }
0x42c: {  	v4 =	vperm.xlane v3, v0;
	_ =	sdelay $0x1  }
0x42d: {  	v4 =	vadd.s32 v1, v4;
	_ =	sdelay $0x3  }
0x42e: {  	s24 =	simm.s32 $0x14400  }
0x42f: {  	[tilespmem:s24], [sflag:$0x3] =	stream.indirect_vreg.gather [hbm4b:s1+s3], $0x80, v4, vm0, $0xb8;
	[tilespmem:$0x18400] =	vst v63  }
0x430: {  	v3 =	vperm.xlane v3, v2;
	s24 =	simm.s32 $0x14C00  }
0x431: {  	[tilespmem:s24], [sflag:$0x3] =	stream.indirect_vreg.gather [hbm4b:s4+s3], $0x80, v4, vm0, $0xb8;
	[tilespmem:$0x18400] =	vst v63  }
0x432: {  	s30 =	simm.s32 $0x15400;
	v3 =	vadd.s32 v1, v3  }
0x433: {  	[tilespmem:s30], [sflag:$0x3] =	stream.indirect_vreg.gather [hbm4b:s5+s3], $0x80, v4, vm0, $0xb8;
	[tilespmem:$0x18400] =	vst v63  }
0x434: {  	s24 =	simm.s32 $0x15C00  }
0x435: {  	[tilespmem:s24], [sflag:$0x3] =	stream.indirect_vreg.gather [hbm4b:s6+s3], $0x80, v4, vm0, $0xb8;
	[tilespmem:$0x18400] =	vst v63  }
0x436: {  	s25 =	simm.s32 $0x16400  }
0x437: {  	[tilespmem:s25], [sflag:$0x3] =	stream.indirect_vreg.gather [hbm4b:s1+s3], $0x80, v3, vm0, $0xb8;
	[tilespmem:$0x18400] =	vst v63  }
0x438: {  	s24 =	simm.s32 $0x16C00  }
0x439: {  	[tilespmem:s24], [sflag:$0x3] =	stream.indirect_vreg.gather [hbm4b:s4+s3], $0x80, v3, vm0, $0xb8;
	[tilespmem:$0x18400] =	vst v63  }
0x43a: {  	s24 =	simm.s32 $0x17400  }
0x43b: {  	[tilespmem:s24], [sflag:$0x3] =	stream.indirect_vreg.gather [hbm4b:s5+s3], $0x80, v3, vm0, $0xb8;
	[tilespmem:$0x18400] =	vst v63  }
0x43c: {  	s24 =	simm.s32 $0x17C00  }
0x43d: {  	[tilespmem:s24], [sflag:$0x3] =	stream.indirect_vreg.gather [hbm4b:s6+s3], $0x80, v3, vm0, $0xb8;
	[tilespmem:$0x18400] =	vst v63  }
0x43e: {  	_ =	swait.ge [sflag:s19], $0x8000  }
0x43f: {  	[sflag:s19] =	ssyncset.done $0x0  }
0x440: {  	s24 =	rddreg [dreg:$0x18];
	[sflag:s19] =	ssyncadd.s32 $0xFFFF8000  }
0x441: {  	[hbm4b:s24+s3] =	stream.linear.scatter [tilespmem:s29], [sflag:$0x5], $0x8000, $0x38;
	[tilespmem:$0x18400] =	vst v63  }
0x442: {  	_ =	swait.ge [sflag:s20], $0x8000  }
0x443: {  	[sflag:s20] =	ssyncset.done $0x0  }
0x444: {  	[sflag:s20] =	ssyncadd.s32 $0xFFFF8000  }
0x445: {  	v3 =	vld [tilespmem:$0x2A0];
	_ =	sdelay $0x4  }
0x446: {  	v42 =	vshll.u32 v3, $0x3  }
0x447: {  	v3 =	vand.u32 $0x7, v3;
	v4 =	vand.u32 $0xFFFFFFC0, v42  }
0x448: {  	v3 =	vor.u32 v3, v4  }
0x449: {  	v4 =	vperm.xlane v3, v0;
	_ =	sdelay $0x1  }
0x44a: {  	v4 =	vadd.s32 v1, v4;
	_ =	sdelay $0x4  }
0x44b: {  	[tilespmem:s8], [sflag:$0x1] =	stream.indirect_vreg.gather [hbm4b:s1+s3], $0x80, v4, vm0, $0xb8;
	[tilespmem:$0x18400] =	vst v63  }
0x44c: {  	s24 =	simm.s32 $0xC00;
	v3 =	vperm.xlane v3, v2  }
0x44d: {  	[tilespmem:s24], [sflag:$0x1] =	stream.indirect_vreg.gather [hbm4b:s4+s3], $0x80, v4, vm0, $0xb8;
	[tilespmem:$0x18400] =	vst v63  }
0x44e: {  	v3 =	vadd.s32 v1, v3;
	s24 =	simm.s32 $0x1400  }
0x44f: {  	[tilespmem:s24], [sflag:$0x1] =	stream.indirect_vreg.gather [hbm4b:s5+s3], $0x80, v4, vm0, $0xb8;
	[tilespmem:$0x18400] =	vst v63  }
0x450: {  	s24 =	simm.s32 $0x1C00  }
0x451: {  	[tilespmem:s24], [sflag:$0x1] =	stream.indirect_vreg.gather [hbm4b:s6+s3], $0x80, v4, vm0, $0xb8;
	[tilespmem:$0x18400] =	vst v63  }
0x452: {  	s24 =	simm.s32 $0x2400  }
0x453: {  	[tilespmem:s24], [sflag:$0x1] =	stream.indirect_vreg.gather [hbm4b:s1+s3], $0x80, v3, vm0, $0xb8;
	[tilespmem:$0x18400] =	vst v63  }
0x454: {  	s24 =	simm.s32 $0x2C00  }
0x455: {  	[tilespmem:s24], [sflag:$0x1] =	stream.indirect_vreg.gather [hbm4b:s4+s3], $0x80, v3, vm0, $0xb8;
	[tilespmem:$0x18400] =	vst v63  }
0x456: {  	s24 =	simm.s32 $0x3400  }
0x457: {  	[tilespmem:s24], [sflag:$0x1] =	stream.indirect_vreg.gather [hbm4b:s5+s3], $0x80, v3, vm0, $0xb8;
	[tilespmem:$0x18400] =	vst v63  }
0x458: {  	s24 =	simm.s32 $0x3C00  }
0x459: {  	[tilespmem:s24], [sflag:$0x1] =	stream.indirect_vreg.gather [hbm4b:s6+s3], $0x80, v3, vm0, $0xb8;
	[tilespmem:$0x18400] =	vst v63  }
0x45a: {  	v3 =	vld [tilespmem:$0x2B0];
	_ =	sdelay $0x4  }
0x45b: {  	v43 =	vshll.u32 v3, $0x3  }
0x45c: {  	v3 =	vand.u32 $0x7, v3;
	v4 =	vand.u32 $0xFFFFFFC0, v43  }
0x45d: {  	v3 =	vor.u32 v3, v4  }
0x45e: {  	v4 =	vperm.xlane v3, v0;
	_ =	sdelay $0x1  }
0x45f: {  	v4 =	vadd.s32 v1, v4;
	_ =	sdelay $0x3  }
0x460: {  	s24 =	simm.s32 $0x4400  }
0x461: {  	[tilespmem:s24], [sflag:$0x1] =	stream.indirect_vreg.gather [hbm4b:s1+s3], $0x80, v4, vm0, $0xb8;
	[tilespmem:$0x18400] =	vst v63  }
0x462: {  	v3 =	vperm.xlane v3, v2;
	s24 =	simm.s32 $0x4C00  }
0x463: {  	[tilespmem:s24], [sflag:$0x1] =	stream.indirect_vreg.gather [hbm4b:s4+s3], $0x80, v4, vm0, $0xb8;
	[tilespmem:$0x18400] =	vst v63  }
0x464: {  	v3 =	vadd.s32 v1, v3;
	s24 =	simm.s32 $0x5400  }
0x465: {  	[tilespmem:s24], [sflag:$0x1] =	stream.indirect_vreg.gather [hbm4b:s5+s3], $0x80, v4, vm0, $0xb8;
	[tilespmem:$0x18400] =	vst v63  }
0x466: {  	s24 =	simm.s32 $0x5C00  }
0x467: {  	[tilespmem:s24], [sflag:$0x1] =	stream.indirect_vreg.gather [hbm4b:s6+s3], $0x80, v4, vm0, $0xb8;
	[tilespmem:$0x18400] =	vst v63  }
0x468: {  	s24 =	simm.s32 $0x6400  }
0x469: {  	[tilespmem:s24], [sflag:$0x1] =	stream.indirect_vreg.gather [hbm4b:s1+s3], $0x80, v3, vm0, $0xb8;
	[tilespmem:$0x18400] =	vst v63  }
0x46a: {  	s24 =	simm.s32 $0x6C00  }
0x46b: {  	[tilespmem:s24], [sflag:$0x1] =	stream.indirect_vreg.gather [hbm4b:s4+s3], $0x80, v3, vm0, $0xb8;
	[tilespmem:$0x18400] =	vst v63  }
0x46c: {  	s24 =	simm.s32 $0x7400  }
0x46d: {  	[tilespmem:s24], [sflag:$0x1] =	stream.indirect_vreg.gather [hbm4b:s5+s3], $0x80, v3, vm0, $0xb8;
	[tilespmem:$0x18400] =	vst v63  }
0x46e: {  	s24 =	simm.s32 $0x7C00  }
0x46f: {  	[tilespmem:s24], [sflag:$0x1] =	stream.indirect_vreg.gather [hbm4b:s6+s3], $0x80, v3, vm0, $0xb8;
	[tilespmem:$0x18400] =	vst v63  }
0x470: {  	_ =	swait.ge [sflag:s21], $0x8000  }
0x471: {  	[sflag:s21] =	ssyncset.done $0x0  }
0x472: {  	s24 =	rddreg [dreg:$0x19];
	[sflag:s21] =	ssyncadd.s32 $0xFFFF8000  }
0x473: {  	[hbm4b:s24+s3] =	stream.linear.scatter [tilespmem:s0], [sflag:$0x6], $0x8000, $0x38;
	[tilespmem:$0x18400] =	vst v63  }
0x474: {  	_ =	swait.ge [sflag:s22], $0x8000  }
0x475: {  	[sflag:s22] =	ssyncset.done $0x0  }
0x476: {  	[sflag:s22] =	ssyncadd.s32 $0xFFFF8000  }
0x477: {  	v3 =	vld [tilespmem:$0x2C0];
	_ =	sdelay $0x4  }
0x478: {  	v44 =	vshll.u32 v3, $0x3  }
0x479: {  	v3 =	vand.u32 $0x7, v3;
	v4 =	vand.u32 $0xFFFFFFC0, v44  }
0x47a: {  	v3 =	vor.u32 v3, v4  }
0x47b: {  	v4 =	vperm.xlane v3, v0;
	_ =	sdelay $0x1  }
0x47c: {  	v4 =	vadd.s32 v1, v4;
	_ =	sdelay $0x4  }
0x47d: {  	[tilespmem:s29], [sflag:$0x2] =	stream.indirect_vreg.gather [hbm4b:s1+s3], $0x80, v4, vm0, $0xb8;
	[tilespmem:$0x18400] =	vst v63  }
0x47e: {  	s18 =	simm.s32 $0x8C00;
	v3 =	vperm.xlane v3, v2  }
0x47f: {  	[tilespmem:s18], [sflag:$0x2] =	stream.indirect_vreg.gather [hbm4b:s4+s3], $0x80, v4, vm0, $0xb8;
	[tilespmem:$0x18400] =	vst v63  }
0x480: {  	s24 =	simm.s32 $0x9400;
	v3 =	vadd.s32 v1, v3  }
0x481: {  	[tilespmem:s24], [sflag:$0x2] =	stream.indirect_vreg.gather [hbm4b:s5+s3], $0x80, v4, vm0, $0xb8;
	[tilespmem:$0x18400] =	vst v63  }
0x482: {  	s24 =	simm.s32 $0x9C00  }
0x483: {  	[tilespmem:s24], [sflag:$0x2] =	stream.indirect_vreg.gather [hbm4b:s6+s3], $0x80, v4, vm0, $0xb8;
	[tilespmem:$0x18400] =	vst v63  }
0x484: {  	s24 =	simm.s32 $0xA400  }
0x485: {  	[tilespmem:s24], [sflag:$0x2] =	stream.indirect_vreg.gather [hbm4b:s1+s3], $0x80, v3, vm0, $0xb8;
	[tilespmem:$0x18400] =	vst v63  }
0x486: {  	s24 =	simm.s32 $0xAC00  }
0x487: {  	[tilespmem:s24], [sflag:$0x2] =	stream.indirect_vreg.gather [hbm4b:s4+s3], $0x80, v3, vm0, $0xb8;
	[tilespmem:$0x18400] =	vst v63  }
0x488: {  	s24 =	simm.s32 $0xB400  }
0x489: {  	[tilespmem:s24], [sflag:$0x2] =	stream.indirect_vreg.gather [hbm4b:s5+s3], $0x80, v3, vm0, $0xb8;
	[tilespmem:$0x18400] =	vst v63  }
0x48a: {  	s16 =	simm.s32 $0xBC00  }
0x48b: {  	[tilespmem:s16], [sflag:$0x2] =	stream.indirect_vreg.gather [hbm4b:s6+s3], $0x80, v3, vm0, $0xb8;
	[tilespmem:$0x18400] =	vst v63  }
0x48c: {  	v3 =	vld [tilespmem:$0x2D0];
	_ =	sdelay $0x4  }
0x48d: {  	v45 =	vshll.u32 v3, $0x3  }
0x48e: {  	v3 =	vand.u32 $0x7, v3;
	v4 =	vand.u32 $0xFFFFFFC0, v45  }
0x48f: {  	v3 =	vor.u32 v3, v4  }
0x490: {  	v4 =	vperm.xlane v3, v0;
	_ =	sdelay $0x1  }
0x491: {  	v4 =	vadd.s32 v1, v4;
	_ =	sdelay $0x3  }
0x492: {  	s26 =	simm.s32 $0xC400  }
0x493: {  	[tilespmem:s26], [sflag:$0x2] =	stream.indirect_vreg.gather [hbm4b:s1+s3], $0x80, v4, vm0, $0xb8;
	[tilespmem:$0x18400] =	vst v63  }
0x494: {  	s2 =	simm.s32 $0xCC00;
	v3 =	vperm.xlane v3, v2  }
0x495: {  	[tilespmem:s2], [sflag:$0x2] =	stream.indirect_vreg.gather [hbm4b:s4+s3], $0x80, v4, vm0, $0xb8;
	[tilespmem:$0x18400] =	vst v63  }
0x496: {  	s28 =	simm.s32 $0xD400;
	v3 =	vadd.s32 v1, v3  }
0x497: {  	[tilespmem:s28], [sflag:$0x2] =	stream.indirect_vreg.gather [hbm4b:s5+s3], $0x80, v4, vm0, $0xb8;
	[tilespmem:$0x18400] =	vst v63  }
0x498: {  	s10 =	simm.s32 $0xDC00  }
0x499: {  	[tilespmem:s10], [sflag:$0x2] =	stream.indirect_vreg.gather [hbm4b:s6+s3], $0x80, v4, vm0, $0xb8;
	[tilespmem:$0x18400] =	vst v63  }
0x49a: {  	s13 =	simm.s32 $0xE400  }
0x49b: {  	[tilespmem:s13], [sflag:$0x2] =	stream.indirect_vreg.gather [hbm4b:s1+s3], $0x80, v3, vm0, $0xb8;
	[tilespmem:$0x18400] =	vst v63  }
0x49c: {  	s14 =	simm.s32 $0xEC00  }
0x49d: {  	[tilespmem:s14], [sflag:$0x2] =	stream.indirect_vreg.gather [hbm4b:s4+s3], $0x80, v3, vm0, $0xb8;
	[tilespmem:$0x18400] =	vst v63  }
0x49e: {  	s24 =	simm.s32 $0xF400  }
0x49f: {  	[tilespmem:s24], [sflag:$0x2] =	stream.indirect_vreg.gather [hbm4b:s5+s3], $0x80, v3, vm0, $0xb8;
	[tilespmem:$0x18400] =	vst v63  }
0x4a0: {  	s7 =	simm.s32 $0xFC00  }
0x4a1: {  	[tilespmem:s7], [sflag:$0x2] =	stream.indirect_vreg.gather [hbm4b:s6+s3], $0x80, v3, vm0, $0xb8;
	[tilespmem:$0x18400] =	vst v63  }
0x4a2: {  	_ =	swait.ge [sflag:s17], $0x8000  }
0x4a3: {  	[sflag:s17] =	ssyncset.done $0x0  }
0x4a4: {  	s24 =	rddreg [dreg:$0x1a];
	[sflag:s17] =	ssyncadd.s32 $0xFFFF8000  }
0x4a5: {  	[hbm4b:s24+s3] =	stream.linear.scatter [tilespmem:s8], [sflag:$0x4], $0x8000, $0x38;
	[tilespmem:$0x18400] =	vst v63  }
0x4a6: {  	_ =	swait.ge [sflag:s23], $0x8000  }
0x4a7: {  	[sflag:s23] =	ssyncset.done $0x0  }
0x4a8: {  	[sflag:s23] =	ssyncadd.s32 $0xFFFF8000  }
0x4a9: {  	v3 =	vld [tilespmem:$0x2E0];
	_ =	sdelay $0x4  }
0x4aa: {  	v46 =	vshll.u32 v3, $0x3  }
0x4ab: {  	v3 =	vand.u32 $0x7, v3;
	v4 =	vand.u32 $0xFFFFFFC0, v46  }
0x4ac: {  	v3 =	vor.u32 v3, v4  }
0x4ad: {  	v4 =	vperm.xlane v3, v0;
	_ =	sdelay $0x1  }
0x4ae: {  	v4 =	vadd.s32 v1, v4;
	_ =	sdelay $0x4  }
0x4af: {  	[tilespmem:s0], [sflag:$0x3] =	stream.indirect_vreg.gather [hbm4b:s1+s3], $0x80, v4, vm0, $0xb8;
	[tilespmem:$0x18400] =	vst v63  }
0x4b0: {  	s24 =	simm.s32 $0x10C00;
	v3 =	vperm.xlane v3, v2  }
0x4b1: {  	[tilespmem:s24], [sflag:$0x3] =	stream.indirect_vreg.gather [hbm4b:s4+s3], $0x80, v4, vm0, $0xb8;
	[tilespmem:$0x18400] =	vst v63  }
0x4b2: {  	s15 =	simm.s32 $0x11400;
	v3 =	vadd.s32 v1, v3  }
0x4b3: {  	[tilespmem:s15], [sflag:$0x3] =	stream.indirect_vreg.gather [hbm4b:s5+s3], $0x80, v4, vm0, $0xb8;
	[tilespmem:$0x18400] =	vst v63  }
0x4b4: {  	s11 =	simm.s32 $0x11C00  }
0x4b5: {  	[tilespmem:s11], [sflag:$0x3] =	stream.indirect_vreg.gather [hbm4b:s6+s3], $0x80, v4, vm0, $0xb8;
	[tilespmem:$0x18400] =	vst v63  }
0x4b6: {  	s31 =	simm.s32 $0x12400  }
0x4b7: {  	[tilespmem:s31], [sflag:$0x3] =	stream.indirect_vreg.gather [hbm4b:s1+s3], $0x80, v3, vm0, $0xb8;
	[tilespmem:$0x18400] =	vst v63  }
0x4b8: {  	s9 =	simm.s32 $0x12C00  }
0x4b9: {  	[tilespmem:s9], [sflag:$0x3] =	stream.indirect_vreg.gather [hbm4b:s4+s3], $0x80, v3, vm0, $0xb8;
	[tilespmem:$0x18400] =	vst v63  }
0x4ba: {  	s12 =	simm.s32 $0x13400  }
0x4bb: {  	[tilespmem:s12], [sflag:$0x3] =	stream.indirect_vreg.gather [hbm4b:s5+s3], $0x80, v3, vm0, $0xb8;
	[tilespmem:$0x18400] =	vst v63  }
0x4bc: {  	s24 =	simm.s32 $0x13C00  }
0x4bd: {  	[tilespmem:s24], [sflag:$0x3] =	stream.indirect_vreg.gather [hbm4b:s6+s3], $0x80, v3, vm0, $0xb8;
	[tilespmem:$0x18400] =	vst v63  }
0x4be: {  	v3 =	vld [tilespmem:$0x2F0];
	_ =	sdelay $0x4  }
0x4bf: {  	v47 =	vshll.u32 v3, $0x3  }
0x4c0: {  	v3 =	vand.u32 $0x7, v3;
	v4 =	vand.u32 $0xFFFFFFC0, v47  }
0x4c1: {  	v3 =	vor.u32 v3, v4  }
0x4c2: {  	v4 =	vperm.xlane v3, v0;
	_ =	sdelay $0x1  }
0x4c3: {  	v4 =	vadd.s32 v1, v4;
	_ =	sdelay $0x3  }
0x4c4: {  	s24 =	simm.s32 $0x14400  }
0x4c5: {  	[tilespmem:s24], [sflag:$0x3] =	stream.indirect_vreg.gather [hbm4b:s1+s3], $0x80, v4, vm0, $0xb8;
	[tilespmem:$0x18400] =	vst v63  }
0x4c6: {  	v3 =	vperm.xlane v3, v2;
	s24 =	simm.s32 $0x14C00  }
0x4c7: {  	[tilespmem:s24], [sflag:$0x3] =	stream.indirect_vreg.gather [hbm4b:s4+s3], $0x80, v4, vm0, $0xb8;
	[tilespmem:$0x18400] =	vst v63  }
0x4c8: {  	s30 =	simm.s32 $0x15400;
	v3 =	vadd.s32 v1, v3  }
0x4c9: {  	[tilespmem:s30], [sflag:$0x3] =	stream.indirect_vreg.gather [hbm4b:s5+s3], $0x80, v4, vm0, $0xb8;
	[tilespmem:$0x18400] =	vst v63  }
0x4ca: {  	s24 =	simm.s32 $0x15C00  }
0x4cb: {  	[tilespmem:s24], [sflag:$0x3] =	stream.indirect_vreg.gather [hbm4b:s6+s3], $0x80, v4, vm0, $0xb8;
	[tilespmem:$0x18400] =	vst v63  }
0x4cc: {  	s25 =	simm.s32 $0x16400  }
0x4cd: {  	[tilespmem:s25], [sflag:$0x3] =	stream.indirect_vreg.gather [hbm4b:s1+s3], $0x80, v3, vm0, $0xb8;
	[tilespmem:$0x18400] =	vst v63  }
0x4ce: {  	s24 =	simm.s32 $0x16C00  }
0x4cf: {  	[tilespmem:s24], [sflag:$0x3] =	stream.indirect_vreg.gather [hbm4b:s4+s3], $0x80, v3, vm0, $0xb8;
	[tilespmem:$0x18400] =	vst v63  }
0x4d0: {  	s24 =	simm.s32 $0x17400  }
0x4d1: {  	[tilespmem:s24], [sflag:$0x3] =	stream.indirect_vreg.gather [hbm4b:s5+s3], $0x80, v3, vm0, $0xb8;
	[tilespmem:$0x18400] =	vst v63  }
0x4d2: {  	s24 =	simm.s32 $0x17C00  }
0x4d3: {  	[tilespmem:s24], [sflag:$0x3] =	stream.indirect_vreg.gather [hbm4b:s6+s3], $0x80, v3, vm0, $0xb8;
	[tilespmem:$0x18400] =	vst v63  }
0x4d4: {  	_ =	swait.ge [sflag:s19], $0x8000  }
0x4d5: {  	[sflag:s19] =	ssyncset.done $0x0  }
0x4d6: {  	s24 =	rddreg [dreg:$0x1b];
	[sflag:s19] =	ssyncadd.s32 $0xFFFF8000  }
0x4d7: {  	[hbm4b:s24+s3] =	stream.linear.scatter [tilespmem:s29], [sflag:$0x5], $0x8000, $0x38;
	[tilespmem:$0x18400] =	vst v63  }
0x4d8: {  	_ =	swait.ge [sflag:s20], $0x8000  }
0x4d9: {  	[sflag:s20] =	ssyncset.done $0x0  }
0x4da: {  	[sflag:s20] =	ssyncadd.s32 $0xFFFF8000  }
0x4db: {  	v3 =	vld [tilespmem:$0x300];
	_ =	sdelay $0x4  }
0x4dc: {  	v48 =	vshll.u32 v3, $0x3  }
0x4dd: {  	v3 =	vand.u32 $0x7, v3;
	v4 =	vand.u32 $0xFFFFFFC0, v48  }
0x4de: {  	v3 =	vor.u32 v3, v4  }
0x4df: {  	v4 =	vperm.xlane v3, v0;
	_ =	sdelay $0x1  }
0x4e0: {  	v4 =	vadd.s32 v1, v4;
	_ =	sdelay $0x4  }
0x4e1: {  	[tilespmem:s8], [sflag:$0x1] =	stream.indirect_vreg.gather [hbm4b:s1+s3], $0x80, v4, vm0, $0xb8;
	[tilespmem:$0x18400] =	vst v63  }
0x4e2: {  	s24 =	simm.s32 $0xC00;
	v3 =	vperm.xlane v3, v2  }
0x4e3: {  	[tilespmem:s24], [sflag:$0x1] =	stream.indirect_vreg.gather [hbm4b:s4+s3], $0x80, v4, vm0, $0xb8;
	[tilespmem:$0x18400] =	vst v63  }
0x4e4: {  	v3 =	vadd.s32 v1, v3;
	s24 =	simm.s32 $0x1400  }
0x4e5: {  	[tilespmem:s24], [sflag:$0x1] =	stream.indirect_vreg.gather [hbm4b:s5+s3], $0x80, v4, vm0, $0xb8;
	[tilespmem:$0x18400] =	vst v63  }
0x4e6: {  	s24 =	simm.s32 $0x1C00  }
0x4e7: {  	[tilespmem:s24], [sflag:$0x1] =	stream.indirect_vreg.gather [hbm4b:s6+s3], $0x80, v4, vm0, $0xb8;
	[tilespmem:$0x18400] =	vst v63  }
0x4e8: {  	s24 =	simm.s32 $0x2400  }
0x4e9: {  	[tilespmem:s24], [sflag:$0x1] =	stream.indirect_vreg.gather [hbm4b:s1+s3], $0x80, v3, vm0, $0xb8;
	[tilespmem:$0x18400] =	vst v63  }
0x4ea: {  	s24 =	simm.s32 $0x2C00  }
0x4eb: {  	[tilespmem:s24], [sflag:$0x1] =	stream.indirect_vreg.gather [hbm4b:s4+s3], $0x80, v3, vm0, $0xb8;
	[tilespmem:$0x18400] =	vst v63  }
0x4ec: {  	s24 =	simm.s32 $0x3400  }
0x4ed: {  	[tilespmem:s24], [sflag:$0x1] =	stream.indirect_vreg.gather [hbm4b:s5+s3], $0x80, v3, vm0, $0xb8;
	[tilespmem:$0x18400] =	vst v63  }
0x4ee: {  	s24 =	simm.s32 $0x3C00  }
0x4ef: {  	[tilespmem:s24], [sflag:$0x1] =	stream.indirect_vreg.gather [hbm4b:s6+s3], $0x80, v3, vm0, $0xb8;
	[tilespmem:$0x18400] =	vst v63  }
0x4f0: {  	v3 =	vld [tilespmem:$0x310];
	_ =	sdelay $0x4  }
0x4f1: {  	v49 =	vshll.u32 v3, $0x3  }
0x4f2: {  	v3 =	vand.u32 $0x7, v3;
	v4 =	vand.u32 $0xFFFFFFC0, v49  }
0x4f3: {  	v3 =	vor.u32 v3, v4  }
0x4f4: {  	v4 =	vperm.xlane v3, v0;
	_ =	sdelay $0x1  }
0x4f5: {  	v4 =	vadd.s32 v1, v4;
	_ =	sdelay $0x3  }
0x4f6: {  	s24 =	simm.s32 $0x4400  }
0x4f7: {  	[tilespmem:s24], [sflag:$0x1] =	stream.indirect_vreg.gather [hbm4b:s1+s3], $0x80, v4, vm0, $0xb8;
	[tilespmem:$0x18400] =	vst v63  }
0x4f8: {  	v3 =	vperm.xlane v3, v2;
	s24 =	simm.s32 $0x4C00  }
0x4f9: {  	[tilespmem:s24], [sflag:$0x1] =	stream.indirect_vreg.gather [hbm4b:s4+s3], $0x80, v4, vm0, $0xb8;
	[tilespmem:$0x18400] =	vst v63  }
0x4fa: {  	v3 =	vadd.s32 v1, v3;
	s24 =	simm.s32 $0x5400  }
0x4fb: {  	[tilespmem:s24], [sflag:$0x1] =	stream.indirect_vreg.gather [hbm4b:s5+s3], $0x80, v4, vm0, $0xb8;
	[tilespmem:$0x18400] =	vst v63  }
0x4fc: {  	s24 =	simm.s32 $0x5C00  }
0x4fd: {  	[tilespmem:s24], [sflag:$0x1] =	stream.indirect_vreg.gather [hbm4b:s6+s3], $0x80, v4, vm0, $0xb8;
	[tilespmem:$0x18400] =	vst v63  }
0x4fe: {  	s24 =	simm.s32 $0x6400  }
0x4ff: {  	[tilespmem:s24], [sflag:$0x1] =	stream.indirect_vreg.gather [hbm4b:s1+s3], $0x80, v3, vm0, $0xb8;
	[tilespmem:$0x18400] =	vst v63  }
0x500: {  	s24 =	simm.s32 $0x6C00  }
0x501: {  	[tilespmem:s24], [sflag:$0x1] =	stream.indirect_vreg.gather [hbm4b:s4+s3], $0x80, v3, vm0, $0xb8;
	[tilespmem:$0x18400] =	vst v63  }
0x502: {  	s24 =	simm.s32 $0x7400  }
0x503: {  	[tilespmem:s24], [sflag:$0x1] =	stream.indirect_vreg.gather [hbm4b:s5+s3], $0x80, v3, vm0, $0xb8;
	[tilespmem:$0x18400] =	vst v63  }
0x504: {  	s24 =	simm.s32 $0x7C00  }
0x505: {  	[tilespmem:s24], [sflag:$0x1] =	stream.indirect_vreg.gather [hbm4b:s6+s3], $0x80, v3, vm0, $0xb8;
	[tilespmem:$0x18400] =	vst v63  }
0x506: {  	_ =	swait.ge [sflag:s21], $0x8000  }
0x507: {  	[sflag:s21] =	ssyncset.done $0x0  }
0x508: {  	s24 =	rddreg [dreg:$0x1c];
	[sflag:s21] =	ssyncadd.s32 $0xFFFF8000  }
0x509: {  	[hbm4b:s24+s3] =	stream.linear.scatter [tilespmem:s0], [sflag:$0x6], $0x8000, $0x38;
	[tilespmem:$0x18400] =	vst v63  }
0x50a: {  	_ =	swait.ge [sflag:s22], $0x8000  }
0x50b: {  	[sflag:s22] =	ssyncset.done $0x0  }
0x50c: {  	[sflag:s22] =	ssyncadd.s32 $0xFFFF8000  }
0x50d: {  	v3 =	vld [tilespmem:$0x320];
	_ =	sdelay $0x4  }
0x50e: {  	v50 =	vshll.u32 v3, $0x3  }
0x50f: {  	v3 =	vand.u32 $0x7, v3;
	v4 =	vand.u32 $0xFFFFFFC0, v50  }
0x510: {  	v3 =	vor.u32 v3, v4  }
0x511: {  	v4 =	vperm.xlane v3, v0;
	_ =	sdelay $0x1  }
0x512: {  	v4 =	vadd.s32 v1, v4;
	_ =	sdelay $0x4  }
0x513: {  	[tilespmem:s29], [sflag:$0x2] =	stream.indirect_vreg.gather [hbm4b:s1+s3], $0x80, v4, vm0, $0xb8;
	[tilespmem:$0x18400] =	vst v63  }
0x514: {  	s18 =	simm.s32 $0x8C00;
	v3 =	vperm.xlane v3, v2  }
0x515: {  	[tilespmem:s18], [sflag:$0x2] =	stream.indirect_vreg.gather [hbm4b:s4+s3], $0x80, v4, vm0, $0xb8;
	[tilespmem:$0x18400] =	vst v63  }
0x516: {  	s24 =	simm.s32 $0x9400;
	v3 =	vadd.s32 v1, v3  }
0x517: {  	[tilespmem:s24], [sflag:$0x2] =	stream.indirect_vreg.gather [hbm4b:s5+s3], $0x80, v4, vm0, $0xb8;
	[tilespmem:$0x18400] =	vst v63  }
0x518: {  	s24 =	simm.s32 $0x9C00  }
0x519: {  	[tilespmem:s24], [sflag:$0x2] =	stream.indirect_vreg.gather [hbm4b:s6+s3], $0x80, v4, vm0, $0xb8;
	[tilespmem:$0x18400] =	vst v63  }
0x51a: {  	s24 =	simm.s32 $0xA400  }
0x51b: {  	[tilespmem:s24], [sflag:$0x2] =	stream.indirect_vreg.gather [hbm4b:s1+s3], $0x80, v3, vm0, $0xb8;
	[tilespmem:$0x18400] =	vst v63  }
0x51c: {  	s24 =	simm.s32 $0xAC00  }
0x51d: {  	[tilespmem:s24], [sflag:$0x2] =	stream.indirect_vreg.gather [hbm4b:s4+s3], $0x80, v3, vm0, $0xb8;
	[tilespmem:$0x18400] =	vst v63  }
0x51e: {  	s24 =	simm.s32 $0xB400  }
0x51f: {  	[tilespmem:s24], [sflag:$0x2] =	stream.indirect_vreg.gather [hbm4b:s5+s3], $0x80, v3, vm0, $0xb8;
	[tilespmem:$0x18400] =	vst v63  }
0x520: {  	s16 =	simm.s32 $0xBC00  }
0x521: {  	[tilespmem:s16], [sflag:$0x2] =	stream.indirect_vreg.gather [hbm4b:s6+s3], $0x80, v3, vm0, $0xb8;
	[tilespmem:$0x18400] =	vst v63  }
0x522: {  	v3 =	vld [tilespmem:$0x330];
	_ =	sdelay $0x4  }
0x523: {  	v51 =	vshll.u32 v3, $0x3  }
0x524: {  	v3 =	vand.u32 $0x7, v3;
	v4 =	vand.u32 $0xFFFFFFC0, v51  }
0x525: {  	v3 =	vor.u32 v3, v4  }
0x526: {  	v4 =	vperm.xlane v3, v0;
	_ =	sdelay $0x1  }
0x527: {  	v4 =	vadd.s32 v1, v4;
	_ =	sdelay $0x3  }
0x528: {  	s26 =	simm.s32 $0xC400  }
0x529: {  	[tilespmem:s26], [sflag:$0x2] =	stream.indirect_vreg.gather [hbm4b:s1+s3], $0x80, v4, vm0, $0xb8;
	[tilespmem:$0x18400] =	vst v63  }
0x52a: {  	s2 =	simm.s32 $0xCC00;
	v3 =	vperm.xlane v3, v2  }
0x52b: {  	[tilespmem:s2], [sflag:$0x2] =	stream.indirect_vreg.gather [hbm4b:s4+s3], $0x80, v4, vm0, $0xb8;
	[tilespmem:$0x18400] =	vst v63  }
0x52c: {  	s28 =	simm.s32 $0xD400;
	v3 =	vadd.s32 v1, v3  }
0x52d: {  	[tilespmem:s28], [sflag:$0x2] =	stream.indirect_vreg.gather [hbm4b:s5+s3], $0x80, v4, vm0, $0xb8;
	[tilespmem:$0x18400] =	vst v63  }
0x52e: {  	s10 =	simm.s32 $0xDC00  }
0x52f: {  	[tilespmem:s10], [sflag:$0x2] =	stream.indirect_vreg.gather [hbm4b:s6+s3], $0x80, v4, vm0, $0xb8;
	[tilespmem:$0x18400] =	vst v63  }
0x530: {  	s13 =	simm.s32 $0xE400  }
0x531: {  	[tilespmem:s13], [sflag:$0x2] =	stream.indirect_vreg.gather [hbm4b:s1+s3], $0x80, v3, vm0, $0xb8;
	[tilespmem:$0x18400] =	vst v63  }
0x532: {  	s14 =	simm.s32 $0xEC00  }
0x533: {  	[tilespmem:s14], [sflag:$0x2] =	stream.indirect_vreg.gather [hbm4b:s4+s3], $0x80, v3, vm0, $0xb8;
	[tilespmem:$0x18400] =	vst v63  }
0x534: {  	s24 =	simm.s32 $0xF400  }
0x535: {  	[tilespmem:s24], [sflag:$0x2] =	stream.indirect_vreg.gather [hbm4b:s5+s3], $0x80, v3, vm0, $0xb8;
	[tilespmem:$0x18400] =	vst v63  }
0x536: {  	s7 =	simm.s32 $0xFC00  }
0x537: {  	[tilespmem:s7], [sflag:$0x2] =	stream.indirect_vreg.gather [hbm4b:s6+s3], $0x80, v3, vm0, $0xb8;
	[tilespmem:$0x18400] =	vst v63  }
0x538: {  	_ =	swait.ge [sflag:s17], $0x8000  }
0x539: {  	[sflag:s17] =	ssyncset.done $0x0  }
0x53a: {  	s26 =	rddreg [dreg:$0x1d];
	[sflag:s17] =	ssyncadd.s32 $0xFFFF8000  }
0x53b: {  	[hbm4b:s26+s3] =	stream.linear.scatter [tilespmem:s8], [sflag:$0x4], $0x8000, $0x38;
	[tilespmem:$0x18400] =	vst v63  }
0x53c: {  	_ =	swait.ge [sflag:s23], $0x8000  }
0x53d: {  	[sflag:s23] =	ssyncset.done $0x0  }
0x53e: {  	[sflag:s23] =	ssyncadd.s32 $0xFFFF8000  }
0x53f: {  	v3 =	vld [tilespmem:$0x340];
	_ =	sdelay $0x4  }
0x540: {  	v52 =	vshll.u32 v3, $0x3  }
0x541: {  	v3 =	vand.u32 $0x7, v3;
	v4 =	vand.u32 $0xFFFFFFC0, v52  }
0x542: {  	v3 =	vor.u32 v3, v4  }
0x543: {  	v4 =	vperm.xlane v3, v0;
	_ =	sdelay $0x1  }
0x544: {  	v4 =	vadd.s32 v1, v4;
	_ =	sdelay $0x4  }
0x545: {  	[tilespmem:s0], [sflag:$0x3] =	stream.indirect_vreg.gather [hbm4b:s1+s3], $0x80, v4, vm0, $0xb8;
	[tilespmem:$0x18400] =	vst v63  }
0x546: {  	s28 =	simm.s32 $0x10C00;
	v3 =	vperm.xlane v3, v2  }
0x547: {  	[tilespmem:s28], [sflag:$0x3] =	stream.indirect_vreg.gather [hbm4b:s4+s3], $0x80, v4, vm0, $0xb8;
	[tilespmem:$0x18400] =	vst v63  }
0x548: {  	s15 =	simm.s32 $0x11400;
	v3 =	vadd.s32 v1, v3  }
0x549: {  	[tilespmem:s15], [sflag:$0x3] =	stream.indirect_vreg.gather [hbm4b:s5+s3], $0x80, v4, vm0, $0xb8;
	[tilespmem:$0x18400] =	vst v63  }
0x54a: {  	s11 =	simm.s32 $0x11C00  }
0x54b: {  	[tilespmem:s11], [sflag:$0x3] =	stream.indirect_vreg.gather [hbm4b:s6+s3], $0x80, v4, vm0, $0xb8;
	[tilespmem:$0x18400] =	vst v63  }
0x54c: {  	s31 =	simm.s32 $0x12400  }
0x54d: {  	[tilespmem:s31], [sflag:$0x3] =	stream.indirect_vreg.gather [hbm4b:s1+s3], $0x80, v3, vm0, $0xb8;
	[tilespmem:$0x18400] =	vst v63  }
0x54e: {  	s9 =	simm.s32 $0x12C00  }
0x54f: {  	[tilespmem:s9], [sflag:$0x3] =	stream.indirect_vreg.gather [hbm4b:s4+s3], $0x80, v3, vm0, $0xb8;
	[tilespmem:$0x18400] =	vst v63  }
0x550: {  	s12 =	simm.s32 $0x13400  }
0x551: {  	[tilespmem:s12], [sflag:$0x3] =	stream.indirect_vreg.gather [hbm4b:s5+s3], $0x80, v3, vm0, $0xb8;
	[tilespmem:$0x18400] =	vst v63  }
0x552: {  	s31 =	simm.s32 $0x13C00  }
0x553: {  	[tilespmem:s31], [sflag:$0x3] =	stream.indirect_vreg.gather [hbm4b:s6+s3], $0x80, v3, vm0, $0xb8;
	[tilespmem:$0x18400] =	vst v63  }
0x554: {  	v3 =	vld [tilespmem:$0x350];
	_ =	sdelay $0x4  }
0x555: {  	v53 =	vshll.u32 v3, $0x3  }
0x556: {  	v3 =	vand.u32 $0x7, v3;
	v4 =	vand.u32 $0xFFFFFFC0, v53  }
0x557: {  	v3 =	vor.u32 v3, v4  }
0x558: {  	v4 =	vperm.xlane v3, v0;
	_ =	sdelay $0x1  }
0x559: {  	v4 =	vadd.s32 v1, v4;
	_ =	sdelay $0x3  }
0x55a: {  	s14 =	simm.s32 $0x14400  }
0x55b: {  	[tilespmem:s14], [sflag:$0x3] =	stream.indirect_vreg.gather [hbm4b:s1+s3], $0x80, v4, vm0, $0xb8;
	[tilespmem:$0x18400] =	vst v63  }
0x55c: {  	s15 =	simm.s32 $0x14C00;
	v3 =	vperm.xlane v3, v2  }
0x55d: {  	[tilespmem:s15], [sflag:$0x3] =	stream.indirect_vreg.gather [hbm4b:s4+s3], $0x80, v4, vm0, $0xb8;
	[tilespmem:$0x18400] =	vst v63  }
0x55e: {  	s30 =	simm.s32 $0x15400;
	v3 =	vadd.s32 v1, v3  }
0x55f: {  	[tilespmem:s30], [sflag:$0x3] =	stream.indirect_vreg.gather [hbm4b:s5+s3], $0x80, v4, vm0, $0xb8;
	[tilespmem:$0x18400] =	vst v63  }
0x560: {  	s24 =	simm.s32 $0x15C00  }
0x561: {  	[tilespmem:s24], [sflag:$0x3] =	stream.indirect_vreg.gather [hbm4b:s6+s3], $0x80, v4, vm0, $0xb8;
	[tilespmem:$0x18400] =	vst v63  }
0x562: {  	s25 =	simm.s32 $0x16400  }
0x563: {  	[tilespmem:s25], [sflag:$0x3] =	stream.indirect_vreg.gather [hbm4b:s1+s3], $0x80, v3, vm0, $0xb8;
	[tilespmem:$0x18400] =	vst v63  }
0x564: {  	s25 =	simm.s32 $0x16C00  }
0x565: {  	[tilespmem:s25], [sflag:$0x3] =	stream.indirect_vreg.gather [hbm4b:s4+s3], $0x80, v3, vm0, $0xb8;
	[tilespmem:$0x18400] =	vst v63  }
0x566: {  	s26 =	simm.s32 $0x17400  }
0x567: {  	[tilespmem:s26], [sflag:$0x3] =	stream.indirect_vreg.gather [hbm4b:s5+s3], $0x80, v3, vm0, $0xb8;
	[tilespmem:$0x18400] =	vst v63  }
0x568: {  	s28 =	simm.s32 $0x17C00  }
0x569: {  	[tilespmem:s28], [sflag:$0x3] =	stream.indirect_vreg.gather [hbm4b:s6+s3], $0x80, v3, vm0, $0xb8;
	[tilespmem:$0x18400] =	vst v63  }
0x56a: {  	_ =	swait.ge [sflag:s19], $0x8000  }
0x56b: {  	[sflag:s19] =	ssyncset.done $0x0  }
0x56c: {  	s14 =	rddreg [dreg:$0x1e];
	[sflag:s19] =	ssyncadd.s32 $0xFFFF8000  }
0x56d: {  	[hbm4b:s14+s3] =	stream.linear.scatter [tilespmem:s29], [sflag:$0x5], $0x8000, $0x38;
	[tilespmem:$0x18400] =	vst v63  }
0x56e: {  	_ =	swait.ge [sflag:s20], $0x8000  }
0x56f: {  	[sflag:s20] =	ssyncset.done $0x0  }
0x570: {  	[sflag:s20] =	ssyncadd.s32 $0xFFFF8000  }
0x571: {  	v3 =	vld [tilespmem:$0x360];
	_ =	sdelay $0x4  }
0x572: {  	v54 =	vshll.u32 v3, $0x3  }
0x573: {  	v3 =	vand.u32 $0x7, v3;
	v4 =	vand.u32 $0xFFFFFFC0, v54  }
0x574: {  	v3 =	vor.u32 v3, v4  }
0x575: {  	v4 =	vperm.xlane v3, v0;
	_ =	sdelay $0x1  }
0x576: {  	v4 =	vadd.s32 v1, v4;
	_ =	sdelay $0x4  }
0x577: {  	[tilespmem:s8], [sflag:$0x1] =	stream.indirect_vreg.gather [hbm4b:s1+s3], $0x80, v4, vm0, $0xb8;
	[tilespmem:$0x18400] =	vst v63  }
0x578: {  	s26 =	simm.s32 $0xC00;
	v3 =	vperm.xlane v3, v2  }
0x579: {  	[tilespmem:s26], [sflag:$0x1] =	stream.indirect_vreg.gather [hbm4b:s4+s3], $0x80, v4, vm0, $0xb8;
	[tilespmem:$0x18400] =	vst v63  }
0x57a: {  	s28 =	simm.s32 $0x1400;
	v3 =	vadd.s32 v1, v3  }
0x57b: {  	[tilespmem:s28], [sflag:$0x1] =	stream.indirect_vreg.gather [hbm4b:s5+s3], $0x80, v4, vm0, $0xb8;
	[tilespmem:$0x18400] =	vst v63  }
0x57c: {  	s24 =	simm.s32 $0x1C00  }
0x57d: {  	[tilespmem:s24], [sflag:$0x1] =	stream.indirect_vreg.gather [hbm4b:s6+s3], $0x80, v4, vm0, $0xb8;
	[tilespmem:$0x18400] =	vst v63  }
0x57e: {  	s26 =	simm.s32 $0x2400  }
0x57f: {  	[tilespmem:s26], [sflag:$0x1] =	stream.indirect_vreg.gather [hbm4b:s1+s3], $0x80, v3, vm0, $0xb8;
	[tilespmem:$0x18400] =	vst v63  }
0x580: {  	s28 =	simm.s32 $0x2C00  }
0x581: {  	[tilespmem:s28], [sflag:$0x1] =	stream.indirect_vreg.gather [hbm4b:s4+s3], $0x80, v3, vm0, $0xb8;
	[tilespmem:$0x18400] =	vst v63  }
0x582: {  	s24 =	simm.s32 $0x3400  }
0x583: {  	[tilespmem:s24], [sflag:$0x1] =	stream.indirect_vreg.gather [hbm4b:s5+s3], $0x80, v3, vm0, $0xb8;
	[tilespmem:$0x18400] =	vst v63  }
0x584: {  	s26 =	simm.s32 $0x3C00  }
0x585: {  	[tilespmem:s26], [sflag:$0x1] =	stream.indirect_vreg.gather [hbm4b:s6+s3], $0x80, v3, vm0, $0xb8;
	[tilespmem:$0x18400] =	vst v63  }
0x586: {  	v3 =	vld [tilespmem:$0x370];
	_ =	sdelay $0x4  }
0x587: {  	v55 =	vshll.u32 v3, $0x3  }
0x588: {  	v3 =	vand.u32 $0x7, v3;
	v4 =	vand.u32 $0xFFFFFFC0, v55  }
0x589: {  	v3 =	vor.u32 v3, v4  }
0x58a: {  	v4 =	vperm.xlane v3, v0;
	_ =	sdelay $0x1  }
0x58b: {  	v4 =	vadd.s32 v1, v4;
	_ =	sdelay $0x3  }
0x58c: {  	s28 =	simm.s32 $0x4400  }
0x58d: {  	[tilespmem:s28], [sflag:$0x1] =	stream.indirect_vreg.gather [hbm4b:s1+s3], $0x80, v4, vm0, $0xb8;
	[tilespmem:$0x18400] =	vst v63  }
0x58e: {  	s24 =	simm.s32 $0x4C00;
	v3 =	vperm.xlane v3, v2  }
0x58f: {  	[tilespmem:s24], [sflag:$0x1] =	stream.indirect_vreg.gather [hbm4b:s4+s3], $0x80, v4, vm0, $0xb8;
	[tilespmem:$0x18400] =	vst v63  }
0x590: {  	s26 =	simm.s32 $0x5400;
	v3 =	vadd.s32 v1, v3  }
0x591: {  	[tilespmem:s26], [sflag:$0x1] =	stream.indirect_vreg.gather [hbm4b:s5+s3], $0x80, v4, vm0, $0xb8;
	[tilespmem:$0x18400] =	vst v63  }
0x592: {  	s28 =	simm.s32 $0x5C00  }
0x593: {  	[tilespmem:s28], [sflag:$0x1] =	stream.indirect_vreg.gather [hbm4b:s6+s3], $0x80, v4, vm0, $0xb8;
	[tilespmem:$0x18400] =	vst v63  }
0x594: {  	s24 =	simm.s32 $0x6400  }
0x595: {  	[tilespmem:s24], [sflag:$0x1] =	stream.indirect_vreg.gather [hbm4b:s1+s3], $0x80, v3, vm0, $0xb8;
	[tilespmem:$0x18400] =	vst v63  }
0x596: {  	s26 =	simm.s32 $0x6C00  }
0x597: {  	[tilespmem:s26], [sflag:$0x1] =	stream.indirect_vreg.gather [hbm4b:s4+s3], $0x80, v3, vm0, $0xb8;
	[tilespmem:$0x18400] =	vst v63  }
0x598: {  	s28 =	simm.s32 $0x7400  }
0x599: {  	[tilespmem:s28], [sflag:$0x1] =	stream.indirect_vreg.gather [hbm4b:s5+s3], $0x80, v3, vm0, $0xb8;
	[tilespmem:$0x18400] =	vst v63  }
0x59a: {  	s24 =	simm.s32 $0x7C00  }
0x59b: {  	[tilespmem:s24], [sflag:$0x1] =	stream.indirect_vreg.gather [hbm4b:s6+s3], $0x80, v3, vm0, $0xb8;
	[tilespmem:$0x18400] =	vst v63  }
0x59c: {  	_ =	swait.ge [sflag:s21], $0x8000  }
0x59d: {  	[sflag:s21] =	ssyncset.done $0x0  }
0x59e: {  	s26 =	rddreg [dreg:$0x1f];
	[sflag:s21] =	ssyncadd.s32 $0xFFFF8000  }
0x59f: {  	[hbm4b:s26+s3] =	stream.linear.scatter [tilespmem:s0], [sflag:$0x6], $0x8000, $0x38;
	[tilespmem:$0x18400] =	vst v63  }
0x5a0: {  	_ =	swait.ge [sflag:s22], $0x8000  }
0x5a1: {  	[sflag:s22] =	ssyncset.done $0x0  }
0x5a2: {  	[sflag:s22] =	ssyncadd.s32 $0xFFFF8000  }
0x5a3: {  	v3 =	vld [tilespmem:$0x380];
	_ =	sdelay $0x4  }
0x5a4: {  	v56 =	vshll.u32 v3, $0x3  }
0x5a5: {  	v3 =	vand.u32 $0x7, v3;
	v4 =	vand.u32 $0xFFFFFFC0, v56  }
0x5a6: {  	v3 =	vor.u32 v3, v4  }
0x5a7: {  	v4 =	vperm.xlane v3, v0;
	_ =	sdelay $0x1  }
0x5a8: {  	v4 =	vadd.s32 v1, v4;
	_ =	sdelay $0x4  }
0x5a9: {  	[tilespmem:s29], [sflag:$0x2] =	stream.indirect_vreg.gather [hbm4b:s1+s3], $0x80, v4, vm0, $0xb8;
	[tilespmem:$0x18400] =	vst v63  }
0x5aa: {  	s28 =	simm.s32 $0x8C00;
	v3 =	vperm.xlane v3, v2  }
0x5ab: {  	[tilespmem:s28], [sflag:$0x2] =	stream.indirect_vreg.gather [hbm4b:s4+s3], $0x80, v4, vm0, $0xb8;
	[tilespmem:$0x18400] =	vst v63  }
0x5ac: {  	s24 =	simm.s32 $0x9400;
	v3 =	vadd.s32 v1, v3  }
0x5ad: {  	[tilespmem:s24], [sflag:$0x2] =	stream.indirect_vreg.gather [hbm4b:s5+s3], $0x80, v4, vm0, $0xb8;
	[tilespmem:$0x18400] =	vst v63  }
0x5ae: {  	s28 =	simm.s32 $0x9C00  }
0x5af: {  	[tilespmem:s28], [sflag:$0x2] =	stream.indirect_vreg.gather [hbm4b:s6+s3], $0x80, v4, vm0, $0xb8;
	[tilespmem:$0x18400] =	vst v63  }
0x5b0: {  	s24 =	simm.s32 $0xA400  }
0x5b1: {  	[tilespmem:s24], [sflag:$0x2] =	stream.indirect_vreg.gather [hbm4b:s1+s3], $0x80, v3, vm0, $0xb8;
	[tilespmem:$0x18400] =	vst v63  }
0x5b2: {  	s28 =	simm.s32 $0xAC00  }
0x5b3: {  	[tilespmem:s28], [sflag:$0x2] =	stream.indirect_vreg.gather [hbm4b:s4+s3], $0x80, v3, vm0, $0xb8;
	[tilespmem:$0x18400] =	vst v63  }
0x5b4: {  	s24 =	simm.s32 $0xB400  }
0x5b5: {  	[tilespmem:s24], [sflag:$0x2] =	stream.indirect_vreg.gather [hbm4b:s5+s3], $0x80, v3, vm0, $0xb8;
	[tilespmem:$0x18400] =	vst v63  }
0x5b6: {  	s28 =	simm.s32 $0xBC00  }
0x5b7: {  	[tilespmem:s28], [sflag:$0x2] =	stream.indirect_vreg.gather [hbm4b:s6+s3], $0x80, v3, vm0, $0xb8;
	[tilespmem:$0x18400] =	vst v63  }
0x5b8: {  	v3 =	vld [tilespmem:$0x390];
	_ =	sdelay $0x4  }
0x5b9: {  	v57 =	vshll.u32 v3, $0x3  }
0x5ba: {  	v3 =	vand.u32 $0x7, v3;
	v4 =	vand.u32 $0xFFFFFFC0, v57  }
0x5bb: {  	v3 =	vor.u32 v3, v4  }
0x5bc: {  	v4 =	vperm.xlane v3, v0;
	_ =	sdelay $0x1  }
0x5bd: {  	v4 =	vadd.s32 v1, v4;
	_ =	sdelay $0x3  }
0x5be: {  	s24 =	simm.s32 $0xC400  }
0x5bf: {  	[tilespmem:s24], [sflag:$0x2] =	stream.indirect_vreg.gather [hbm4b:s1+s3], $0x80, v4, vm0, $0xb8;
	[tilespmem:$0x18400] =	vst v63  }
0x5c0: {  	s16 =	simm.s32 $0xCC00;
	v3 =	vperm.xlane v3, v2  }
0x5c1: {  	[tilespmem:s16], [sflag:$0x2] =	stream.indirect_vreg.gather [hbm4b:s4+s3], $0x80, v4, vm0, $0xb8;
	[tilespmem:$0x18400] =	vst v63  }
0x5c2: {  	v3 =	vadd.s32 v1, v3;
	s24 =	simm.s32 $0xD400  }
0x5c3: {  	[tilespmem:s24], [sflag:$0x2] =	stream.indirect_vreg.gather [hbm4b:s5+s3], $0x80, v4, vm0, $0xb8;
	[tilespmem:$0x18400] =	vst v63  }
0x5c4: {  	s24 =	simm.s32 $0xDC00  }
0x5c5: {  	[tilespmem:s24], [sflag:$0x2] =	stream.indirect_vreg.gather [hbm4b:s6+s3], $0x80, v4, vm0, $0xb8;
	[tilespmem:$0x18400] =	vst v63  }
0x5c6: {  	s24 =	simm.s32 $0xE400  }
0x5c7: {  	[tilespmem:s24], [sflag:$0x2] =	stream.indirect_vreg.gather [hbm4b:s1+s3], $0x80, v3, vm0, $0xb8;
	[tilespmem:$0x18400] =	vst v63  }
0x5c8: {  	s24 =	simm.s32 $0xEC00  }
0x5c9: {  	[tilespmem:s24], [sflag:$0x2] =	stream.indirect_vreg.gather [hbm4b:s4+s3], $0x80, v3, vm0, $0xb8;
	[tilespmem:$0x18400] =	vst v63  }
0x5ca: {  	s24 =	simm.s32 $0xF400  }
0x5cb: {  	[tilespmem:s24], [sflag:$0x2] =	stream.indirect_vreg.gather [hbm4b:s5+s3], $0x80, v3, vm0, $0xb8;
	[tilespmem:$0x18400] =	vst v63  }
0x5cc: {  	s18 =	simm.s32 $0xFC00  }
0x5cd: {  	[tilespmem:s18], [sflag:$0x2] =	stream.indirect_vreg.gather [hbm4b:s6+s3], $0x80, v3, vm0, $0xb8;
	[tilespmem:$0x18400] =	vst v63  }
0x5ce: {  	_ =	swait.ge [sflag:s17], $0x8000  }
0x5cf: {  	s18 =	sld [smem:$0x7F9]  }
0x5d0: {  	[sflag:s17] =	ssyncset.done $0x0  }
0x5d1: {  	[sflag:s17] =	ssyncadd.s32 $0xFFFF8000  }
0x5d2: {  	[hbm4b:s18+s3] =	stream.linear.scatter [tilespmem:s8], [sflag:$0x4], $0x8000, $0x38;
	[tilespmem:$0x18400] =	vst v63  }
0x5d3: {  	_ =	swait.ge [sflag:s23], $0x8000  }
0x5d4: {  	[sflag:s23] =	ssyncset.done $0x0  }
0x5d5: {  	[sflag:s23] =	ssyncadd.s32 $0xFFFF8000  }
0x5d6: {  	v3 =	vld [tilespmem:$0x3A0];
	_ =	sdelay $0x4  }
0x5d7: {  	v58 =	vshll.u32 v3, $0x3  }
0x5d8: {  	v3 =	vand.u32 $0x7, v3;
	v4 =	vand.u32 $0xFFFFFFC0, v58  }
0x5d9: {  	v3 =	vor.u32 v3, v4  }
0x5da: {  	v4 =	vperm.xlane v3, v0;
	_ =	sdelay $0x1  }
0x5db: {  	v4 =	vadd.s32 v1, v4;
	_ =	sdelay $0x4  }
0x5dc: {  	[tilespmem:s0], [sflag:$0x3] =	stream.indirect_vreg.gather [hbm4b:s1+s3], $0x80, v4, vm0, $0xb8;
	[tilespmem:$0x18400] =	vst v63  }
0x5dd: {  	s10 =	simm.s32 $0x10C00;
	v3 =	vperm.xlane v3, v2  }
0x5de: {  	[tilespmem:s10], [sflag:$0x3] =	stream.indirect_vreg.gather [hbm4b:s4+s3], $0x80, v4, vm0, $0xb8;
	[tilespmem:$0x18400] =	vst v63  }
0x5df: {  	s2 =	simm.s32 $0x11400;
	v3 =	vadd.s32 v1, v3  }
0x5e0: {  	[tilespmem:s2], [sflag:$0x3] =	stream.indirect_vreg.gather [hbm4b:s5+s3], $0x80, v4, vm0, $0xb8;
	[tilespmem:$0x18400] =	vst v63  }
0x5e1: {  	s7 =	simm.s32 $0x11C00  }
0x5e2: {  	[tilespmem:s7], [sflag:$0x3] =	stream.indirect_vreg.gather [hbm4b:s6+s3], $0x80, v4, vm0, $0xb8;
	[tilespmem:$0x18400] =	vst v63  }
0x5e3: {  	s13 =	simm.s32 $0x12400  }
0x5e4: {  	[tilespmem:s13], [sflag:$0x3] =	stream.indirect_vreg.gather [hbm4b:s1+s3], $0x80, v3, vm0, $0xb8;
	[tilespmem:$0x18400] =	vst v63  }
0x5e5: {  	s11 =	simm.s32 $0x12C00  }
0x5e6: {  	[tilespmem:s11], [sflag:$0x3] =	stream.indirect_vreg.gather [hbm4b:s4+s3], $0x80, v3, vm0, $0xb8;
	[tilespmem:$0x18400] =	vst v63  }
0x5e7: {  	s9 =	simm.s32 $0x13400  }
0x5e8: {  	[tilespmem:s9], [sflag:$0x3] =	stream.indirect_vreg.gather [hbm4b:s5+s3], $0x80, v3, vm0, $0xb8;
	[tilespmem:$0x18400] =	vst v63  }
0x5e9: {  	s10 =	simm.s32 $0x13C00  }
0x5ea: {  	[tilespmem:s10], [sflag:$0x3] =	stream.indirect_vreg.gather [hbm4b:s6+s3], $0x80, v3, vm0, $0xb8;
	[tilespmem:$0x18400] =	vst v63  }
0x5eb: {  	v3 =	vld [tilespmem:$0x3B0];
	_ =	sdelay $0x4  }
0x5ec: {  	v59 =	vshll.u32 v3, $0x3  }
0x5ed: {  	v3 =	vand.u32 $0x7, v3;
	v4 =	vand.u32 $0xFFFFFFC0, v59  }
0x5ee: {  	v3 =	vor.u32 v3, v4  }
0x5ef: {  	v4 =	vperm.xlane v3, v0;
	_ =	sdelay $0x1  }
0x5f0: {  	v4 =	vadd.s32 v1, v4;
	_ =	sdelay $0x3  }
0x5f1: {  	s11 =	simm.s32 $0x14400  }
0x5f2: {  	[tilespmem:s11], [sflag:$0x3] =	stream.indirect_vreg.gather [hbm4b:s1+s3], $0x80, v4, vm0, $0xb8;
	[tilespmem:$0x18400] =	vst v63  }
0x5f3: {  	s13 =	simm.s32 $0x14C00;
	v3 =	vperm.xlane v3, v2  }
0x5f4: {  	[tilespmem:s13], [sflag:$0x3] =	stream.indirect_vreg.gather [hbm4b:s4+s3], $0x80, v4, vm0, $0xb8;
	[tilespmem:$0x18400] =	vst v63  }
0x5f5: {  	s15 =	simm.s32 $0x15400;
	v3 =	vadd.s32 v1, v3  }
0x5f6: {  	[tilespmem:s15], [sflag:$0x3] =	stream.indirect_vreg.gather [hbm4b:s5+s3], $0x80, v4, vm0, $0xb8;
	[tilespmem:$0x18400] =	vst v63  }
0x5f7: {  	s30 =	simm.s32 $0x15C00  }
0x5f8: {  	[tilespmem:s30], [sflag:$0x3] =	stream.indirect_vreg.gather [hbm4b:s6+s3], $0x80, v4, vm0, $0xb8;
	[tilespmem:$0x18400] =	vst v63  }
0x5f9: {  	s12 =	simm.s32 $0x16400  }
0x5fa: {  	[tilespmem:s12], [sflag:$0x3] =	stream.indirect_vreg.gather [hbm4b:s1+s3], $0x80, v3, vm0, $0xb8;
	[tilespmem:$0x18400] =	vst v63  }
0x5fb: {  	s25 =	simm.s32 $0x16C00  }
0x5fc: {  	[tilespmem:s25], [sflag:$0x3] =	stream.indirect_vreg.gather [hbm4b:s4+s3], $0x80, v3, vm0, $0xb8;
	[tilespmem:$0x18400] =	vst v63  }
0x5fd: {  	s31 =	simm.s32 $0x17400  }
0x5fe: {  	[tilespmem:s31], [sflag:$0x3] =	stream.indirect_vreg.gather [hbm4b:s5+s3], $0x80, v3, vm0, $0xb8;
	[tilespmem:$0x18400] =	vst v63  }
0x5ff: {  	s15 =	simm.s32 $0x17C00  }
0x600: {  	[tilespmem:s15], [sflag:$0x3] =	stream.indirect_vreg.gather [hbm4b:s6+s3], $0x80, v3, vm0, $0xb8;
	[tilespmem:$0x18400] =	vst v63  }
0x601: {  	_ =	swait.ge [sflag:s19], $0x8000  }
0x602: {  	s18 =	sld [smem:$0x7FA]  }
0x603: {  	[sflag:s19] =	ssyncset.done $0x0  }
0x604: {  	[sflag:s19] =	ssyncadd.s32 $0xFFFF8000  }
0x605: {  	[hbm4b:s18+s3] =	stream.linear.scatter [tilespmem:s29], [sflag:$0x5], $0x8000, $0x38;
	[tilespmem:$0x18400] =	vst v63  }
0x606: {  	_ =	swait.ge [sflag:s20], $0x8000  }
0x607: {  	[sflag:s20] =	ssyncset.done $0x0  }
0x608: {  	[sflag:s20] =	ssyncadd.s32 $0xFFFF8000  }
0x609: {  	v3 =	vld [tilespmem:$0x3C0];
	_ =	sdelay $0x4  }
0x60a: {  	v60 =	vshll.u32 v3, $0x3  }
0x60b: {  	v3 =	vand.u32 $0x7, v3;
	v4 =	vand.u32 $0xFFFFFFC0, v60  }
0x60c: {  	v3 =	vor.u32 v3, v4  }
0x60d: {  	v4 =	vperm.xlane v3, v0;
	_ =	sdelay $0x1  }
0x60e: {  	v4 =	vadd.s32 v1, v4;
	_ =	sdelay $0x4  }
0x60f: {  	[tilespmem:s8], [sflag:$0x1] =	stream.indirect_vreg.gather [hbm4b:s1+s3], $0x80, v4, vm0, $0xb8;
	[tilespmem:$0x18400] =	vst v63  }
0x610: {  	s25 =	simm.s32 $0xC00;
	v3 =	vperm.xlane v3, v2  }
0x611: {  	[tilespmem:s25], [sflag:$0x1] =	stream.indirect_vreg.gather [hbm4b:s4+s3], $0x80, v4, vm0, $0xb8;
	[tilespmem:$0x18400] =	vst v63  }
0x612: {  	s30 =	simm.s32 $0x1400;
	v3 =	vadd.s32 v1, v3  }
0x613: {  	[tilespmem:s30], [sflag:$0x1] =	stream.indirect_vreg.gather [hbm4b:s5+s3], $0x80, v4, vm0, $0xb8;
	[tilespmem:$0x18400] =	vst v63  }
0x614: {  	s31 =	simm.s32 $0x1C00  }
0x615: {  	[tilespmem:s31], [sflag:$0x1] =	stream.indirect_vreg.gather [hbm4b:s6+s3], $0x80, v4, vm0, $0xb8;
	[tilespmem:$0x18400] =	vst v63  }
0x616: {  	s7 =	simm.s32 $0x2400  }
0x617: {  	[tilespmem:s7], [sflag:$0x1] =	stream.indirect_vreg.gather [hbm4b:s1+s3], $0x80, v3, vm0, $0xb8;
	[tilespmem:$0x18400] =	vst v63  }
0x618: {  	s9 =	simm.s32 $0x2C00  }
0x619: {  	[tilespmem:s9], [sflag:$0x1] =	stream.indirect_vreg.gather [hbm4b:s4+s3], $0x80, v3, vm0, $0xb8;
	[tilespmem:$0x18400] =	vst v63  }
0x61a: {  	s10 =	simm.s32 $0x3400  }
0x61b: {  	[tilespmem:s10], [sflag:$0x1] =	stream.indirect_vreg.gather [hbm4b:s5+s3], $0x80, v3, vm0, $0xb8;
	[tilespmem:$0x18400] =	vst v63  }
0x61c: {  	s11 =	simm.s32 $0x3C00  }
0x61d: {  	[tilespmem:s11], [sflag:$0x1] =	stream.indirect_vreg.gather [hbm4b:s6+s3], $0x80, v3, vm0, $0xb8;
	[tilespmem:$0x18400] =	vst v63  }
0x61e: {  	v3 =	vld [tilespmem:$0x3D0];
	_ =	sdelay $0x4  }
0x61f: {  	v61 =	vshll.u32 v3, $0x3  }
0x620: {  	v3 =	vand.u32 $0x7, v3;
	v4 =	vand.u32 $0xFFFFFFC0, v61  }
0x621: {  	v3 =	vor.u32 v3, v4  }
0x622: {  	v4 =	vperm.xlane v3, v0;
	_ =	sdelay $0x1  }
0x623: {  	v4 =	vadd.s32 v1, v4;
	_ =	sdelay $0x3  }
0x624: {  	s12 =	simm.s32 $0x4400  }
0x625: {  	[tilespmem:s12], [sflag:$0x1] =	stream.indirect_vreg.gather [hbm4b:s1+s3], $0x80, v4, vm0, $0xb8;
	[tilespmem:$0x18400] =	vst v63  }
0x626: {  	s13 =	simm.s32 $0x4C00;
	v3 =	vperm.xlane v3, v2  }
0x627: {  	[tilespmem:s13], [sflag:$0x1] =	stream.indirect_vreg.gather [hbm4b:s4+s3], $0x80, v4, vm0, $0xb8;
	[tilespmem:$0x18400] =	vst v63  }
0x628: {  	s15 =	simm.s32 $0x5400;
	v3 =	vadd.s32 v1, v3  }
0x629: {  	[tilespmem:s15], [sflag:$0x1] =	stream.indirect_vreg.gather [hbm4b:s5+s3], $0x80, v4, vm0, $0xb8;
	[tilespmem:$0x18400] =	vst v63  }
0x62a: {  	s18 =	simm.s32 $0x5C00  }
0x62b: {  	[tilespmem:s18], [sflag:$0x1] =	stream.indirect_vreg.gather [hbm4b:s6+s3], $0x80, v4, vm0, $0xb8;
	[tilespmem:$0x18400] =	vst v63  }
0x62c: {  	s24 =	simm.s32 $0x6400  }
0x62d: {  	[tilespmem:s24], [sflag:$0x1] =	stream.indirect_vreg.gather [hbm4b:s1+s3], $0x80, v3, vm0, $0xb8;
	[tilespmem:$0x18400] =	vst v63  }
0x62e: {  	s25 =	simm.s32 $0x6C00  }
0x62f: {  	[tilespmem:s25], [sflag:$0x1] =	stream.indirect_vreg.gather [hbm4b:s4+s3], $0x80, v3, vm0, $0xb8;
	[tilespmem:$0x18400] =	vst v63  }
0x630: {  	s30 =	simm.s32 $0x7400  }
0x631: {  	[tilespmem:s30], [sflag:$0x1] =	stream.indirect_vreg.gather [hbm4b:s5+s3], $0x80, v3, vm0, $0xb8;
	[tilespmem:$0x18400] =	vst v63  }
0x632: {  	s31 =	simm.s32 $0x7C00  }
0x633: {  	[tilespmem:s31], [sflag:$0x1] =	stream.indirect_vreg.gather [hbm4b:s6+s3], $0x80, v3, vm0, $0xb8;
	[tilespmem:$0x18400] =	vst v63  }
0x634: {  	_ =	swait.ge [sflag:s21], $0x8000  }
0x635: {  	s2 =	sld [smem:$0x7FB]  }
0x636: {  	[sflag:s21] =	ssyncset.done $0x0  }
0x637: {  	[sflag:s21] =	ssyncadd.s32 $0xFFFF8000  }
0x638: {  	[hbm4b:s2+s3] =	stream.linear.scatter [tilespmem:s0], [sflag:$0x6], $0x8000, $0x38;
	[tilespmem:$0x18400] =	vst v63  }
0x639: {  	_ =	swait.ge [sflag:s22], $0x8000  }
0x63a: {  	[sflag:s22] =	ssyncset.done $0x0  }
0x63b: {  	[sflag:s22] =	ssyncadd.s32 $0xFFFF8000  }
0x63c: {  	v3 =	vld [tilespmem:$0x3E0];
	_ =	sdelay $0x4  }
0x63d: {  	v62 =	vshll.u32 v3, $0x3  }
0x63e: {  	v3 =	vand.u32 $0x7, v3;
	v4 =	vand.u32 $0xFFFFFFC0, v62  }
0x63f: {  	v3 =	vor.u32 v3, v4  }
0x640: {  	v4 =	vperm.xlane v3, v0;
	_ =	sdelay $0x1  }
0x641: {  	v4 =	vadd.s32 v1, v4;
	_ =	sdelay $0x4  }
0x642: {  	[tilespmem:s29], [sflag:$0x2] =	stream.indirect_vreg.gather [hbm4b:s1+s3], $0x80, v4, vm0, $0xb8;
	[tilespmem:$0x18400] =	vst v63  }
0x643: {  	s26 =	simm.s32 $0x8C00;
	v3 =	vperm.xlane v3, v2  }
0x644: {  	[tilespmem:s26], [sflag:$0x2] =	stream.indirect_vreg.gather [hbm4b:s4+s3], $0x80, v4, vm0, $0xb8;
	[tilespmem:$0x18400] =	vst v63  }
0x645: {  	s7 =	simm.s32 $0x9400;
	v3 =	vadd.s32 v1, v3  }
0x646: {  	[tilespmem:s7], [sflag:$0x2] =	stream.indirect_vreg.gather [hbm4b:s5+s3], $0x80, v4, vm0, $0xb8;
	[tilespmem:$0x18400] =	vst v63  }
0x647: {  	s9 =	simm.s32 $0x9C00  }
0x648: {  	[tilespmem:s9], [sflag:$0x2] =	stream.indirect_vreg.gather [hbm4b:s6+s3], $0x80, v4, vm0, $0xb8;
	[tilespmem:$0x18400] =	vst v63  }
0x649: {  	s11 =	simm.s32 $0xA400  }
0x64a: {  	[tilespmem:s11], [sflag:$0x2] =	stream.indirect_vreg.gather [hbm4b:s1+s3], $0x80, v3, vm0, $0xb8;
	[tilespmem:$0x18400] =	vst v63  }
0x64b: {  	s12 =	simm.s32 $0xAC00  }
0x64c: {  	[tilespmem:s12], [sflag:$0x2] =	stream.indirect_vreg.gather [hbm4b:s4+s3], $0x80, v3, vm0, $0xb8;
	[tilespmem:$0x18400] =	vst v63  }
0x64d: {  	s13 =	simm.s32 $0xB400  }
0x64e: {  	[tilespmem:s13], [sflag:$0x2] =	stream.indirect_vreg.gather [hbm4b:s5+s3], $0x80, v3, vm0, $0xb8;
	[tilespmem:$0x18400] =	vst v63  }
0x64f: {  	s28 =	simm.s32 $0xBC00  }
0x650: {  	[tilespmem:s28], [sflag:$0x2] =	stream.indirect_vreg.gather [hbm4b:s6+s3], $0x80, v3, vm0, $0xb8;
	[tilespmem:$0x18400] =	vst v63  }
0x651: {  	v3 =	vld [tilespmem:$0x3F0];
	_ =	sdelay $0x4  }
0x652: {  	v63 =	vshll.u32 v3, $0x3  }
0x653: {  	v3 =	vand.u32 $0x7, v3;
	v4 =	vand.u32 $0xFFFFFFC0, v63  }
0x654: {  	v3 =	vor.u32 v3, v4  }
0x655: {  	v4 =	vperm.xlane v3, v0;
	_ =	sdelay $0x1  }
0x656: {  	v4 =	vadd.s32 v1, v4;
	_ =	sdelay $0x3  }
0x657: {  	s15 =	simm.s32 $0xC400  }
0x658: {  	[tilespmem:s15], [sflag:$0x2] =	stream.indirect_vreg.gather [hbm4b:s1+s3], $0x80, v4, vm0, $0xb8;
	[tilespmem:$0x18400] =	vst v63  }
0x659: {  	s14 =	simm.s32 $0xCC00;
	v3 =	vperm.xlane v3, v2  }
0x65a: {  	[tilespmem:s14], [sflag:$0x2] =	stream.indirect_vreg.gather [hbm4b:s4+s3], $0x80, v4, vm0, $0xb8;
	[tilespmem:$0x18400] =	vst v63  }
0x65b: {  	s18 =	simm.s32 $0xD400;
	v3 =	vadd.s32 v1, v3  }
0x65c: {  	[tilespmem:s18], [sflag:$0x2] =	stream.indirect_vreg.gather [hbm4b:s5+s3], $0x80, v4, vm0, $0xb8;
	[tilespmem:$0x18400] =	vst v63  }
0x65d: {  	s24 =	simm.s32 $0xDC00  }
0x65e: {  	[tilespmem:s24], [sflag:$0x2] =	stream.indirect_vreg.gather [hbm4b:s6+s3], $0x80, v4, vm0, $0xb8;
	[tilespmem:$0x18400] =	vst v63  }
0x65f: {  	s25 =	simm.s32 $0xE400  }
0x660: {  	[tilespmem:s25], [sflag:$0x2] =	stream.indirect_vreg.gather [hbm4b:s1+s3], $0x80, v3, vm0, $0xb8;
	[tilespmem:$0x18400] =	vst v63  }
0x661: {  	s26 =	simm.s32 $0xEC00  }
0x662: {  	[tilespmem:s26], [sflag:$0x2] =	stream.indirect_vreg.gather [hbm4b:s4+s3], $0x80, v3, vm0, $0xb8;
	[tilespmem:$0x18400] =	vst v63  }
0x663: {  	s28 =	simm.s32 $0xF400  }
0x664: {  	[tilespmem:s28], [sflag:$0x2] =	stream.indirect_vreg.gather [hbm4b:s5+s3], $0x80, v3, vm0, $0xb8;
	[tilespmem:$0x18400] =	vst v63  }
0x665: {  	s16 =	simm.s32 $0xFC00  }
0x666: {  	[tilespmem:s16], [sflag:$0x2] =	stream.indirect_vreg.gather [hbm4b:s6+s3], $0x80, v3, vm0, $0xb8;
	[tilespmem:$0x18400] =	vst v63  }
0x667: {  	s10 =	sld [smem:$0x7F8];
	_ =	swait.ge [sflag:s17], $0x8000  }
0x668: {  	s30 =	sld [smem:$0x7FC]  }
0x669: {  	[sflag:s17] =	ssyncset.done $0x0  }
0x66a: {  	[sflag:s17] =	ssyncadd.s32 $0xFFFF8000  }
0x66b: {  	[hbm4b:s30+s3] =	stream.linear.scatter [tilespmem:s8], [sflag:$0x4], $0x8000, $0x38;
	[tilespmem:$0x18400] =	vst v63  }
0x66c: {  	_ =	swait.ge [sflag:s19], $0x8000  }
0x66d: {  	s31 =	sld [smem:$0x7FD]  }
0x66e: {  	[sflag:s19] =	ssyncset.done $0x0  }
0x66f: {  	[sflag:s19] =	ssyncadd.s32 $0xFFFF8000  }
0x670: {  	[hbm4b:s31+s3] =	stream.linear.scatter [tilespmem:s29], [sflag:$0x5], $0x8000, $0x38;
	[tilespmem:$0x18400] =	vst v63  }
0x671: {  	_ =	swait.ge [sflag:s20], $0x8000  }
0x672: {  	[sflag:s20] =	ssyncset.done $0x0  }
0x673: {  	[sflag:s20] =	ssyncadd.s32 $0xFFFF8000  }
0x674: {  	p0 =	sne.s32 s10, $0x1;
	_ =	swait.ge [sflag:s22], $0x8000  }
.Ltmp0:
0x675: {  	[sflag:s22] =	ssyncset.done $0x0;
	(pc) =	sbr.rel @p0 .LBB2_1-.Ltmp0, $4  }
0x676: {  	[sflag:s22] =	ssyncadd.s32 $0xFFFF8000  }
0x677: {  	_ =	swait.ge [sflag:s23], $0x8000  }
0x678: {  	[sflag:s23] =	ssyncset.done $0x0  }
0x679: {  	s0 =	sadd.s32 $0xFFFFFFFF, s10;
	[sflag:s23] =	ssyncadd.s32 $0xFFFF8000  }
0x67a: {  	_ =	sfence.sel $0x180000  }
0x67b: {  	[bflag:$0x0] =	sbarrier.arrive $0xFFFF  }
0x67c: {  	_ =	strace $0x90000047  }
0x67d: {  	s0 =	stileid.u32;
	[bflag:$0x2] =	sbarrier.arrive $0xFFFF  }
0x67e: {  	p0 =	sne.s32 s0, $0x0;
	s0 =	rddreg [dreg:$0x3]  }
0x67f: {  	s0 =	sadd.s32 @!p0 $0x100000, s0  }
0x680: {  	[sflag:s0] =	ssyncadd.tile.s32 @!p0 $0x1;
	_ =	shalt  }
.Lfunc_end2:
_tile_overlayer_lowered:
.L_overlay_start_2:
0x681: {  	(tag) =	ssettag $0x2  }
0x682: {  	s0 =	rddreg [dreg:$0x0];
	s2 =	stileid.u32  }
0x683: {  	s1 =	rddreg [dreg:$0x1];
	p0 =	sne.s32 s2, $0x0  }
0x684: {  	s3 =	rddreg [dreg:$0x2];
	[bflag:$0x3] =	sbarrier.arrive $0xFFFF;
	s2 =	simm.s32 @!p0 $0x1C07  }
0x685: {  	[timem:s3], [sflag:s2] =	dma.local @!p0 [hbm:s0], s1  }
0x686: {  	s0 =	simm.s32 @!p0 $0x7  }
0x687: {  	_ =	swait.ge @!p0 [sflag:s0], s1  }
0x688: {  	s1 =	ssub.s32 @!p0 $0x0, s1;
	[sflag:s0] =	ssyncset.done @!p0 $0x0  }
0x689: {  	[sflag:s0] =	ssyncadd.s32 @!p0 s1  }
0x68a: {  	[bflag:$0x3] =	sbarrier.arrive $0xFFFF  }
0x68b: {  	_ =	shalt  }

</sc_bundles>
